<compile_context>
chip_gen: v7x
topology: tpu7x:2x2x1
jax: 0.10.2.dev20260603
libtpu: 0.0.44.dev20260713+nightly
codegen_flags: <defaults>
</compile_context>

<pallas_src>
import functools

import jax
import jax.numpy as jnp
from jax import lax
from jax.experimental import pallas as pl
from jax.experimental.pallas import tpu as pltpu
from jax.experimental.pallas import tpu_sc as plsc


def kernel(inputs, table):
    B, S = inputs.shape
    V, D = table.shape
    idx_p = jnp.pad(inputs, ((0, 0), (0, 256 - S)))

    info = plsc.get_sparse_core_info()
    NC, NS = info.num_cores, info.num_subcores
    NW = NC * NS
    slabs_per_w = B // NW

    mesh = plsc.VectorSubcoreMesh(core_axis_name="c", subcore_axis_name="s")

    @functools.partial(
        pl.kernel,
        mesh=mesh,
        out_type=jax.ShapeDtypeStruct((B, S, D), jnp.float32),
        scratch_types=[
            pltpu.VMEM((slabs_per_w, 256), jnp.int32),
            pltpu.VMEM((2, S, D), jnp.float32),
            pltpu.SemaphoreType.DMA((2,)),
            pltpu.SemaphoreType.DMA((2,)),
        ],
    )
    def gather_kernel(idx_hbm, table_hbm, out_hbm, idx_v, rows_c,
                      sem_g, sem_w):
        wid = lax.axis_index("s") * NC + lax.axis_index("c")
        slab0 = wid * slabs_per_w

        pltpu.sync_copy(idx_hbm.at[pl.ds(slab0, slabs_per_w), :], idx_v)

        def fire_rows(i, q):
            def grp(g, carry):
                vec = idx_v[i, pl.ds(g * 16, 16)]
                for k in range(16):
                    pltpu.async_copy(
                        table_hbm.at[vec[k]],
                        rows_c.at[q, g * 16 + k],
                        sem_g.at[q],
                    )
                return carry

            lax.fori_loop(0, S // 16, grp, 0)
            vec = idx_v[i, pl.ds((S // 16) * 16, 16)]
            for k in range(S - (S // 16) * 16):
                pltpu.async_copy(
                    table_hbm.at[vec[k]],
                    rows_c.at[q, (S // 16) * 16 + k],
                    sem_g.at[q],
                )

        def drain_rows(q):
            def row(j, carry):
                pltpu.make_async_copy(
                    table_hbm.at[0], rows_c.at[q, 0], sem_g.at[q]
                ).wait()
                return carry

            lax.fori_loop(0, S, row, 0)

        def wait_write(q):
            pltpu.make_async_copy(
                rows_c.at[q], out_hbm.at[slab0], sem_w.at[q]
            ).wait()

        fire_rows(0, 0)

        def body(g, carry):
            for p in (0, 1):
                i = 2 * g + p
                np_ = 1 - p

                @pl.when(i >= 1)
                def _():
                    wait_write(np_)

                @pl.when(i + 1 < slabs_per_w)
                def _():
                    fire_rows(i + 1, np_)

                drain_rows(p)
                pltpu.async_copy(
                    rows_c.at[p], out_hbm.at[slab0 + i], sem_w.at[p]
                )
            return carry

        lax.fori_loop(0, slabs_per_w // 2, body, 0)
        wait_write(1)

    return gather_kernel(idx_p, table)

# --- scband reference (transcript-rebuilt; emitter-appended) ---
"""Pipeline reference for scband-token-embedding-12996571038518 (READ-ONLY COPY).

The authoritative reference and input builder live on the scoring server;
editing this copy changes nothing except your own understanding.
"""

import jax, jax.numpy as jnp
import numpy as np

VOCAB = 1000000
EMBED = 64
BATCH = 4096
SEQ = 200

def setup_inputs(seed: int = 0) -> dict:
    key = jax.random.key(seed)
    k_idx, k_tab = jax.random.split(key)
    inputs = jax.random.randint(k_idx, (BATCH, SEQ), 0, VOCAB, dtype=jnp.int64 if jax.config.jax_enable_x64 else jnp.int32)
    table = jax.random.normal(k_tab, (VOCAB, EMBED), dtype=jnp.float32) * 0.05
    return {"inputs": inputs, "table": table}

def reference(inputs, table):
    # token embedding: gather rows from table
    return jnp.take(table, inputs, axis=0)

if __name__ == "__main__":
    import jax
    _d = setup_inputs()
    print(jax.jit(kernel)(*tuple(_d.values())))

</pallas_src>

<mosaic_0001>
#map = affine_map<(d0, d1) -> (0, 0)>
#map1 = affine_map<(d0, d1) -> (0, 0, 0)>
module attributes {stable_mosaic.version = 14 : i64} {
  func.func @gather_kernel(%arg0: i32, %arg1: i32, %arg2: memref<4096x256xi32, #tpu.memory_space<hbm>>, %arg3: memref<1000000x64xf32, #tpu.memory_space<hbm>>, %arg4: memref<4096x200x64xf32, #tpu.memory_space<hbm>>, %arg5: memref<128x256xi32, #tpu.memory_space<vmem>>, %arg6: memref<2x200x64xf32, #tpu.memory_space<vmem>>, %arg7: memref<2x!tpu.dma_semaphore, #tpu.memory_space<semaphore_mem>>, %arg8: memref<2x!tpu.dma_semaphore, #tpu.memory_space<semaphore_mem>>) attributes {dimension_semantics = [#tpu.dimension_semantics<core_parallel>, #tpu.dimension_semantics<subcore_parallel>], iteration_bounds = array<i64: 2, 16>, scalar_prefetch = 0 : i64, scratch_operands = 4 : i64, tpu.core_type = #tpu.core_type<sc_vector_subcore>, window_params = [{transform_indices = #map}, {transform_indices = #map}, {transform_indices = #map1}]} {
    %mul3A = arith.constant 2 : i32
    %mul3A_0 = arith.muli %arg1, %mul3A : i32
    %add3A = arith.addi %mul3A_0, %arg0 : i32
    %mul3A_1 = arith.constant 128 : i32
    %mul3A_2 = arith.muli %add3A, %mul3A_1 : i32
    "tpu.region"() ({
      %run_scoped3A = tpu.sem_alloc : memref<!tpu.dma_semaphore, #tpu.memory_space<semaphore_mem>>
      %dma_start3A_186 = arith.constant 0 : i32
      %dma_start3A_187 = tpu.memref_slice %arg2[%mul3A_2, %dma_start3A_186] : memref<4096x256xi32, #tpu.memory_space<hbm>> -> memref<128x256xi32, #tpu.memory_space<hbm>>
      %dma_start3A_188 = arith.constant 0 : i32
      %dma_start3A_189 = tpu.memref_slice %arg2[%mul3A_2, %dma_start3A_188] : memref<4096x256xi32, #tpu.memory_space<hbm>> -> memref<128x256xi32, #tpu.memory_space<hbm>>
      tpu.enqueue_dma source(%dma_start3A_189 : memref<128x256xi32, #tpu.memory_space<hbm>>) target(%arg5 : memref<128x256xi32, #tpu.memory_space<vmem>>) target_semaphore(%run_scoped3A : memref<!tpu.dma_semaphore, #tpu.memory_space<semaphore_mem>>)
      %dma_wait3A_190 = arith.constant 0 : i32
      %dma_wait3A_191 = tpu.memref_slice %arg2[%mul3A_2, %dma_wait3A_190] : memref<4096x256xi32, #tpu.memory_space<hbm>> -> memref<128x256xi32, #tpu.memory_space<hbm>>
      %dma_wait3A_192 = arith.constant 0 : i32
      %dma_wait3A_193 = tpu.memref_slice %arg2[%mul3A_2, %dma_wait3A_192] : memref<4096x256xi32, #tpu.memory_space<hbm>> -> memref<128x256xi32, #tpu.memory_space<hbm>>
      tpu.wait_dma2 semaphore(%run_scoped3A : memref<!tpu.dma_semaphore, #tpu.memory_space<semaphore_mem>>) src(%dma_wait3A_193 : memref<128x256xi32, #tpu.memory_space<hbm>>) dst(%arg5 : memref<128x256xi32, #tpu.memory_space<vmem>>)
      tpu.yield
    }) : () -> ()
    %scan3A = arith.constant 0 : i32
    %scan3A_3 = arith.constant 0 : i32
    %scan3A_4 = arith.constant 12 : i32
    %scan3A_5 = arith.addi %scan3A_3, %scan3A_4 : i32
    %scan3A_6 = arith.constant 1 : i32
    scf.for %scan3A_186 = %scan3A_3 to %scan3A_5 step %scan3A_6  : i32 {
      %mul3A_187 = arith.constant 16 : i32
      %mul3A_188 = arith.muli %scan3A_186, %mul3A_187 : i32
      %get3A_189 = arith.constant 0 : i32
      %get3A_190 = arith.index_cast %get3A_189 : i32 to index
      %get3A_191 = arith.index_cast %mul3A_188 : i32 to index
      %get3A_192 = tpu.vector_load %arg5[%get3A_190, %get3A_191] {strides = array<i32>} : memref<128x256xi32, #tpu.memory_space<vmem>>, vector<1x16xi32>,
      %get3A_193 = vector.shape_cast %get3A_192 : vector<1x16xi32> to vector<16xi32>
      %slice3A_194 = vector.extract_strided_slice %get3A_193 {offsets = [0], sizes = [1], strides = [1]} : vector<16xi32> to vector<1xi32>
      %squeeze3A_195 = vector.extract %slice3A_194[0] : i32 from vector<1xi32>
      %mul3A_196 = arith.constant 16 : i32
      %mul3A_197 = arith.muli %scan3A_186, %mul3A_196 : i32
      %add3A_198 = arith.constant 0 : i32
      %add3A_199 = arith.addi %mul3A_197, %add3A_198 : i32
      %dma_start3A_200 = arith.constant 0 : i32
      %dma_start3A_201 = arith.constant 0 : i32
      %dma_start3A_202 = arith.constant 0 : i32
      %dma_start3A_203 = tpu.memref_slice %arg6[%dma_start3A_200, %add3A_199, %dma_start3A_202] : memref<2x200x64xf32, #tpu.memory_space<vmem>> -> memref<1x1x64xf32, #tpu.memory_space<vmem>>
      %dma_start3A_204 = tpu.memref_squeeze %dma_start3A_203 : memref<1x1x64xf32, #tpu.memory_space<vmem>> -> memref<64xf32, #tpu.memory_space<vmem>>
      %dma_start3A_205 = arith.constant 0 : i32
      %dma_start3A_206 = tpu.memref_slice %arg3[%squeeze3A_195, %dma_start3A_205] : memref<1000000x64xf32, #tpu.memory_space<hbm>> -> memref<1x64xf32, #tpu.memory_space<hbm>>
      %dma_start3A_207 = tpu.memref_squeeze %dma_start3A_206 : memref<1x64xf32, #tpu.memory_space<hbm>> -> memref<64xf32, #tpu.memory_space<hbm>>
      %dma_start3A_208 = tpu.memref_slice %arg7[%dma_start3A_201] : memref<2x!tpu.dma_semaphore, #tpu.memory_space<semaphore_mem>> -> memref<1x!tpu.dma_semaphore, #tpu.memory_space<semaphore_mem>>
      %dma_start3A_209 = tpu.memref_squeeze %dma_start3A_208 : memref<1x!tpu.dma_semaphore, #tpu.memory_space<semaphore_mem>> -> memref<!tpu.dma_semaphore, #tpu.memory_space<semaphore_mem>>
      %dma_start3A_210 = arith.constant 0 : i32
      %dma_start3A_211 = tpu.memref_slice %arg6[%dma_start3A_200, %add3A_199, %dma_start3A_210] : memref<2x200x64xf32, #tpu.memory_space<vmem>> -> memref<1x1x64xf32, #tpu.memory_space<vmem>>
      %dma_start3A_212 = tpu.memref_squeeze %dma_start3A_211 : memref<1x1x64xf32, #tpu.memory_space<vmem>> -> memref<64xf32, #tpu.memory_space<vmem>>
      %dma_start3A_213 = arith.constant 0 : i32
      %dma_start3A_214 = tpu.memref_slice %arg3[%squeeze3A_195, %dma_start3A_213] : memref<1000000x64xf32, #tpu.memory_space<hbm>> -> memref<1x64xf32, #tpu.memory_space<hbm>>
      %dma_start3A_215 = tpu.memref_squeeze %dma_start3A_214 : memref<1x64xf32, #tpu.memory_space<hbm>> -> memref<64xf32, #tpu.memory_space<hbm>>
      tpu.enqueue_dma source(%dma_start3A_215 : memref<64xf32, #tpu.memory_space<hbm>>) target(%dma_start3A_212 : memref<64xf32, #tpu.memory_space<vmem>>) target_semaphore(%dma_start3A_209 : memref<!tpu.dma_semaphore, #tpu.memory_space<semaphore_mem>>)
      %slice3A_216 = vector.extract_strided_slice %get3A_193 {offsets = [1], sizes = [1], strides = [1]} : vector<16xi32> to vector<1xi32>
      %squeeze3A_217 = vector.extract %slice3A_216[0] : i32 from vector<1xi32>
      %mul3A_218 = arith.constant 16 : i32
      %mul3A_219 = arith.muli %scan3A_186, %mul3A_218 : i32
      %add3A_220 = arith.constant 1 : i32
      %add3A_221 = arith.addi %mul3A_219, %add3A_220 : i32
      %dma_start3A_222 = arith.constant 0 : i32
      %dma_start3A_223 = arith.constant 0 : i32
      %dma_start3A_224 = arith.constant 0 : i32
      %dma_start3A_225 = tpu.memref_slice %arg6[%dma_start3A_222, %add3A_221, %dma_start3A_224] : memref<2x200x64xf32, #tpu.memory_space<vmem>> -> memref<1x1x64xf32, #tpu.memory_space<vmem>>
      %dma_start3A_226 = tpu.memref_squeeze %dma_start3A_225 : memref<1x1x64xf32, #tpu.memory_space<vmem>> -> memref<64xf32, #tpu.memory_space<vmem>>
      %dma_start3A_227 = arith.constant 0 : i32
      %dma_start3A_228 = tpu.memref_slice %arg3[%squeeze3A_217, %dma_start3A_227] : memref<1000000x64xf32, #tpu.memory_space<hbm>> -> memref<1x64xf32, #tpu.memory_space<hbm>>
      %dma_start3A_229 = tpu.memref_squeeze %dma_start3A_228 : memref<1x64xf32, #tpu.memory_space<hbm>> -> memref<64xf32, #tpu.memory_space<hbm>>
      %dma_start3A_230 = tpu.memref_slice %arg7[%dma_start3A_223] : memref<2x!tpu.dma_semaphore, #tpu.memory_space<semaphore_mem>> -> memref<1x!tpu.dma_semaphore, #tpu.memory_space<semaphore_mem>>
      %dma_start3A_231 = tpu.memref_squeeze %dma_start3A_230 : memref<1x!tpu.dma_semaphore, #tpu.memory_space<semaphore_mem>> -> memref<!tpu.dma_semaphore, #tpu.memory_space<semaphore_mem>>
      %dma_start3A_232 = arith.constant 0 : i32
      %dma_start3A_233 = tpu.memref_slice %arg6[%dma_start3A_222, %add3A_221, %dma_start3A_232] : memref<2x200x64xf32, #tpu.memory_space<vmem>> -> memref<1x1x64xf32, #tpu.memory_space<vmem>>
      %dma_start3A_234 = tpu.memref_squeeze %dma_start3A_233 : memref<1x1x64xf32, #tpu.memory_space<vmem>> -> memref<64xf32, #tpu.memory_space<vmem>>
      %dma_start3A_235 = arith.constant 0 : i32
      %dma_start3A_236 = tpu.memref_slice %arg3[%squeeze3A_217, %dma_start3A_235] : memref<1000000x64xf32, #tpu.memory_space<hbm>> -> memref<1x64xf32, #tpu.memory_space<hbm>>
      %dma_start3A_237 = tpu.memref_squeeze %dma_start3A_236 : memref<1x64xf32, #tpu.memory_space<hbm>> -> memref<64xf32, #tpu.memory_space<hbm>>
      tpu.enqueue_dma source(%dma_start3A_237 : memref<64xf32, #tpu.memory_space<hbm>>) target(%dma_start3A_234 : memref<64xf32, #tpu.memory_space<vmem>>) target_semaphore(%dma_start3A_231 : memref<!tpu.dma_semaphore, #tpu.memory_space<semaphore_mem>>)
      %slice3A_238 = vector.extract_strided_slice %get3A_193 {offsets = [2], sizes = [1], strides = [1]} : vector<16xi32> to vector<1xi32>
      %squeeze3A_239 = vector.extract %slice3A_238[0] : i32 from vector<1xi32>
      %mul3A_240 = arith.constant 16 : i32
      %mul3A_241 = arith.muli %scan3A_186, %mul3A_240 : i32
      %add3A_242 = arith.constant 2 : i32
      %add3A_243 = arith.addi %mul3A_241, %add3A_242 : i32
      %dma_start3A_244 = arith.constant 0 : i32
      %dma_start3A_245 = arith.constant 0 : i32
      %dma_start3A_246 = arith.constant 0 : i32
      %dma_start3A_247 = tpu.memref_slice %arg6[%dma_start3A_244, %add3A_243, %dma_start3A_246] : memref<2x200x64xf32, #tpu.memory_space<vmem>> -> memref<1x1x64xf32, #tpu.memory_space<vmem>>
      %dma_start3A_248 = tpu.memref_squeeze %dma_start3A_247 : memref<1x1x64xf32, #tpu.memory_space<vmem>> -> memref<64xf32, #tpu.memory_space<vmem>>
      %dma_start3A_249 = arith.constant 0 : i32
      %dma_start3A_250 = tpu.memref_slice %arg3[%squeeze3A_239, %dma_start3A_249] : memref<1000000x64xf32, #tpu.memory_space<hbm>> -> memref<1x64xf32, #tpu.memory_space<hbm>>
      %dma_start3A_251 = tpu.memref_squeeze %dma_start3A_250 : memref<1x64xf32, #tpu.memory_space<hbm>> -> memref<64xf32, #tpu.memory_space<hbm>>
      %dma_start3A_252 = tpu.memref_slice %arg7[%dma_start3A_245] : memref<2x!tpu.dma_semaphore, #tpu.memory_space<semaphore_mem>> -> memref<1x!tpu.dma_semaphore, #tpu.memory_space<semaphore_mem>>
      %dma_start3A_253 = tpu.memref_squeeze %dma_start3A_252 : memref<1x!tpu.dma_semaphore, #tpu.memory_space<semaphore_mem>> -> memref<!tpu.dma_semaphore, #tpu.memory_space<semaphore_mem>>
      %dma_start3A_254 = arith.constant 0 : i32
      %dma_start3A_255 = tpu.memref_slice %arg6[%dma_start3A_244, %add3A_243, %dma_start3A_254] : memref<2x200x64xf32, #tpu.memory_space<vmem>> -> memref<1x1x64xf32, #tpu.memory_space<vmem>>
      %dma_start3A_256 = tpu.memref_squeeze %dma_start3A_255 : memref<1x1x64xf32, #tpu.memory_space<vmem>> -> memref<64xf32, #tpu.memory_space<vmem>>
      %dma_start3A_257 = arith.constant 0 : i32
      %dma_start3A_258 = tpu.memref_slice %arg3[%squeeze3A_239, %dma_start3A_257] : memref<1000000x64xf32, #tpu.memory_space<hbm>> -> memref<1x64xf32, #tpu.memory_space<hbm>>
      %dma_start3A_259 = tpu.memref_squeeze %dma_start3A_258 : memref<1x64xf32, #tpu.memory_space<hbm>> -> memref<64xf32, #tpu.memory_space<hbm>>
      tpu.enqueue_dma source(%dma_start3A_259 : memref<64xf32, #tpu.memory_space<hbm>>) target(%dma_start3A_256 : memref<64xf32, #tpu.memory_space<vmem>>) target_semaphore(%dma_start3A_253 : memref<!tpu.dma_semaphore, #tpu.memory_space<semaphore_mem>>)
      %slice3A_260 = vector.extract_strided_slice %get3A_193 {offsets = [3], sizes = [1], strides = [1]} : vector<16xi32> to vector<1xi32>
      %squeeze3A_261 = vector.extract %slice3A_260[0] : i32 from vector<1xi32>
      %mul3A_262 = arith.constant 16 : i32
      %mul3A_263 = arith.muli %scan3A_186, %mul3A_262 : i32
      %add3A_264 = arith.constant 3 : i32
      %add3A_265 = arith.addi %mul3A_263, %add3A_264 : i32
      %dma_start3A_266 = arith.constant 0 : i32
      %dma_start3A_267 = arith.constant 0 : i32
      %dma_start3A_268 = arith.constant 0 : i32
      %dma_start3A_269 = tpu.memref_slice %arg6[%dma_start3A_266, %add3A_265, %dma_start3A_268] : memref<2x200x64xf32, #tpu.memory_space<vmem>> -> memref<1x1x64xf32, #tpu.memory_space<vmem>>
      %dma_start3A_270 = tpu.memref_squeeze %dma_start3A_269 : memref<1x1x64xf32, #tpu.memory_space<vmem>> -> memref<64xf32, #tpu.memory_space<vmem>>
      %dma_start3A_271 = arith.constant 0 : i32
      %dma_start3A_272 = tpu.memref_slice %arg3[%squeeze3A_261, %dma_start3A_271] : memref<1000000x64xf32, #tpu.memory_space<hbm>> -> memref<1x64xf32, #tpu.memory_space<hbm>>
      %dma_start3A_273 = tpu.memref_squeeze %dma_start3A_272 : memref<1x64xf32, #tpu.memory_space<hbm>> -> memref<64xf32, #tpu.memory_space<hbm>>
      %dma_start3A_274 = tpu.memref_slice %arg7[%dma_start3A_267] : memref<2x!tpu.dma_semaphore, #tpu.memory_space<semaphore_mem>> -> memref<1x!tpu.dma_semaphore, #tpu.memory_space<semaphore_mem>>
      %dma_start3A_275 = tpu.memref_squeeze %dma_start3A_274 : memref<1x!tpu.dma_semaphore, #tpu.memory_space<semaphore_mem>> -> memref<!tpu.dma_semaphore, #tpu.memory_space<semaphore_mem>>
      %dma_start3A_276 = arith.constant 0 : i32
      %dma_start3A_277 = tpu.memref_slice %arg6[%dma_start3A_266, %add3A_265, %dma_start3A_276] : memref<2x200x64xf32, #tpu.memory_space<vmem>> -> memref<1x1x64xf32, #tpu.memory_space<vmem>>
      %dma_start3A_278 = tpu.memref_squeeze %dma_start3A_277 : memref<1x1x64xf32, #tpu.memory_space<vmem>> -> memref<64xf32, #tpu.memory_space<vmem>>
      %dma_start3A_279 = arith.constant 0 : i32
      %dma_start3A_280 = tpu.memref_slice %arg3[%squeeze3A_261, %dma_start3A_279] : memref<1000000x64xf32, #tpu.memory_space<hbm>> -> memref<1x64xf32, #tpu.memory_space<hbm>>
      %dma_start3A_281 = tpu.memref_squeeze %dma_start3A_280 : memref<1x64xf32, #tpu.memory_space<hbm>> -> memref<64xf32, #tpu.memory_space<hbm>>
      tpu.enqueue_dma source(%dma_start3A_281 : memref<64xf32, #tpu.memory_space<hbm>>) target(%dma_start3A_278 : memref<64xf32, #tpu.memory_space<vmem>>) target_semaphore(%dma_start3A_275 : memref<!tpu.dma_semaphore, #tpu.memory_space<semaphore_mem>>)
      %slice3A_282 = vector.extract_strided_slice %get3A_193 {offsets = [4], sizes = [1], strides = [1]} : vector<16xi32> to vector<1xi32>
      %squeeze3A_283 = vector.extract %slice3A_282[0] : i32 from vector<1xi32>
      %mul3A_284 = arith.constant 16 : i32
      %mul3A_285 = arith.muli %scan3A_186, %mul3A_284 : i32
      %add3A_286 = arith.constant 4 : i32
      %add3A_287 = arith.addi %mul3A_285, %add3A_286 : i32
      %dma_start3A_288 = arith.constant 0 : i32
      %dma_start3A_289 = arith.constant 0 : i32
      %dma_start3A_290 = arith.constant 0 : i32
      %dma_start3A_291 = tpu.memref_slice %arg6[%dma_start3A_288, %add3A_287, %dma_start3A_290] : memref<2x200x64xf32, #tpu.memory_space<vmem>> -> memref<1x1x64xf32, #tpu.memory_space<vmem>>
      %dma_start3A_292 = tpu.memref_squeeze %dma_start3A_291 : memref<1x1x64xf32, #tpu.memory_space<vmem>> -> memref<64xf32, #tpu.memory_space<vmem>>
      %dma_start3A_293 = arith.constant 0 : i32
      %dma_start3A_294 = tpu.memref_slice %arg3[%squeeze3A_283, %dma_start3A_293] : memref<1000000x64xf32, #tpu.memory_space<hbm>> -> memref<1x64xf32, #tpu.memory_space<hbm>>
      %dma_start3A_295 = tpu.memref_squeeze %dma_start3A_294 : memref<1x64xf32, #tpu.memory_space<hbm>> -> memref<64xf32, #tpu.memory_space<hbm>>
      %dma_start3A_296 = tpu.memref_slice %arg7[%dma_start3A_289] : memref<2x!tpu.dma_semaphore, #tpu.memory_space<semaphore_mem>> -> memref<1x!tpu.dma_semaphore, #tpu.memory_space<semaphore_mem>>
      %dma_start3A_297 = tpu.memref_squeeze %dma_start3A_296 : memref<1x!tpu.dma_semaphore, #tpu.memory_space<semaphore_mem>> -> memref<!tpu.dma_semaphore, #tpu.memory_space<semaphore_mem>>
      %dma_start3A_298 = arith.constant 0 : i32
      %dma_start3A_299 = tpu.memref_slice %arg6[%dma_start3A_288, %add3A_287, %dma_start3A_298] : memref<2x200x64xf32, #tpu.memory_space<vmem>> -> memref<1x1x64xf32, #tpu.memory_space<vmem>>
      %dma_start3A_300 = tpu.memref_squeeze %dma_start3A_299 : memref<1x1x64xf32, #tpu.memory_space<vmem>> -> memref<64xf32, #tpu.memory_space<vmem>>
      %dma_start3A_301 = arith.constant 0 : i32
      %dma_start3A_302 = tpu.memref_slice %arg3[%squeeze3A_283, %dma_start3A_301] : memref<1000000x64xf32, #tpu.memory_space<hbm>> -> memref<1x64xf32, #tpu.memory_space<hbm>>
      %dma_start3A_303 = tpu.memref_squeeze %dma_start3A_302 : memref<1x64xf32, #tpu.memory_space<hbm>> -> memref<64xf32, #tpu.memory_space<hbm>>
      tpu.enqueue_dma source(%dma_start3A_303 : memref<64xf32, #tpu.memory_space<hbm>>) target(%dma_start3A_300 : memref<64xf32, #tpu.memory_space<vmem>>) target_semaphore(%dma_start3A_297 : memref<!tpu.dma_semaphore, #tpu.memory_space<semaphore_mem>>)
      %slice3A_304 = vector.extract_strided_slice %get3A_193 {offsets = [5], sizes = [1], strides = [1]} : vector<16xi32> to vector<1xi32>
      %squeeze3A_305 = vector.extract %slice3A_304[0] : i32 from vector<1xi32>
      %mul3A_306 = arith.constant 16 : i32
      %mul3A_307 = arith.muli %scan3A_186, %mul3A_306 : i32
      %add3A_308 = arith.constant 5 : i32
      %add3A_309 = arith.addi %mul3A_307, %add3A_308 : i32
      %dma_start3A_310 = arith.constant 0 : i32
      %dma_start3A_311 = arith.constant 0 : i32
      %dma_start3A_312 = arith.constant 0 : i32
      %dma_start3A_313 = tpu.memref_slice %arg6[%dma_start3A_310, %add3A_309, %dma_start3A_312] : memref<2x200x64xf32, #tpu.memory_space<vmem>> -> memref<1x1x64xf32, #tpu.memory_space<vmem>>
      %dma_start3A_314 = tpu.memref_squeeze %dma_start3A_313 : memref<1x1x64xf32, #tpu.memory_space<vmem>> -> memref<64xf32, #tpu.memory_space<vmem>>
      %dma_start3A_315 = arith.constant 0 : i32
      %dma_start3A_316 = tpu.memref_slice %arg3[%squeeze3A_305, %dma_start3A_315] : memref<1000000x64xf32, #tpu.memory_space<hbm>> -> memref<1x64xf32, #tpu.memory_space<hbm>>
      %dma_start3A_317 = tpu.memref_squeeze %dma_start3A_316 : memref<1x64xf32, #tpu.memory_space<hbm>> -> memref<64xf32, #tpu.memory_space<hbm>>
      %dma_start3A_318 = tpu.memref_slice %arg7[%dma_start3A_311] : memref<2x!tpu.dma_semaphore, #tpu.memory_space<semaphore_mem>> -> memref<1x!tpu.dma_semaphore, #tpu.memory_space<semaphore_mem>>
      %dma_start3A_319 = tpu.memref_squeeze %dma_start3A_318 : memref<1x!tpu.dma_semaphore, #tpu.memory_space<semaphore_mem>> -> memref<!tpu.dma_semaphore, #tpu.memory_space<semaphore_mem>>
      %dma_start3A_320 = arith.constant 0 : i32
      %dma_start3A_321 = tpu.memref_slice %arg6[%dma_start3A_310, %add3A_309, %dma_start3A_320] : memref<2x200x64xf32, #tpu.memory_space<vmem>> -> memref<1x1x64xf32, #tpu.memory_space<vmem>>
      %dma_start3A_322 = tpu.memref_squeeze %dma_start3A_321 : memref<1x1x64xf32, #tpu.memory_space<vmem>> -> memref<64xf32, #tpu.memory_space<vmem>>
      %dma_start3A_323 = arith.constant 0 : i32
      %dma_start3A_324 = tpu.memref_slice %arg3[%squeeze3A_305, %dma_start3A_323] : memref<1000000x64xf32, #tpu.memory_space<hbm>> -> memref<1x64xf32, #tpu.memory_space<hbm>>
      %dma_start3A_325 = tpu.memref_squeeze %dma_start3A_324 : memref<1x64xf32, #tpu.memory_space<hbm>> -> memref<64xf32, #tpu.memory_space<hbm>>
      tpu.enqueue_dma source(%dma_start3A_325 : memref<64xf32, #tpu.memory_space<hbm>>) target(%dma_start3A_322 : memref<64xf32, #tpu.memory_space<vmem>>) target_semaphore(%dma_start3A_319 : memref<!tpu.dma_semaphore, #tpu.memory_space<semaphore_mem>>)
      %slice3A_326 = vector.extract_strided_slice %get3A_193 {offsets = [6], sizes = [1], strides = [1]} : vector<16xi32> to vector<1xi32>
      %squeeze3A_327 = vector.extract %slice3A_326[0] : i32 from vector<1xi32>
      %mul3A_328 = arith.constant 16 : i32
      %mul3A_329 = arith.muli %scan3A_186, %mul3A_328 : i32
      %add3A_330 = arith.constant 6 : i32
      %add3A_331 = arith.addi %mul3A_329, %add3A_330 : i32
      %dma_start3A_332 = arith.constant 0 : i32
      %dma_start3A_333 = arith.constant 0 : i32
      %dma_start3A_334 = arith.constant 0 : i32
      %dma_start3A_335 = tpu.memref_slice %arg6[%dma_start3A_332, %add3A_331, %dma_start3A_334] : memref<2x200x64xf32, #tpu.memory_space<vmem>> -> memref<1x1x64xf32, #tpu.memory_space<vmem>>
      %dma_start3A_336 = tpu.memref_squeeze %dma_start3A_335 : memref<1x1x64xf32, #tpu.memory_space<vmem>> -> memref<64xf32, #tpu.memory_space<vmem>>
      %dma_start3A_337 = arith.constant 0 : i32
      %dma_start3A_338 = tpu.memref_slice %arg3[%squeeze3A_327, %dma_start3A_337] : memref<1000000x64xf32, #tpu.memory_space<hbm>> -> memref<1x64xf32, #tpu.memory_space<hbm>>
      %dma_start3A_339 = tpu.memref_squeeze %dma_start3A_338 : memref<1x64xf32, #tpu.memory_space<hbm>> -> memref<64xf32, #tpu.memory_space<hbm>>
      %dma_start3A_340 = tpu.memref_slice %arg7[%dma_start3A_333] : memref<2x!tpu.dma_semaphore, #tpu.memory_space<semaphore_mem>> -> memref<1x!tpu.dma_semaphore, #tpu.memory_space<semaphore_mem>>
      %dma_start3A_341 = tpu.memref_squeeze %dma_start3A_340 : memref<1x!tpu.dma_semaphore, #tpu.memory_space<semaphore_mem>> -> memref<!tpu.dma_semaphore, #tpu.memory_space<semaphore_mem>>
      %dma_start3A_342 = arith.constant 0 : i32
      %dma_start3A_343 = tpu.memref_slice %arg6[%dma_start3A_332, %add3A_331, %dma_start3A_342] : memref<2x200x64xf32, #tpu.memory_space<vmem>> -> memref<1x1x64xf32, #tpu.memory_space<vmem>>
      %dma_start3A_344 = tpu.memref_squeeze %dma_start3A_343 : memref<1x1x64xf32, #tpu.memory_space<vmem>> -> memref<64xf32, #tpu.memory_space<vmem>>
      %dma_start3A_345 = arith.constant 0 : i32
      %dma_start3A_346 = tpu.memref_slice %arg3[%squeeze3A_327, %dma_start3A_345] : memref<1000000x64xf32, #tpu.memory_space<hbm>> -> memref<1x64xf32, #tpu.memory_space<hbm>>
      %dma_start3A_347 = tpu.memref_squeeze %dma_start3A_346 : memref<1x64xf32, #tpu.memory_space<hbm>> -> memref<64xf32, #tpu.memory_space<hbm>>
      tpu.enqueue_dma source(%dma_start3A_347 : memref<64xf32, #tpu.memory_space<hbm>>) target(%dma_start3A_344 : memref<64xf32, #tpu.memory_space<vmem>>) target_semaphore(%dma_start3A_341 : memref<!tpu.dma_semaphore, #tpu.memory_space<semaphore_mem>>)
      %slice3A_348 = vector.extract_strided_slice %get3A_193 {offsets = [7], sizes = [1], strides = [1]} : vector<16xi32> to vector<1xi32>
      %squeeze3A_349 = vector.extract %slice3A_348[0] : i32 from vector<1xi32>
      %mul3A_350 = arith.constant 16 : i32
      %mul3A_351 = arith.muli %scan3A_186, %mul3A_350 : i32
      %add3A_352 = arith.constant 7 : i32
      %add3A_353 = arith.addi %mul3A_351, %add3A_352 : i32
      %dma_start3A_354 = arith.constant 0 : i32
      %dma_start3A_355 = arith.constant 0 : i32
      %dma_start3A_356 = arith.constant 0 : i32
      %dma_start3A_357 = tpu.memref_slice %arg6[%dma_start3A_354, %add3A_353, %dma_start3A_356] : memref<2x200x64xf32, #tpu.memory_space<vmem>> -> memref<1x1x64xf32, #tpu.memory_space<vmem>>
      %dma_start3A_358 = tpu.memref_squeeze %dma_start3A_357 : memref<1x1x64xf32, #tpu.memory_space<vmem>> -> memref<64xf32, #tpu.memory_space<vmem>>
      %dma_start3A_359 = arith.constant 0 : i32
      %dma_start3A_360 = tpu.memref_slice %arg3[%squeeze3A_349, %dma_start3A_359] : memref<1000000x64xf32, #tpu.memory_space<hbm>> -> memref<1x64xf32, #tpu.memory_space<hbm>>
      %dma_start3A_361 = tpu.memref_squeeze %dma_start3A_360 : memref<1x64xf32, #tpu.memory_space<hbm>> -> memref<64xf32, #tpu.memory_space<hbm>>
      %dma_start3A_362 = tpu.memref_slice %arg7[%dma_start3A_355] : memref<2x!tpu.dma_semaphore, #tpu.memory_space<semaphore_mem>> -> memref<1x!tpu.dma_semaphore, #tpu.memory_space<semaphore_mem>>
      %dma_start3A_363 = tpu.memref_squeeze %dma_start3A_362 : memref<1x!tpu.dma_semaphore, #tpu.memory_space<semaphore_mem>> -> memref<!tpu.dma_semaphore, #tpu.memory_space<semaphore_mem>>
      %dma_start3A_364 = arith.constant 0 : i32
      %dma_start3A_365 = tpu.memref_slice %arg6[%dma_start3A_354, %add3A_353, %dma_start3A_364] : memref<2x200x64xf32, #tpu.memory_space<vmem>> -> memref<1x1x64xf32, #tpu.memory_space<vmem>>
      %dma_start3A_366 = tpu.memref_squeeze %dma_start3A_365 : memref<1x1x64xf32, #tpu.memory_space<vmem>> -> memref<64xf32, #tpu.memory_space<vmem>>
      %dma_start3A_367 = arith.constant 0 : i32
      %dma_start3A_368 = tpu.memref_slice %arg3[%squeeze3A_349, %dma_start3A_367] : memref<1000000x64xf32, #tpu.memory_space<hbm>> -> memref<1x64xf32, #tpu.memory_space<hbm>>
      %dma_start3A_369 = tpu.memref_squeeze %dma_start3A_368 : memref<1x64xf32, #tpu.memory_space<hbm>> -> memref<64xf32, #tpu.memory_space<hbm>>
      tpu.enqueue_dma source(%dma_start3A_369 : memref<64xf32, #tpu.memory_space<hbm>>) target(%dma_start3A_366 : memref<64xf32, #tpu.memory_space<vmem>>) target_semaphore(%dma_start3A_363 : memref<!tpu.dma_semaphore, #tpu.memory_space<semaphore_mem>>)
      %slice3A_370 = vector.extract_strided_slice %get3A_193 {offsets = [8], sizes = [1], strides = [1]} : vector<16xi32> to vector<1xi32>
      %squeeze3A_371 = vector.extract %slice3A_370[0] : i32 from vector<1xi32>
      %mul3A_372 = arith.constant 16 : i32
      %mul3A_373 = arith.muli %scan3A_186, %mul3A_372 : i32
      %add3A_374 = arith.constant 8 : i32
      %add3A_375 = arith.addi %mul3A_373, %add3A_374 : i32
      %dma_start3A_376 = arith.constant 0 : i32
      %dma_start3A_377 = arith.constant 0 : i32
      %dma_start3A_378 = arith.constant 0 : i32
      %dma_start3A_379 = tpu.memref_slice %arg6[%dma_start3A_376, %add3A_375, %dma_start3A_378] : memref<2x200x64xf32, #tpu.memory_space<vmem>> -> memref<1x1x64xf32, #tpu.memory_space<vmem>>
      %dma_start3A_380 = tpu.memref_squeeze %dma_start3A_379 : memref<1x1x64xf32, #tpu.memory_space<vmem>> -> memref<64xf32, #tpu.memory_space<vmem>>
      %dma_start3A_381 = arith.constant 0 : i32
      %dma_start3A_382 = tpu.memref_slice %arg3[%squeeze3A_371, %dma_start3A_381] : memref<1000000x64xf32, #tpu.memory_space<hbm>> -> memref<1x64xf32, #tpu.memory_space<hbm>>
      %dma_start3A_383 = tpu.memref_squeeze %dma_start3A_382 : memref<1x64xf32, #tpu.memory_space<hbm>> -> memref<64xf32, #tpu.memory_space<hbm>>
      %dma_start3A_384 = tpu.memref_slice %arg7[%dma_start3A_377] : memref<2x!tpu.dma_semaphore, #tpu.memory_space<semaphore_mem>> -> memref<1x!tpu.dma_semaphore, #tpu.memory_space<semaphore_mem>>
      %dma_start3A_385 = tpu.memref_squeeze %dma_start3A_384 : memref<1x!tpu.dma_semaphore, #tpu.memory_space<semaphore_mem>> -> memref<!tpu.dma_semaphore, #tpu.memory_space<semaphore_mem>>
      %dma_start3A_386 = arith.constant 0 : i32
      %dma_start3A_387 = tpu.memref_slice %arg6[%dma_start3A_376, %add3A_375, %dma_start3A_386] : memref<2x200x64xf32, #tpu.memory_space<vmem>> -> memref<1x1x64xf32, #tpu.memory_space<vmem>>
      %dma_start3A_388 = tpu.memref_squeeze %dma_start3A_387 : memref<1x1x64xf32, #tpu.memory_space<vmem>> -> memref<64xf32, #tpu.memory_space<vmem>>
      %dma_start3A_389 = arith.constant 0 : i32
      %dma_start3A_390 = tpu.memref_slice %arg3[%squeeze3A_371, %dma_start3A_389] : memref<1000000x64xf32, #tpu.memory_space<hbm>> -> memref<1x64xf32, #tpu.memory_space<hbm>>
      %dma_start3A_391 = tpu.memref_squeeze %dma_start3A_390 : memref<1x64xf32, #tpu.memory_space<hbm>> -> memref<64xf32, #tpu.memory_space<hbm>>
      tpu.enqueue_dma source(%dma_start3A_391 : memref<64xf32, #tpu.memory_space<hbm>>) target(%dma_start3A_388 : memref<64xf32, #tpu.memory_space<vmem>>) target_semaphore(%dma_start3A_385 : memref<!tpu.dma_semaphore, #tpu.memory_space<semaphore_mem>>)
      %slice3A_392 = vector.extract_strided_slice %get3A_193 {offsets = [9], sizes = [1], strides = [1]} : vector<16xi32> to vector<1xi32>
      %squeeze3A_393 = vector.extract %slice3A_392[0] : i32 from vector<1xi32>
      %mul3A_394 = arith.constant 16 : i32
      %mul3A_395 = arith.muli %scan3A_186, %mul3A_394 : i32
      %add3A_396 = arith.constant 9 : i32
      %add3A_397 = arith.addi %mul3A_395, %add3A_396 : i32
      %dma_start3A_398 = arith.constant 0 : i32
      %dma_start3A_399 = arith.constant 0 : i32
      %dma_start3A_400 = arith.constant 0 : i32
      %dma_start3A_401 = tpu.memref_slice %arg6[%dma_start3A_398, %add3A_397, %dma_start3A_400] : memref<2x200x64xf32, #tpu.memory_space<vmem>> -> memref<1x1x64xf32, #tpu.memory_space<vmem>>
      %dma_start3A_402 = tpu.memref_squeeze %dma_start3A_401 : memref<1x1x64xf32, #tpu.memory_space<vmem>> -> memref<64xf32, #tpu.memory_space<vmem>>
      %dma_start3A_403 = arith.constant 0 : i32
      %dma_start3A_404 = tpu.memref_slice %arg3[%squeeze3A_393, %dma_start3A_403] : memref<1000000x64xf32, #tpu.memory_space<hbm>> -> memref<1x64xf32, #tpu.memory_space<hbm>>
      %dma_start3A_405 = tpu.memref_squeeze %dma_start3A_404 : memref<1x64xf32, #tpu.memory_space<hbm>> -> memref<64xf32, #tpu.memory_space<hbm>>
      %dma_start3A_406 = tpu.memref_slice %arg7[%dma_start3A_399] : memref<2x!tpu.dma_semaphore, #tpu.memory_space<semaphore_mem>> -> memref<1x!tpu.dma_semaphore, #tpu.memory_space<semaphore_mem>>
      %dma_start3A_407 = tpu.memref_squeeze %dma_start3A_406 : memref<1x!tpu.dma_semaphore, #tpu.memory_space<semaphore_mem>> -> memref<!tpu.dma_semaphore, #tpu.memory_space<semaphore_mem>>
      %dma_start3A_408 = arith.constant 0 : i32
      %dma_start3A_409 = tpu.memref_slice %arg6[%dma_start3A_398, %add3A_397, %dma_start3A_408] : memref<2x200x64xf32, #tpu.memory_space<vmem>> -> memref<1x1x64xf32, #tpu.memory_space<vmem>>
      %dma_start3A_410 = tpu.memref_squeeze %dma_start3A_409 : memref<1x1x64xf32, #tpu.memory_space<vmem>> -> memref<64xf32, #tpu.memory_space<vmem>>
      %dma_start3A_411 = arith.constant 0 : i32
      %dma_start3A_412 = tpu.memref_slice %arg3[%squeeze3A_393, %dma_start3A_411] : memref<1000000x64xf32, #tpu.memory_space<hbm>> -> memref<1x64xf32, #tpu.memory_space<hbm>>
      %dma_start3A_413 = tpu.memref_squeeze %dma_start3A_412 : memref<1x64xf32, #tpu.memory_space<hbm>> -> memref<64xf32, #tpu.memory_space<hbm>>
      tpu.enqueue_dma source(%dma_start3A_413 : memref<64xf32, #tpu.memory_space<hbm>>) target(%dma_start3A_410 : memref<64xf32, #tpu.memory_space<vmem>>) target_semaphore(%dma_start3A_407 : memref<!tpu.dma_semaphore, #tpu.memory_space<semaphore_mem>>)
      %slice3A_414 = vector.extract_strided_slice %get3A_193 {offsets = [10], sizes = [1], strides = [1]} : vector<16xi32> to vector<1xi32>
      %squeeze3A_415 = vector.extract %slice3A_414[0] : i32 from vector<1xi32>
      %mul3A_416 = arith.constant 16 : i32
      %mul3A_417 = arith.muli %scan3A_186, %mul3A_416 : i32
      %add3A_418 = arith.constant 10 : i32
      %add3A_419 = arith.addi %mul3A_417, %add3A_418 : i32
      %dma_start3A_420 = arith.constant 0 : i32
      %dma_start3A_421 = arith.constant 0 : i32
      %dma_start3A_422 = arith.constant 0 : i32
      %dma_start3A_423 = tpu.memref_slice %arg6[%dma_start3A_420, %add3A_419, %dma_start3A_422] : memref<2x200x64xf32, #tpu.memory_space<vmem>> -> memref<1x1x64xf32, #tpu.memory_space<vmem>>
      %dma_start3A_424 = tpu.memref_squeeze %dma_start3A_423 : memref<1x1x64xf32, #tpu.memory_space<vmem>> -> memref<64xf32, #tpu.memory_space<vmem>>
      %dma_start3A_425 = arith.constant 0 : i32
      %dma_start3A_426 = tpu.memref_slice %arg3[%squeeze3A_415, %dma_start3A_425] : memref<1000000x64xf32, #tpu.memory_space<hbm>> -> memref<1x64xf32, #tpu.memory_space<hbm>>
      %dma_start3A_427 = tpu.memref_squeeze %dma_start3A_426 : memref<1x64xf32, #tpu.memory_space<hbm>> -> memref<64xf32, #tpu.memory_space<hbm>>
      %dma_start3A_428 = tpu.memref_slice %arg7[%dma_start3A_421] : memref<2x!tpu.dma_semaphore, #tpu.memory_space<semaphore_mem>> -> memref<1x!tpu.dma_semaphore, #tpu.memory_space<semaphore_mem>>
      %dma_start3A_429 = tpu.memref_squeeze %dma_start3A_428 : memref<1x!tpu.dma_semaphore, #tpu.memory_space<semaphore_mem>> -> memref<!tpu.dma_semaphore, #tpu.memory_space<semaphore_mem>>
      %dma_start3A_430 = arith.constant 0 : i32
      %dma_start3A_431 = tpu.memref_slice %arg6[%dma_start3A_420, %add3A_419, %dma_start3A_430] : memref<2x200x64xf32, #tpu.memory_space<vmem>> -> memref<1x1x64xf32, #tpu.memory_space<vmem>>
      %dma_start3A_432 = tpu.memref_squeeze %dma_start3A_431 : memref<1x1x64xf32, #tpu.memory_space<vmem>> -> memref<64xf32, #tpu.memory_space<vmem>>
      %dma_start3A_433 = arith.constant 0 : i32
      %dma_start3A_434 = tpu.memref_slice %arg3[%squeeze3A_415, %dma_start3A_433] : memref<1000000x64xf32, #tpu.memory_space<hbm>> -> memref<1x64xf32, #tpu.memory_space<hbm>>
      %dma_start3A_435 = tpu.memref_squeeze %dma_start3A_434 : memref<1x64xf32, #tpu.memory_space<hbm>> -> memref<64xf32, #tpu.memory_space<hbm>>
      tpu.enqueue_dma source(%dma_start3A_435 : memref<64xf32, #tpu.memory_space<hbm>>) target(%dma_start3A_432 : memref<64xf32, #tpu.memory_space<vmem>>) target_semaphore(%dma_start3A_429 : memref<!tpu.dma_semaphore, #tpu.memory_space<semaphore_mem>>)
      %slice3A_436 = vector.extract_strided_slice %get3A_193 {offsets = [11], sizes = [1], strides = [1]} : vector<16xi32> to vector<1xi32>
      %squeeze3A_437 = vector.extract %slice3A_436[0] : i32 from vector<1xi32>
      %mul3A_438 = arith.constant 16 : i32
      %mul3A_439 = arith.muli %scan3A_186, %mul3A_438 : i32
      %add3A_440 = arith.constant 11 : i32
      %add3A_441 = arith.addi %mul3A_439, %add3A_440 : i32
      %dma_start3A_442 = arith.constant 0 : i32
      %dma_start3A_443 = arith.constant 0 : i32
      %dma_start3A_444 = arith.constant 0 : i32
      %dma_start3A_445 = tpu.memref_slice %arg6[%dma_start3A_442, %add3A_441, %dma_start3A_444] : memref<2x200x64xf32, #tpu.memory_space<vmem>> -> memref<1x1x64xf32, #tpu.memory_space<vmem>>
      %dma_start3A_446 = tpu.memref_squeeze %dma_start3A_445 : memref<1x1x64xf32, #tpu.memory_space<vmem>> -> memref<64xf32, #tpu.memory_space<vmem>>
      %dma_start3A_447 = arith.constant 0 : i32
      %dma_start3A_448 = tpu.memref_slice %arg3[%squeeze3A_437, %dma_start3A_447] : memref<1000000x64xf32, #tpu.memory_space<hbm>> -> memref<1x64xf32, #tpu.memory_space<hbm>>
      %dma_start3A_449 = tpu.memref_squeeze %dma_start3A_448 : memref<1x64xf32, #tpu.memory_space<hbm>> -> memref<64xf32, #tpu.memory_space<hbm>>
      %dma_start3A_450 = tpu.memref_slice %arg7[%dma_start3A_443] : memref<2x!tpu.dma_semaphore, #tpu.memory_space<semaphore_mem>> -> memref<1x!tpu.dma_semaphore, #tpu.memory_space<semaphore_mem>>
      %dma_start3A_451 = tpu.memref_squeeze %dma_start3A_450 : memref<1x!tpu.dma_semaphore, #tpu.memory_space<semaphore_mem>> -> memref<!tpu.dma_semaphore, #tpu.memory_space<semaphore_mem>>
      %dma_start3A_452 = arith.constant 0 : i32
      %dma_start3A_453 = tpu.memref_slice %arg6[%dma_start3A_442, %add3A_441, %dma_start3A_452] : memref<2x200x64xf32, #tpu.memory_space<vmem>> -> memref<1x1x64xf32, #tpu.memory_space<vmem>>
      %dma_start3A_454 = tpu.memref_squeeze %dma_start3A_453 : memref<1x1x64xf32, #tpu.memory_space<vmem>> -> memref<64xf32, #tpu.memory_space<vmem>>
      %dma_start3A_455 = arith.constant 0 : i32
      %dma_start3A_456 = tpu.memref_slice %arg3[%squeeze3A_437, %dma_start3A_455] : memref<1000000x64xf32, #tpu.memory_space<hbm>> -> memref<1x64xf32, #tpu.memory_space<hbm>>
      %dma_start3A_457 = tpu.memref_squeeze %dma_start3A_456 : memref<1x64xf32, #tpu.memory_space<hbm>> -> memref<64xf32, #tpu.memory_space<hbm>>
      tpu.enqueue_dma source(%dma_start3A_457 : memref<64xf32, #tpu.memory_space<hbm>>) target(%dma_start3A_454 : memref<64xf32, #tpu.memory_space<vmem>>) target_semaphore(%dma_start3A_451 : memref<!tpu.dma_semaphore, #tpu.memory_space<semaphore_mem>>)
      %slice3A_458 = vector.extract_strided_slice %get3A_193 {offsets = [12], sizes = [1], strides = [1]} : vector<16xi32> to vector<1xi32>
      %squeeze3A_459 = vector.extract %slice3A_458[0] : i32 from vector<1xi32>
      %mul3A_460 = arith.constant 16 : i32
      %mul3A_461 = arith.muli %scan3A_186, %mul3A_460 : i32
      %add3A_462 = arith.constant 12 : i32
      %add3A_463 = arith.addi %mul3A_461, %add3A_462 : i32
      %dma_start3A_464 = arith.constant 0 : i32
      %dma_start3A_465 = arith.constant 0 : i32
      %dma_start3A_466 = arith.constant 0 : i32
      %dma_start3A_467 = tpu.memref_slice %arg6[%dma_start3A_464, %add3A_463, %dma_start3A_466] : memref<2x200x64xf32, #tpu.memory_space<vmem>> -> memref<1x1x64xf32, #tpu.memory_space<vmem>>
      %dma_start3A_468 = tpu.memref_squeeze %dma_start3A_467 : memref<1x1x64xf32, #tpu.memory_space<vmem>> -> memref<64xf32, #tpu.memory_space<vmem>>
      %dma_start3A_469 = arith.constant 0 : i32
      %dma_start3A_470 = tpu.memref_slice %arg3[%squeeze3A_459, %dma_start3A_469] : memref<1000000x64xf32, #tpu.memory_space<hbm>> -> memref<1x64xf32, #tpu.memory_space<hbm>>
      %dma_start3A_471 = tpu.memref_squeeze %dma_start3A_470 : memref<1x64xf32, #tpu.memory_space<hbm>> -> memref<64xf32, #tpu.memory_space<hbm>>
      %dma_start3A_472 = tpu.memref_slice %arg7[%dma_start3A_465] : memref<2x!tpu.dma_semaphore, #tpu.memory_space<semaphore_mem>> -> memref<1x!tpu.dma_semaphore, #tpu.memory_space<semaphore_mem>>
      %dma_start3A_473 = tpu.memref_squeeze %dma_start3A_472 : memref<1x!tpu.dma_semaphore, #tpu.memory_space<semaphore_mem>> -> memref<!tpu.dma_semaphore, #tpu.memory_space<semaphore_mem>>
      %dma_start3A_474 = arith.constant 0 : i32
      %dma_start3A_475 = tpu.memref_slice %arg6[%dma_start3A_464, %add3A_463, %dma_start3A_474] : memref<2x200x64xf32, #tpu.memory_space<vmem>> -> memref<1x1x64xf32, #tpu.memory_space<vmem>>
      %dma_start3A_476 = tpu.memref_squeeze %dma_start3A_475 : memref<1x1x64xf32, #tpu.memory_space<vmem>> -> memref<64xf32, #tpu.memory_space<vmem>>
      %dma_start3A_477 = arith.constant 0 : i32
      %dma_start3A_478 = tpu.memref_slice %arg3[%squeeze3A_459, %dma_start3A_477] : memref<1000000x64xf32, #tpu.memory_space<hbm>> -> memref<1x64xf32, #tpu.memory_space<hbm>>
      %dma_start3A_479 = tpu.memref_squeeze %dma_start3A_478 : memref<1x64xf32, #tpu.memory_space<hbm>> -> memref<64xf32, #tpu.memory_space<hbm>>
      tpu.enqueue_dma source(%dma_start3A_479 : memref<64xf32, #tpu.memory_space<hbm>>) target(%dma_start3A_476 : memref<64xf32, #tpu.memory_space<vmem>>) target_semaphore(%dma_start3A_473 : memref<!tpu.dma_semaphore, #tpu.memory_space<semaphore_mem>>)
      %slice3A_480 = vector.extract_strided_slice %get3A_193 {offsets = [13], sizes = [1], strides = [1]} : vector<16xi32> to vector<1xi32>
      %squeeze3A_481 = vector.extract %slice3A_480[0] : i32 from vector<1xi32>
      %mul3A_482 = arith.constant 16 : i32
      %mul3A_483 = arith.muli %scan3A_186, %mul3A_482 : i32
      %add3A_484 = arith.constant 13 : i32
      %add3A_485 = arith.addi %mul3A_483, %add3A_484 : i32
      %dma_start3A_486 = arith.constant 0 : i32
      %dma_start3A_487 = arith.constant 0 : i32
      %dma_start3A_488 = arith.constant 0 : i32
      %dma_start3A_489 = tpu.memref_slice %arg6[%dma_start3A_486, %add3A_485, %dma_start3A_488] : memref<2x200x64xf32, #tpu.memory_space<vmem>> -> memref<1x1x64xf32, #tpu.memory_space<vmem>>
      %dma_start3A_490 = tpu.memref_squeeze %dma_start3A_489 : memref<1x1x64xf32, #tpu.memory_space<vmem>> -> memref<64xf32, #tpu.memory_space<vmem>>
      %dma_start3A_491 = arith.constant 0 : i32
      %dma_start3A_492 = tpu.memref_slice %arg3[%squeeze3A_481, %dma_start3A_491] : memref<1000000x64xf32, #tpu.memory_space<hbm>> -> memref<1x64xf32, #tpu.memory_space<hbm>>
      %dma_start3A_493 = tpu.memref_squeeze %dma_start3A_492 : memref<1x64xf32, #tpu.memory_space<hbm>> -> memref<64xf32, #tpu.memory_space<hbm>>
      %dma_start3A_494 = tpu.memref_slice %arg7[%dma_start3A_487] : memref<2x!tpu.dma_semaphore, #tpu.memory_space<semaphore_mem>> -> memref<1x!tpu.dma_semaphore, #tpu.memory_space<semaphore_mem>>
      %dma_start3A_495 = tpu.memref_squeeze %dma_start3A_494 : memref<1x!tpu.dma_semaphore, #tpu.memory_space<semaphore_mem>> -> memref<!tpu.dma_semaphore, #tpu.memory_space<semaphore_mem>>
      %dma_start3A_496 = arith.constant 0 : i32
      %dma_start3A_497 = tpu.memref_slice %arg6[%dma_start3A_486, %add3A_485, %dma_start3A_496] : memref<2x200x64xf32, #tpu.memory_space<vmem>> -> memref<1x1x64xf32, #tpu.memory_space<vmem>>
      %dma_start3A_498 = tpu.memref_squeeze %dma_start3A_497 : memref<1x1x64xf32, #tpu.memory_space<vmem>> -> memref<64xf32, #tpu.memory_space<vmem>>
      %dma_start3A_499 = arith.constant 0 : i32
      %dma_start3A_500 = tpu.memref_slice %arg3[%squeeze3A_481, %dma_start3A_499] : memref<1000000x64xf32, #tpu.memory_space<hbm>> -> memref<1x64xf32, #tpu.memory_space<hbm>>
      %dma_start3A_501 = tpu.memref_squeeze %dma_start3A_500 : memref<1x64xf32, #tpu.memory_space<hbm>> -> memref<64xf32, #tpu.memory_space<hbm>>
      tpu.enqueue_dma source(%dma_start3A_501 : memref<64xf32, #tpu.memory_space<hbm>>) target(%dma_start3A_498 : memref<64xf32, #tpu.memory_space<vmem>>) target_semaphore(%dma_start3A_495 : memref<!tpu.dma_semaphore, #tpu.memory_space<semaphore_mem>>)
      %slice3A_502 = vector.extract_strided_slice %get3A_193 {offsets = [14], sizes = [1], strides = [1]} : vector<16xi32> to vector<1xi32>
      %squeeze3A_503 = vector.extract %slice3A_502[0] : i32 from vector<1xi32>
      %mul3A_504 = arith.constant 16 : i32
      %mul3A_505 = arith.muli %scan3A_186, %mul3A_504 : i32
      %add3A_506 = arith.constant 14 : i32
      %add3A_507 = arith.addi %mul3A_505, %add3A_506 : i32
      %dma_start3A_508 = arith.constant 0 : i32
      %dma_start3A_509 = arith.constant 0 : i32
      %dma_start3A_510 = arith.constant 0 : i32
      %dma_start3A_511 = tpu.memref_slice %arg6[%dma_start3A_508, %add3A_507, %dma_start3A_510] : memref<2x200x64xf32, #tpu.memory_space<vmem>> -> memref<1x1x64xf32, #tpu.memory_space<vmem>>
      %dma_start3A_512 = tpu.memref_squeeze %dma_start3A_511 : memref<1x1x64xf32, #tpu.memory_space<vmem>> -> memref<64xf32, #tpu.memory_space<vmem>>
      %dma_start3A_513 = arith.constant 0 : i32
      %dma_start3A_514 = tpu.memref_slice %arg3[%squeeze3A_503, %dma_start3A_513] : memref<1000000x64xf32, #tpu.memory_space<hbm>> -> memref<1x64xf32, #tpu.memory_space<hbm>>
      %dma_start3A_515 = tpu.memref_squeeze %dma_start3A_514 : memref<1x64xf32, #tpu.memory_space<hbm>> -> memref<64xf32, #tpu.memory_space<hbm>>
      %dma_start3A_516 = tpu.memref_slice %arg7[%dma_start3A_509] : memref<2x!tpu.dma_semaphore, #tpu.memory_space<semaphore_mem>> -> memref<1x!tpu.dma_semaphore, #tpu.memory_space<semaphore_mem>>
      %dma_start3A_517 = tpu.memref_squeeze %dma_start3A_516 : memref<1x!tpu.dma_semaphore, #tpu.memory_space<semaphore_mem>> -> memref<!tpu.dma_semaphore, #tpu.memory_space<semaphore_mem>>
      %dma_start3A_518 = arith.constant 0 : i32
      %dma_start3A_519 = tpu.memref_slice %arg6[%dma_start3A_508, %add3A_507, %dma_start3A_518] : memref<2x200x64xf32, #tpu.memory_space<vmem>> -> memref<1x1x64xf32, #tpu.memory_space<vmem>>
      %dma_start3A_520 = tpu.memref_squeeze %dma_start3A_519 : memref<1x1x64xf32, #tpu.memory_space<vmem>> -> memref<64xf32, #tpu.memory_space<vmem>>
      %dma_start3A_521 = arith.constant 0 : i32
      %dma_start3A_522 = tpu.memref_slice %arg3[%squeeze3A_503, %dma_start3A_521] : memref<1000000x64xf32, #tpu.memory_space<hbm>> -> memref<1x64xf32, #tpu.memory_space<hbm>>
      %dma_start3A_523 = tpu.memref_squeeze %dma_start3A_522 : memref<1x64xf32, #tpu.memory_space<hbm>> -> memref<64xf32, #tpu.memory_space<hbm>>
      tpu.enqueue_dma source(%dma_start3A_523 : memref<64xf32, #tpu.memory_space<hbm>>) target(%dma_start3A_520 : memref<64xf32, #tpu.memory_space<vmem>>) target_semaphore(%dma_start3A_517 : memref<!tpu.dma_semaphore, #tpu.memory_space<semaphore_mem>>)
      %slice3A_524 = vector.extract_strided_slice %get3A_193 {offsets = [15], sizes = [1], strides = [1]} : vector<16xi32> to vector<1xi32>
      %squeeze3A_525 = vector.extract %slice3A_524[0] : i32 from vector<1xi32>
      %mul3A_526 = arith.constant 16 : i32
      %mul3A_527 = arith.muli %scan3A_186, %mul3A_526 : i32
      %add3A_528 = arith.constant 15 : i32
      %add3A_529 = arith.addi %mul3A_527, %add3A_528 : i32
      %dma_start3A_530 = arith.constant 0 : i32
      %dma_start3A_531 = arith.constant 0 : i32
      %dma_start3A_532 = arith.constant 0 : i32
      %dma_start3A_533 = tpu.memref_slice %arg6[%dma_start3A_530, %add3A_529, %dma_start3A_532] : memref<2x200x64xf32, #tpu.memory_space<vmem>> -> memref<1x1x64xf32, #tpu.memory_space<vmem>>
      %dma_start3A_534 = tpu.memref_squeeze %dma_start3A_533 : memref<1x1x64xf32, #tpu.memory_space<vmem>> -> memref<64xf32, #tpu.memory_space<vmem>>
      %dma_start3A_535 = arith.constant 0 : i32
      %dma_start3A_536 = tpu.memref_slice %arg3[%squeeze3A_525, %dma_start3A_535] : memref<1000000x64xf32, #tpu.memory_space<hbm>> -> memref<1x64xf32, #tpu.memory_space<hbm>>
      %dma_start3A_537 = tpu.memref_squeeze %dma_start3A_536 : memref<1x64xf32, #tpu.memory_space<hbm>> -> memref<64xf32, #tpu.memory_space<hbm>>
      %dma_start3A_538 = tpu.memref_slice %arg7[%dma_start3A_531] : memref<2x!tpu.dma_semaphore, #tpu.memory_space<semaphore_mem>> -> memref<1x!tpu.dma_semaphore, #tpu.memory_space<semaphore_mem>>
      %dma_start3A_539 = tpu.memref_squeeze %dma_start3A_538 : memref<1x!tpu.dma_semaphore, #tpu.memory_space<semaphore_mem>> -> memref<!tpu.dma_semaphore, #tpu.memory_space<semaphore_mem>>
      %dma_start3A_540 = arith.constant 0 : i32
      %dma_start3A_541 = tpu.memref_slice %arg6[%dma_start3A_530, %add3A_529, %dma_start3A_540] : memref<2x200x64xf32, #tpu.memory_space<vmem>> -> memref<1x1x64xf32, #tpu.memory_space<vmem>>
      %dma_start3A_542 = tpu.memref_squeeze %dma_start3A_541 : memref<1x1x64xf32, #tpu.memory_space<vmem>> -> memref<64xf32, #tpu.memory_space<vmem>>
      %dma_start3A_543 = arith.constant 0 : i32
      %dma_start3A_544 = tpu.memref_slice %arg3[%squeeze3A_525, %dma_start3A_543] : memref<1000000x64xf32, #tpu.memory_space<hbm>> -> memref<1x64xf32, #tpu.memory_space<hbm>>
      %dma_start3A_545 = tpu.memref_squeeze %dma_start3A_544 : memref<1x64xf32, #tpu.memory_space<hbm>> -> memref<64xf32, #tpu.memory_space<hbm>>
      tpu.enqueue_dma source(%dma_start3A_545 : memref<64xf32, #tpu.memory_space<hbm>>) target(%dma_start3A_542 : memref<64xf32, #tpu.memory_space<vmem>>) target_semaphore(%dma_start3A_539 : memref<!tpu.dma_semaphore, #tpu.memory_space<semaphore_mem>>)
    }
    %scan3A_7 = arith.constant 12 : i32
    %get3A = arith.constant 0 : i32
    %get3A_8 = arith.index_cast %get3A : i32 to index
    %get3A_9 = arith.constant 192 : index
    %get3A_10 = tpu.vector_load %arg5[%get3A_8, %get3A_9] {strides = array<i32>} : memref<128x256xi32, #tpu.memory_space<vmem>>, vector<1x16xi32>,
    %get3A_11 = vector.shape_cast %get3A_10 : vector<1x16xi32> to vector<16xi32>
    %slice3A = vector.extract_strided_slice %get3A_11 {offsets = [0], sizes = [1], strides = [1]} : vector<16xi32> to vector<1xi32>
    %squeeze3A = vector.extract %slice3A[0] : i32 from vector<1xi32>
    %dma_start3A = arith.constant 0 : i32
    %dma_start3A_12 = arith.constant 192 : i32
    %dma_start3A_13 = arith.constant 0 : i32
    %dma_start3A_14 = arith.constant 0 : i32
    %dma_start3A_15 = tpu.memref_slice %arg6[%dma_start3A, %dma_start3A_12, %dma_start3A_14] : memref<2x200x64xf32, #tpu.memory_space<vmem>> -> memref<1x1x64xf32, #tpu.memory_space<vmem>>
    %dma_start3A_16 = tpu.memref_squeeze %dma_start3A_15 : memref<1x1x64xf32, #tpu.memory_space<vmem>> -> memref<64xf32, #tpu.memory_space<vmem>>
    %dma_start3A_17 = arith.constant 0 : i32
    %dma_start3A_18 = tpu.memref_slice %arg3[%squeeze3A, %dma_start3A_17] : memref<1000000x64xf32, #tpu.memory_space<hbm>> -> memref<1x64xf32, #tpu.memory_space<hbm>>
    %dma_start3A_19 = tpu.memref_squeeze %dma_start3A_18 : memref<1x64xf32, #tpu.memory_space<hbm>> -> memref<64xf32, #tpu.memory_space<hbm>>
    %dma_start3A_20 = tpu.memref_slice %arg7[%dma_start3A_13] : memref<2x!tpu.dma_semaphore, #tpu.memory_space<semaphore_mem>> -> memref<1x!tpu.dma_semaphore, #tpu.memory_space<semaphore_mem>>
    %dma_start3A_21 = tpu.memref_squeeze %dma_start3A_20 : memref<1x!tpu.dma_semaphore, #tpu.memory_space<semaphore_mem>> -> memref<!tpu.dma_semaphore, #tpu.memory_space<semaphore_mem>>
    %dma_start3A_22 = arith.constant 0 : i32
    %dma_start3A_23 = tpu.memref_slice %arg6[%dma_start3A, %dma_start3A_12, %dma_start3A_22] : memref<2x200x64xf32, #tpu.memory_space<vmem>> -> memref<1x1x64xf32, #tpu.memory_space<vmem>>
    %dma_start3A_24 = tpu.memref_squeeze %dma_start3A_23 : memref<1x1x64xf32, #tpu.memory_space<vmem>> -> memref<64xf32, #tpu.memory_space<vmem>>
    %dma_start3A_25 = arith.constant 0 : i32
    %dma_start3A_26 = tpu.memref_slice %arg3[%squeeze3A, %dma_start3A_25] : memref<1000000x64xf32, #tpu.memory_space<hbm>> -> memref<1x64xf32, #tpu.memory_space<hbm>>
    %dma_start3A_27 = tpu.memref_squeeze %dma_start3A_26 : memref<1x64xf32, #tpu.memory_space<hbm>> -> memref<64xf32, #tpu.memory_space<hbm>>
    tpu.enqueue_dma source(%dma_start3A_27 : memref<64xf32, #tpu.memory_space<hbm>>) target(%dma_start3A_24 : memref<64xf32, #tpu.memory_space<vmem>>) target_semaphore(%dma_start3A_21 : memref<!tpu.dma_semaphore, #tpu.memory_space<semaphore_mem>>)
    %slice3A_28 = vector.extract_strided_slice %get3A_11 {offsets = [1], sizes = [1], strides = [1]} : vector<16xi32> to vector<1xi32>
    %squeeze3A_29 = vector.extract %slice3A_28[0] : i32 from vector<1xi32>
    %dma_start3A_30 = arith.constant 0 : i32
    %dma_start3A_31 = arith.constant 193 : i32
    %dma_start3A_32 = arith.constant 0 : i32
    %dma_start3A_33 = arith.constant 0 : i32
    %dma_start3A_34 = tpu.memref_slice %arg6[%dma_start3A_30, %dma_start3A_31, %dma_start3A_33] : memref<2x200x64xf32, #tpu.memory_space<vmem>> -> memref<1x1x64xf32, #tpu.memory_space<vmem>>
    %dma_start3A_35 = tpu.memref_squeeze %dma_start3A_34 : memref<1x1x64xf32, #tpu.memory_space<vmem>> -> memref<64xf32, #tpu.memory_space<vmem>>
    %dma_start3A_36 = arith.constant 0 : i32
    %dma_start3A_37 = tpu.memref_slice %arg3[%squeeze3A_29, %dma_start3A_36] : memref<1000000x64xf32, #tpu.memory_space<hbm>> -> memref<1x64xf32, #tpu.memory_space<hbm>>
    %dma_start3A_38 = tpu.memref_squeeze %dma_start3A_37 : memref<1x64xf32, #tpu.memory_space<hbm>> -> memref<64xf32, #tpu.memory_space<hbm>>
    %dma_start3A_39 = tpu.memref_slice %arg7[%dma_start3A_32] : memref<2x!tpu.dma_semaphore, #tpu.memory_space<semaphore_mem>> -> memref<1x!tpu.dma_semaphore, #tpu.memory_space<semaphore_mem>>
    %dma_start3A_40 = tpu.memref_squeeze %dma_start3A_39 : memref<1x!tpu.dma_semaphore, #tpu.memory_space<semaphore_mem>> -> memref<!tpu.dma_semaphore, #tpu.memory_space<semaphore_mem>>
    %dma_start3A_41 = arith.constant 0 : i32
    %dma_start3A_42 = tpu.memref_slice %arg6[%dma_start3A_30, %dma_start3A_31, %dma_start3A_41] : memref<2x200x64xf32, #tpu.memory_space<vmem>> -> memref<1x1x64xf32, #tpu.memory_space<vmem>>
    %dma_start3A_43 = tpu.memref_squeeze %dma_start3A_42 : memref<1x1x64xf32, #tpu.memory_space<vmem>> -> memref<64xf32, #tpu.memory_space<vmem>>
    %dma_start3A_44 = arith.constant 0 : i32
    %dma_start3A_45 = tpu.memref_slice %arg3[%squeeze3A_29, %dma_start3A_44] : memref<1000000x64xf32, #tpu.memory_space<hbm>> -> memref<1x64xf32, #tpu.memory_space<hbm>>
    %dma_start3A_46 = tpu.memref_squeeze %dma_start3A_45 : memref<1x64xf32, #tpu.memory_space<hbm>> -> memref<64xf32, #tpu.memory_space<hbm>>
    tpu.enqueue_dma source(%dma_start3A_46 : memref<64xf32, #tpu.memory_space<hbm>>) target(%dma_start3A_43 : memref<64xf32, #tpu.memory_space<vmem>>) target_semaphore(%dma_start3A_40 : memref<!tpu.dma_semaphore, #tpu.memory_space<semaphore_mem>>)
    %slice3A_47 = vector.extract_strided_slice %get3A_11 {offsets = [2], sizes = [1], strides = [1]} : vector<16xi32> to vector<1xi32>
    %squeeze3A_48 = vector.extract %slice3A_47[0] : i32 from vector<1xi32>
    %dma_start3A_49 = arith.constant 0 : i32
    %dma_start3A_50 = arith.constant 194 : i32
    %dma_start3A_51 = arith.constant 0 : i32
    %dma_start3A_52 = arith.constant 0 : i32
    %dma_start3A_53 = tpu.memref_slice %arg6[%dma_start3A_49, %dma_start3A_50, %dma_start3A_52] : memref<2x200x64xf32, #tpu.memory_space<vmem>> -> memref<1x1x64xf32, #tpu.memory_space<vmem>>
    %dma_start3A_54 = tpu.memref_squeeze %dma_start3A_53 : memref<1x1x64xf32, #tpu.memory_space<vmem>> -> memref<64xf32, #tpu.memory_space<vmem>>
    %dma_start3A_55 = arith.constant 0 : i32
    %dma_start3A_56 = tpu.memref_slice %arg3[%squeeze3A_48, %dma_start3A_55] : memref<1000000x64xf32, #tpu.memory_space<hbm>> -> memref<1x64xf32, #tpu.memory_space<hbm>>
    %dma_start3A_57 = tpu.memref_squeeze %dma_start3A_56 : memref<1x64xf32, #tpu.memory_space<hbm>> -> memref<64xf32, #tpu.memory_space<hbm>>
    %dma_start3A_58 = tpu.memref_slice %arg7[%dma_start3A_51] : memref<2x!tpu.dma_semaphore, #tpu.memory_space<semaphore_mem>> -> memref<1x!tpu.dma_semaphore, #tpu.memory_space<semaphore_mem>>
    %dma_start3A_59 = tpu.memref_squeeze %dma_start3A_58 : memref<1x!tpu.dma_semaphore, #tpu.memory_space<semaphore_mem>> -> memref<!tpu.dma_semaphore, #tpu.memory_space<semaphore_mem>>
    %dma_start3A_60 = arith.constant 0 : i32
    %dma_start3A_61 = tpu.memref_slice %arg6[%dma_start3A_49, %dma_start3A_50, %dma_start3A_60] : memref<2x200x64xf32, #tpu.memory_space<vmem>> -> memref<1x1x64xf32, #tpu.memory_space<vmem>>
    %dma_start3A_62 = tpu.memref_squeeze %dma_start3A_61 : memref<1x1x64xf32, #tpu.memory_space<vmem>> -> memref<64xf32, #tpu.memory_space<vmem>>
    %dma_start3A_63 = arith.constant 0 : i32
    %dma_start3A_64 = tpu.memref_slice %arg3[%squeeze3A_48, %dma_start3A_63] : memref<1000000x64xf32, #tpu.memory_space<hbm>> -> memref<1x64xf32, #tpu.memory_space<hbm>>
    %dma_start3A_65 = tpu.memref_squeeze %dma_start3A_64 : memref<1x64xf32, #tpu.memory_space<hbm>> -> memref<64xf32, #tpu.memory_space<hbm>>
    tpu.enqueue_dma source(%dma_start3A_65 : memref<64xf32, #tpu.memory_space<hbm>>) target(%dma_start3A_62 : memref<64xf32, #tpu.memory_space<vmem>>) target_semaphore(%dma_start3A_59 : memref<!tpu.dma_semaphore, #tpu.memory_space<semaphore_mem>>)
    %slice3A_66 = vector.extract_strided_slice %get3A_11 {offsets = [3], sizes = [1], strides = [1]} : vector<16xi32> to vector<1xi32>
    %squeeze3A_67 = vector.extract %slice3A_66[0] : i32 from vector<1xi32>
    %dma_start3A_68 = arith.constant 0 : i32
    %dma_start3A_69 = arith.constant 195 : i32
    %dma_start3A_70 = arith.constant 0 : i32
    %dma_start3A_71 = arith.constant 0 : i32
    %dma_start3A_72 = tpu.memref_slice %arg6[%dma_start3A_68, %dma_start3A_69, %dma_start3A_71] : memref<2x200x64xf32, #tpu.memory_space<vmem>> -> memref<1x1x64xf32, #tpu.memory_space<vmem>>
    %dma_start3A_73 = tpu.memref_squeeze %dma_start3A_72 : memref<1x1x64xf32, #tpu.memory_space<vmem>> -> memref<64xf32, #tpu.memory_space<vmem>>
    %dma_start3A_74 = arith.constant 0 : i32
    %dma_start3A_75 = tpu.memref_slice %arg3[%squeeze3A_67, %dma_start3A_74] : memref<1000000x64xf32, #tpu.memory_space<hbm>> -> memref<1x64xf32, #tpu.memory_space<hbm>>
    %dma_start3A_76 = tpu.memref_squeeze %dma_start3A_75 : memref<1x64xf32, #tpu.memory_space<hbm>> -> memref<64xf32, #tpu.memory_space<hbm>>
    %dma_start3A_77 = tpu.memref_slice %arg7[%dma_start3A_70] : memref<2x!tpu.dma_semaphore, #tpu.memory_space<semaphore_mem>> -> memref<1x!tpu.dma_semaphore, #tpu.memory_space<semaphore_mem>>
    %dma_start3A_78 = tpu.memref_squeeze %dma_start3A_77 : memref<1x!tpu.dma_semaphore, #tpu.memory_space<semaphore_mem>> -> memref<!tpu.dma_semaphore, #tpu.memory_space<semaphore_mem>>
    %dma_start3A_79 = arith.constant 0 : i32
    %dma_start3A_80 = tpu.memref_slice %arg6[%dma_start3A_68, %dma_start3A_69, %dma_start3A_79] : memref<2x200x64xf32, #tpu.memory_space<vmem>> -> memref<1x1x64xf32, #tpu.memory_space<vmem>>
    %dma_start3A_81 = tpu.memref_squeeze %dma_start3A_80 : memref<1x1x64xf32, #tpu.memory_space<vmem>> -> memref<64xf32, #tpu.memory_space<vmem>>
    %dma_start3A_82 = arith.constant 0 : i32
    %dma_start3A_83 = tpu.memref_slice %arg3[%squeeze3A_67, %dma_start3A_82] : memref<1000000x64xf32, #tpu.memory_space<hbm>> -> memref<1x64xf32, #tpu.memory_space<hbm>>
    %dma_start3A_84 = tpu.memref_squeeze %dma_start3A_83 : memref<1x64xf32, #tpu.memory_space<hbm>> -> memref<64xf32, #tpu.memory_space<hbm>>
    tpu.enqueue_dma source(%dma_start3A_84 : memref<64xf32, #tpu.memory_space<hbm>>) target(%dma_start3A_81 : memref<64xf32, #tpu.memory_space<vmem>>) target_semaphore(%dma_start3A_78 : memref<!tpu.dma_semaphore, #tpu.memory_space<semaphore_mem>>)
    %slice3A_85 = vector.extract_strided_slice %get3A_11 {offsets = [4], sizes = [1], strides = [1]} : vector<16xi32> to vector<1xi32>
    %squeeze3A_86 = vector.extract %slice3A_85[0] : i32 from vector<1xi32>
    %dma_start3A_87 = arith.constant 0 : i32
    %dma_start3A_88 = arith.constant 196 : i32
    %dma_start3A_89 = arith.constant 0 : i32
    %dma_start3A_90 = arith.constant 0 : i32
    %dma_start3A_91 = tpu.memref_slice %arg6[%dma_start3A_87, %dma_start3A_88, %dma_start3A_90] : memref<2x200x64xf32, #tpu.memory_space<vmem>> -> memref<1x1x64xf32, #tpu.memory_space<vmem>>
    %dma_start3A_92 = tpu.memref_squeeze %dma_start3A_91 : memref<1x1x64xf32, #tpu.memory_space<vmem>> -> memref<64xf32, #tpu.memory_space<vmem>>
    %dma_start3A_93 = arith.constant 0 : i32
    %dma_start3A_94 = tpu.memref_slice %arg3[%squeeze3A_86, %dma_start3A_93] : memref<1000000x64xf32, #tpu.memory_space<hbm>> -> memref<1x64xf32, #tpu.memory_space<hbm>>
    %dma_start3A_95 = tpu.memref_squeeze %dma_start3A_94 : memref<1x64xf32, #tpu.memory_space<hbm>> -> memref<64xf32, #tpu.memory_space<hbm>>
    %dma_start3A_96 = tpu.memref_slice %arg7[%dma_start3A_89] : memref<2x!tpu.dma_semaphore, #tpu.memory_space<semaphore_mem>> -> memref<1x!tpu.dma_semaphore, #tpu.memory_space<semaphore_mem>>
    %dma_start3A_97 = tpu.memref_squeeze %dma_start3A_96 : memref<1x!tpu.dma_semaphore, #tpu.memory_space<semaphore_mem>> -> memref<!tpu.dma_semaphore, #tpu.memory_space<semaphore_mem>>
    %dma_start3A_98 = arith.constant 0 : i32
    %dma_start3A_99 = tpu.memref_slice %arg6[%dma_start3A_87, %dma_start3A_88, %dma_start3A_98] : memref<2x200x64xf32, #tpu.memory_space<vmem>> -> memref<1x1x64xf32, #tpu.memory_space<vmem>>
    %dma_start3A_100 = tpu.memref_squeeze %dma_start3A_99 : memref<1x1x64xf32, #tpu.memory_space<vmem>> -> memref<64xf32, #tpu.memory_space<vmem>>
    %dma_start3A_101 = arith.constant 0 : i32
    %dma_start3A_102 = tpu.memref_slice %arg3[%squeeze3A_86, %dma_start3A_101] : memref<1000000x64xf32, #tpu.memory_space<hbm>> -> memref<1x64xf32, #tpu.memory_space<hbm>>
    %dma_start3A_103 = tpu.memref_squeeze %dma_start3A_102 : memref<1x64xf32, #tpu.memory_space<hbm>> -> memref<64xf32, #tpu.memory_space<hbm>>
    tpu.enqueue_dma source(%dma_start3A_103 : memref<64xf32, #tpu.memory_space<hbm>>) target(%dma_start3A_100 : memref<64xf32, #tpu.memory_space<vmem>>) target_semaphore(%dma_start3A_97 : memref<!tpu.dma_semaphore, #tpu.memory_space<semaphore_mem>>)
    %slice3A_104 = vector.extract_strided_slice %get3A_11 {offsets = [5], sizes = [1], strides = [1]} : vector<16xi32> to vector<1xi32>
    %squeeze3A_105 = vector.extract %slice3A_104[0] : i32 from vector<1xi32>
    %dma_start3A_106 = arith.constant 0 : i32
    %dma_start3A_107 = arith.constant 197 : i32
    %dma_start3A_108 = arith.constant 0 : i32
    %dma_start3A_109 = arith.constant 0 : i32
    %dma_start3A_110 = tpu.memref_slice %arg6[%dma_start3A_106, %dma_start3A_107, %dma_start3A_109] : memref<2x200x64xf32, #tpu.memory_space<vmem>> -> memref<1x1x64xf32, #tpu.memory_space<vmem>>
    %dma_start3A_111 = tpu.memref_squeeze %dma_start3A_110 : memref<1x1x64xf32, #tpu.memory_space<vmem>> -> memref<64xf32, #tpu.memory_space<vmem>>
    %dma_start3A_112 = arith.constant 0 : i32
    %dma_start3A_113 = tpu.memref_slice %arg3[%squeeze3A_105, %dma_start3A_112] : memref<1000000x64xf32, #tpu.memory_space<hbm>> -> memref<1x64xf32, #tpu.memory_space<hbm>>
    %dma_start3A_114 = tpu.memref_squeeze %dma_start3A_113 : memref<1x64xf32, #tpu.memory_space<hbm>> -> memref<64xf32, #tpu.memory_space<hbm>>
    %dma_start3A_115 = tpu.memref_slice %arg7[%dma_start3A_108] : memref<2x!tpu.dma_semaphore, #tpu.memory_space<semaphore_mem>> -> memref<1x!tpu.dma_semaphore, #tpu.memory_space<semaphore_mem>>
    %dma_start3A_116 = tpu.memref_squeeze %dma_start3A_115 : memref<1x!tpu.dma_semaphore, #tpu.memory_space<semaphore_mem>> -> memref<!tpu.dma_semaphore, #tpu.memory_space<semaphore_mem>>
    %dma_start3A_117 = arith.constant 0 : i32
    %dma_start3A_118 = tpu.memref_slice %arg6[%dma_start3A_106, %dma_start3A_107, %dma_start3A_117] : memref<2x200x64xf32, #tpu.memory_space<vmem>> -> memref<1x1x64xf32, #tpu.memory_space<vmem>>
    %dma_start3A_119 = tpu.memref_squeeze %dma_start3A_118 : memref<1x1x64xf32, #tpu.memory_space<vmem>> -> memref<64xf32, #tpu.memory_space<vmem>>
    %dma_start3A_120 = arith.constant 0 : i32
    %dma_start3A_121 = tpu.memref_slice %arg3[%squeeze3A_105, %dma_start3A_120] : memref<1000000x64xf32, #tpu.memory_space<hbm>> -> memref<1x64xf32, #tpu.memory_space<hbm>>
    %dma_start3A_122 = tpu.memref_squeeze %dma_start3A_121 : memref<1x64xf32, #tpu.memory_space<hbm>> -> memref<64xf32, #tpu.memory_space<hbm>>
    tpu.enqueue_dma source(%dma_start3A_122 : memref<64xf32, #tpu.memory_space<hbm>>) target(%dma_start3A_119 : memref<64xf32, #tpu.memory_space<vmem>>) target_semaphore(%dma_start3A_116 : memref<!tpu.dma_semaphore, #tpu.memory_space<semaphore_mem>>)
    %slice3A_123 = vector.extract_strided_slice %get3A_11 {offsets = [6], sizes = [1], strides = [1]} : vector<16xi32> to vector<1xi32>
    %squeeze3A_124 = vector.extract %slice3A_123[0] : i32 from vector<1xi32>
    %dma_start3A_125 = arith.constant 0 : i32
    %dma_start3A_126 = arith.constant 198 : i32
    %dma_start3A_127 = arith.constant 0 : i32
    %dma_start3A_128 = arith.constant 0 : i32
    %dma_start3A_129 = tpu.memref_slice %arg6[%dma_start3A_125, %dma_start3A_126, %dma_start3A_128] : memref<2x200x64xf32, #tpu.memory_space<vmem>> -> memref<1x1x64xf32, #tpu.memory_space<vmem>>
    %dma_start3A_130 = tpu.memref_squeeze %dma_start3A_129 : memref<1x1x64xf32, #tpu.memory_space<vmem>> -> memref<64xf32, #tpu.memory_space<vmem>>
    %dma_start3A_131 = arith.constant 0 : i32
    %dma_start3A_132 = tpu.memref_slice %arg3[%squeeze3A_124, %dma_start3A_131] : memref<1000000x64xf32, #tpu.memory_space<hbm>> -> memref<1x64xf32, #tpu.memory_space<hbm>>
    %dma_start3A_133 = tpu.memref_squeeze %dma_start3A_132 : memref<1x64xf32, #tpu.memory_space<hbm>> -> memref<64xf32, #tpu.memory_space<hbm>>
    %dma_start3A_134 = tpu.memref_slice %arg7[%dma_start3A_127] : memref<2x!tpu.dma_semaphore, #tpu.memory_space<semaphore_mem>> -> memref<1x!tpu.dma_semaphore, #tpu.memory_space<semaphore_mem>>
    %dma_start3A_135 = tpu.memref_squeeze %dma_start3A_134 : memref<1x!tpu.dma_semaphore, #tpu.memory_space<semaphore_mem>> -> memref<!tpu.dma_semaphore, #tpu.memory_space<semaphore_mem>>
    %dma_start3A_136 = arith.constant 0 : i32
    %dma_start3A_137 = tpu.memref_slice %arg6[%dma_start3A_125, %dma_start3A_126, %dma_start3A_136] : memref<2x200x64xf32, #tpu.memory_space<vmem>> -> memref<1x1x64xf32, #tpu.memory_space<vmem>>
    %dma_start3A_138 = tpu.memref_squeeze %dma_start3A_137 : memref<1x1x64xf32, #tpu.memory_space<vmem>> -> memref<64xf32, #tpu.memory_space<vmem>>
    %dma_start3A_139 = arith.constant 0 : i32
    %dma_start3A_140 = tpu.memref_slice %arg3[%squeeze3A_124, %dma_start3A_139] : memref<1000000x64xf32, #tpu.memory_space<hbm>> -> memref<1x64xf32, #tpu.memory_space<hbm>>
    %dma_start3A_141 = tpu.memref_squeeze %dma_start3A_140 : memref<1x64xf32, #tpu.memory_space<hbm>> -> memref<64xf32, #tpu.memory_space<hbm>>
    tpu.enqueue_dma source(%dma_start3A_141 : memref<64xf32, #tpu.memory_space<hbm>>) target(%dma_start3A_138 : memref<64xf32, #tpu.memory_space<vmem>>) target_semaphore(%dma_start3A_135 : memref<!tpu.dma_semaphore, #tpu.memory_space<semaphore_mem>>)
    %slice3A_142 = vector.extract_strided_slice %get3A_11 {offsets = [7], sizes = [1], strides = [1]} : vector<16xi32> to vector<1xi32>
    %squeeze3A_143 = vector.extract %slice3A_142[0] : i32 from vector<1xi32>
    %dma_start3A_144 = arith.constant 0 : i32
    %dma_start3A_145 = arith.constant 199 : i32
    %dma_start3A_146 = arith.constant 0 : i32
    %dma_start3A_147 = arith.constant 0 : i32
    %dma_start3A_148 = tpu.memref_slice %arg6[%dma_start3A_144, %dma_start3A_145, %dma_start3A_147] : memref<2x200x64xf32, #tpu.memory_space<vmem>> -> memref<1x1x64xf32, #tpu.memory_space<vmem>>
    %dma_start3A_149 = tpu.memref_squeeze %dma_start3A_148 : memref<1x1x64xf32, #tpu.memory_space<vmem>> -> memref<64xf32, #tpu.memory_space<vmem>>
    %dma_start3A_150 = arith.constant 0 : i32
    %dma_start3A_151 = tpu.memref_slice %arg3[%squeeze3A_143, %dma_start3A_150] : memref<1000000x64xf32, #tpu.memory_space<hbm>> -> memref<1x64xf32, #tpu.memory_space<hbm>>
    %dma_start3A_152 = tpu.memref_squeeze %dma_start3A_151 : memref<1x64xf32, #tpu.memory_space<hbm>> -> memref<64xf32, #tpu.memory_space<hbm>>
    %dma_start3A_153 = tpu.memref_slice %arg7[%dma_start3A_146] : memref<2x!tpu.dma_semaphore, #tpu.memory_space<semaphore_mem>> -> memref<1x!tpu.dma_semaphore, #tpu.memory_space<semaphore_mem>>
    %dma_start3A_154 = tpu.memref_squeeze %dma_start3A_153 : memref<1x!tpu.dma_semaphore, #tpu.memory_space<semaphore_mem>> -> memref<!tpu.dma_semaphore, #tpu.memory_space<semaphore_mem>>
    %dma_start3A_155 = arith.constant 0 : i32
    %dma_start3A_156 = tpu.memref_slice %arg6[%dma_start3A_144, %dma_start3A_145, %dma_start3A_155] : memref<2x200x64xf32, #tpu.memory_space<vmem>> -> memref<1x1x64xf32, #tpu.memory_space<vmem>>
    %dma_start3A_157 = tpu.memref_squeeze %dma_start3A_156 : memref<1x1x64xf32, #tpu.memory_space<vmem>> -> memref<64xf32, #tpu.memory_space<vmem>>
    %dma_start3A_158 = arith.constant 0 : i32
    %dma_start3A_159 = tpu.memref_slice %arg3[%squeeze3A_143, %dma_start3A_158] : memref<1000000x64xf32, #tpu.memory_space<hbm>> -> memref<1x64xf32, #tpu.memory_space<hbm>>
    %dma_start3A_160 = tpu.memref_squeeze %dma_start3A_159 : memref<1x64xf32, #tpu.memory_space<hbm>> -> memref<64xf32, #tpu.memory_space<hbm>>
    tpu.enqueue_dma source(%dma_start3A_160 : memref<64xf32, #tpu.memory_space<hbm>>) target(%dma_start3A_157 : memref<64xf32, #tpu.memory_space<vmem>>) target_semaphore(%dma_start3A_154 : memref<!tpu.dma_semaphore, #tpu.memory_space<semaphore_mem>>)
    %scan3A_161 = arith.constant 0 : i32
    %scan3A_162 = arith.constant 0 : i32
    %scan3A_163 = arith.constant 64 : i32
    %scan3A_164 = arith.addi %scan3A_162, %scan3A_163 : i32
    %scan3A_165 = arith.constant 1 : i32
    scf.for %scan3A_186 = %scan3A_162 to %scan3A_164 step %scan3A_165  : i32 {
      %mul3A_187 = arith.constant 2 : i32
      %mul3A_188 = arith.muli %mul3A_187, %scan3A_186 : i32
      %add3A_189 = arith.constant 0 : i32
      %add3A_190 = arith.addi %mul3A_188, %add3A_189 : i32
      %ge3A = arith.constant 1 : i32
      %ge3A_191 = arith.cmpi sge, %add3A_190, %ge3A : i32
      %convert_element_type3A = arith.extui %ge3A_191 : i1 to i32
      %cond3A = arith.constant 0 : i32
      %cond3A_192 = arith.cmpi ne, %convert_element_type3A, %cond3A : i32
      scf.if %cond3A_192 {
        %dma_wait3A_269 = arith.constant 1 : i32
        %dma_wait3A_270 = arith.constant 1 : i32
        %dma_wait3A_271 = arith.constant 0 : i32
        %dma_wait3A_272 = arith.constant 0 : i32
        %dma_wait3A_273 = tpu.memref_slice %arg6[%dma_wait3A_269, %dma_wait3A_271, %dma_wait3A_272] : memref<2x200x64xf32, #tpu.memory_space<vmem>> -> memref<1x200x64xf32, #tpu.memory_space<vmem>>
        %dma_wait3A_274 = tpu.memref_squeeze %dma_wait3A_273 : memref<1x200x64xf32, #tpu.memory_space<vmem>> -> memref<200x64xf32, #tpu.memory_space<vmem>>
        %dma_wait3A_275 = arith.constant 0 : i32
        %dma_wait3A_276 = arith.constant 0 : i32
        %dma_wait3A_277 = tpu.memref_slice %arg4[%mul3A_2, %dma_wait3A_275, %dma_wait3A_276] : memref<4096x200x64xf32, #tpu.memory_space<hbm>> -> memref<1x200x64xf32, #tpu.memory_space<hbm>>
        %dma_wait3A_278 = tpu.memref_squeeze %dma_wait3A_277 : memref<1x200x64xf32, #tpu.memory_space<hbm>> -> memref<200x64xf32, #tpu.memory_space<hbm>>
        %dma_wait3A_279 = tpu.memref_slice %arg8[%dma_wait3A_270] : memref<2x!tpu.dma_semaphore, #tpu.memory_space<semaphore_mem>> -> memref<1x!tpu.dma_semaphore, #tpu.memory_space<semaphore_mem>>
        %dma_wait3A_280 = tpu.memref_squeeze %dma_wait3A_279 : memref<1x!tpu.dma_semaphore, #tpu.memory_space<semaphore_mem>> -> memref<!tpu.dma_semaphore, #tpu.memory_space<semaphore_mem>>
        %dma_wait3A_281 = arith.constant 0 : i32
        %dma_wait3A_282 = arith.constant 0 : i32
        %dma_wait3A_283 = tpu.memref_slice %arg4[%mul3A_2, %dma_wait3A_281, %dma_wait3A_282] : memref<4096x200x64xf32, #tpu.memory_space<hbm>> -> memref<1x200x64xf32, #tpu.memory_space<hbm>>
        %dma_wait3A_284 = tpu.memref_squeeze %dma_wait3A_283 : memref<1x200x64xf32, #tpu.memory_space<hbm>> -> memref<200x64xf32, #tpu.memory_space<hbm>>
        %dma_wait3A_285 = arith.constant 0 : i32
        %dma_wait3A_286 = arith.constant 0 : i32
        %dma_wait3A_287 = tpu.memref_slice %arg6[%dma_wait3A_269, %dma_wait3A_285, %dma_wait3A_286] : memref<2x200x64xf32, #tpu.memory_space<vmem>> -> memref<1x200x64xf32, #tpu.memory_space<vmem>>
        %dma_wait3A_288 = tpu.memref_squeeze %dma_wait3A_287 : memref<1x200x64xf32, #tpu.memory_space<vmem>> -> memref<200x64xf32, #tpu.memory_space<vmem>>
        tpu.wait_dma2 semaphore(%dma_wait3A_280 : memref<!tpu.dma_semaphore, #tpu.memory_space<semaphore_mem>>) src(%dma_wait3A_288 : memref<200x64xf32, #tpu.memory_space<vmem>>) dst(%dma_wait3A_284 : memref<200x64xf32, #tpu.memory_space<hbm>>)
      } else {
      }
      %add3A_193 = arith.constant 1 : i32
      %add3A_194 = arith.addi %add3A_190, %add3A_193 : i32
      %lt3A = arith.constant 128 : i32
      %lt3A_195 = arith.cmpi slt, %add3A_194, %lt3A : i32
      %convert_element_type3A_196 = arith.extui %lt3A_195 : i1 to i32
      %cond3A_197 = arith.constant 0 : i32
      %cond3A_198 = arith.cmpi ne, %convert_element_type3A_196, %cond3A_197 : i32
      scf.if %cond3A_198 {
        %add3A_269 = arith.constant 1 : i32
        %add3A_270 = arith.addi %add3A_190, %add3A_269 : i32
        %scan3A_271 = arith.constant 0 : i32
        %scan3A_272 = arith.constant 0 : i32
        %scan3A_273 = arith.constant 12 : i32
        %scan3A_274 = arith.addi %scan3A_272, %scan3A_273 : i32
        %scan3A_275 = arith.constant 1 : i32
        scf.for %scan3A_433 = %scan3A_272 to %scan3A_274 step %scan3A_275  : i32 {
          %mul3A_434 = arith.constant 16 : i32
          %mul3A_435 = arith.muli %scan3A_433, %mul3A_434 : i32
          %get3A_436 = arith.index_cast %add3A_270 : i32 to index
          %get3A_437 = arith.index_cast %mul3A_435 : i32 to index
          %get3A_438 = tpu.vector_load %arg5[%get3A_436, %get3A_437] {strides = array<i32>} : memref<128x256xi32, #tpu.memory_space<vmem>>, vector<1x16xi32>,
          %get3A_439 = vector.shape_cast %get3A_438 : vector<1x16xi32> to vector<16xi32>
          %slice3A_440 = vector.extract_strided_slice %get3A_439 {offsets = [0], sizes = [1], strides = [1]} : vector<16xi32> to vector<1xi32>
          %squeeze3A_441 = vector.extract %slice3A_440[0] : i32 from vector<1xi32>
          %mul3A_442 = arith.constant 16 : i32
          %mul3A_443 = arith.muli %scan3A_433, %mul3A_442 : i32
          %add3A_444 = arith.constant 0 : i32
          %add3A_445 = arith.addi %mul3A_443, %add3A_444 : i32
          %dma_start3A_446 = arith.constant 1 : i32
          %dma_start3A_447 = arith.constant 1 : i32
          %dma_start3A_448 = arith.constant 0 : i32
          %dma_start3A_449 = tpu.memref_slice %arg6[%dma_start3A_446, %add3A_445, %dma_start3A_448] : memref<2x200x64xf32, #tpu.memory_space<vmem>> -> memref<1x1x64xf32, #tpu.memory_space<vmem>>
          %dma_start3A_450 = tpu.memref_squeeze %dma_start3A_449 : memref<1x1x64xf32, #tpu.memory_space<vmem>> -> memref<64xf32, #tpu.memory_space<vmem>>
          %dma_start3A_451 = arith.constant 0 : i32
          %dma_start3A_452 = tpu.memref_slice %arg3[%squeeze3A_441, %dma_start3A_451] : memref<1000000x64xf32, #tpu.memory_space<hbm>> -> memref<1x64xf32, #tpu.memory_space<hbm>>
          %dma_start3A_453 = tpu.memref_squeeze %dma_start3A_452 : memref<1x64xf32, #tpu.memory_space<hbm>> -> memref<64xf32, #tpu.memory_space<hbm>>
          %dma_start3A_454 = tpu.memref_slice %arg7[%dma_start3A_447] : memref<2x!tpu.dma_semaphore, #tpu.memory_space<semaphore_mem>> -> memref<1x!tpu.dma_semaphore, #tpu.memory_space<semaphore_mem>>
          %dma_start3A_455 = tpu.memref_squeeze %dma_start3A_454 : memref<1x!tpu.dma_semaphore, #tpu.memory_space<semaphore_mem>> -> memref<!tpu.dma_semaphore, #tpu.memory_space<semaphore_mem>>
          %dma_start3A_456 = arith.constant 0 : i32
          %dma_start3A_457 = tpu.memref_slice %arg6[%dma_start3A_446, %add3A_445, %dma_start3A_456] : memref<2x200x64xf32, #tpu.memory_space<vmem>> -> memref<1x1x64xf32, #tpu.memory_space<vmem>>
          %dma_start3A_458 = tpu.memref_squeeze %dma_start3A_457 : memref<1x1x64xf32, #tpu.memory_space<vmem>> -> memref<64xf32, #tpu.memory_space<vmem>>
          %dma_start3A_459 = arith.constant 0 : i32
          %dma_start3A_460 = tpu.memref_slice %arg3[%squeeze3A_441, %dma_start3A_459] : memref<1000000x64xf32, #tpu.memory_space<hbm>> -> memref<1x64xf32, #tpu.memory_space<hbm>>
          %dma_start3A_461 = tpu.memref_squeeze %dma_start3A_460 : memref<1x64xf32, #tpu.memory_space<hbm>> -> memref<64xf32, #tpu.memory_space<hbm>>
          tpu.enqueue_dma source(%dma_start3A_461 : memref<64xf32, #tpu.memory_space<hbm>>) target(%dma_start3A_458 : memref<64xf32, #tpu.memory_space<vmem>>) target_semaphore(%dma_start3A_455 : memref<!tpu.dma_semaphore, #tpu.memory_space<semaphore_mem>>)
          %slice3A_462 = vector.extract_strided_slice %get3A_439 {offsets = [1], sizes = [1], strides = [1]} : vector<16xi32> to vector<1xi32>
          %squeeze3A_463 = vector.extract %slice3A_462[0] : i32 from vector<1xi32>
          %mul3A_464 = arith.constant 16 : i32
          %mul3A_465 = arith.muli %scan3A_433, %mul3A_464 : i32
          %add3A_466 = arith.constant 1 : i32
          %add3A_467 = arith.addi %mul3A_465, %add3A_466 : i32
          %dma_start3A_468 = arith.constant 1 : i32
          %dma_start3A_469 = arith.constant 1 : i32
          %dma_start3A_470 = arith.constant 0 : i32
          %dma_start3A_471 = tpu.memref_slice %arg6[%dma_start3A_468, %add3A_467, %dma_start3A_470] : memref<2x200x64xf32, #tpu.memory_space<vmem>> -> memref<1x1x64xf32, #tpu.memory_space<vmem>>
          %dma_start3A_472 = tpu.memref_squeeze %dma_start3A_471 : memref<1x1x64xf32, #tpu.memory_space<vmem>> -> memref<64xf32, #tpu.memory_space<vmem>>
          %dma_start3A_473 = arith.constant 0 : i32
          %dma_start3A_474 = tpu.memref_slice %arg3[%squeeze3A_463, %dma_start3A_473] : memref<1000000x64xf32, #tpu.memory_space<hbm>> -> memref<1x64xf32, #tpu.memory_space<hbm>>
          %dma_start3A_475 = tpu.memref_squeeze %dma_start3A_474 : memref<1x64xf32, #tpu.memory_space<hbm>> -> memref<64xf32, #tpu.memory_space<hbm>>
          %dma_start3A_476 = tpu.memref_slice %arg7[%dma_start3A_469] : memref<2x!tpu.dma_semaphore, #tpu.memory_space<semaphore_mem>> -> memref<1x!tpu.dma_semaphore, #tpu.memory_space<semaphore_mem>>
          %dma_start3A_477 = tpu.memref_squeeze %dma_start3A_476 : memref<1x!tpu.dma_semaphore, #tpu.memory_space<semaphore_mem>> -> memref<!tpu.dma_semaphore, #tpu.memory_space<semaphore_mem>>
          %dma_start3A_478 = arith.constant 0 : i32
          %dma_start3A_479 = tpu.memref_slice %arg6[%dma_start3A_468, %add3A_467, %dma_start3A_478] : memref<2x200x64xf32, #tpu.memory_space<vmem>> -> memref<1x1x64xf32, #tpu.memory_space<vmem>>
          %dma_start3A_480 = tpu.memref_squeeze %dma_start3A_479 : memref<1x1x64xf32, #tpu.memory_space<vmem>> -> memref<64xf32, #tpu.memory_space<vmem>>
          %dma_start3A_481 = arith.constant 0 : i32
          %dma_start3A_482 = tpu.memref_slice %arg3[%squeeze3A_463, %dma_start3A_481] : memref<1000000x64xf32, #tpu.memory_space<hbm>> -> memref<1x64xf32, #tpu.memory_space<hbm>>
          %dma_start3A_483 = tpu.memref_squeeze %dma_start3A_482 : memref<1x64xf32, #tpu.memory_space<hbm>> -> memref<64xf32, #tpu.memory_space<hbm>>
          tpu.enqueue_dma source(%dma_start3A_483 : memref<64xf32, #tpu.memory_space<hbm>>) target(%dma_start3A_480 : memref<64xf32, #tpu.memory_space<vmem>>) target_semaphore(%dma_start3A_477 : memref<!tpu.dma_semaphore, #tpu.memory_space<semaphore_mem>>)
          %slice3A_484 = vector.extract_strided_slice %get3A_439 {offsets = [2], sizes = [1], strides = [1]} : vector<16xi32> to vector<1xi32>
          %squeeze3A_485 = vector.extract %slice3A_484[0] : i32 from vector<1xi32>
          %mul3A_486 = arith.constant 16 : i32
          %mul3A_487 = arith.muli %scan3A_433, %mul3A_486 : i32
          %add3A_488 = arith.constant 2 : i32
          %add3A_489 = arith.addi %mul3A_487, %add3A_488 : i32
          %dma_start3A_490 = arith.constant 1 : i32
          %dma_start3A_491 = arith.constant 1 : i32
          %dma_start3A_492 = arith.constant 0 : i32
          %dma_start3A_493 = tpu.memref_slice %arg6[%dma_start3A_490, %add3A_489, %dma_start3A_492] : memref<2x200x64xf32, #tpu.memory_space<vmem>> -> memref<1x1x64xf32, #tpu.memory_space<vmem>>
          %dma_start3A_494 = tpu.memref_squeeze %dma_start3A_493 : memref<1x1x64xf32, #tpu.memory_space<vmem>> -> memref<64xf32, #tpu.memory_space<vmem>>
          %dma_start3A_495 = arith.constant 0 : i32
          %dma_start3A_496 = tpu.memref_slice %arg3[%squeeze3A_485, %dma_start3A_495] : memref<1000000x64xf32, #tpu.memory_space<hbm>> -> memref<1x64xf32, #tpu.memory_space<hbm>>
          %dma_start3A_497 = tpu.memref_squeeze %dma_start3A_496 : memref<1x64xf32, #tpu.memory_space<hbm>> -> memref<64xf32, #tpu.memory_space<hbm>>
          %dma_start3A_498 = tpu.memref_slice %arg7[%dma_start3A_491] : memref<2x!tpu.dma_semaphore, #tpu.memory_space<semaphore_mem>> -> memref<1x!tpu.dma_semaphore, #tpu.memory_space<semaphore_mem>>
          %dma_start3A_499 = tpu.memref_squeeze %dma_start3A_498 : memref<1x!tpu.dma_semaphore, #tpu.memory_space<semaphore_mem>> -> memref<!tpu.dma_semaphore, #tpu.memory_space<semaphore_mem>>
          %dma_start3A_500 = arith.constant 0 : i32
          %dma_start3A_501 = tpu.memref_slice %arg6[%dma_start3A_490, %add3A_489, %dma_start3A_500] : memref<2x200x64xf32, #tpu.memory_space<vmem>> -> memref<1x1x64xf32, #tpu.memory_space<vmem>>
          %dma_start3A_502 = tpu.memref_squeeze %dma_start3A_501 : memref<1x1x64xf32, #tpu.memory_space<vmem>> -> memref<64xf32, #tpu.memory_space<vmem>>
          %dma_start3A_503 = arith.constant 0 : i32
          %dma_start3A_504 = tpu.memref_slice %arg3[%squeeze3A_485, %dma_start3A_503] : memref<1000000x64xf32, #tpu.memory_space<hbm>> -> memref<1x64xf32, #tpu.memory_space<hbm>>
          %dma_start3A_505 = tpu.memref_squeeze %dma_start3A_504 : memref<1x64xf32, #tpu.memory_space<hbm>> -> memref<64xf32, #tpu.memory_space<hbm>>
          tpu.enqueue_dma source(%dma_start3A_505 : memref<64xf32, #tpu.memory_space<hbm>>) target(%dma_start3A_502 : memref<64xf32, #tpu.memory_space<vmem>>) target_semaphore(%dma_start3A_499 : memref<!tpu.dma_semaphore, #tpu.memory_space<semaphore_mem>>)
          %slice3A_506 = vector.extract_strided_slice %get3A_439 {offsets = [3], sizes = [1], strides = [1]} : vector<16xi32> to vector<1xi32>
          %squeeze3A_507 = vector.extract %slice3A_506[0] : i32 from vector<1xi32>
          %mul3A_508 = arith.constant 16 : i32
          %mul3A_509 = arith.muli %scan3A_433, %mul3A_508 : i32
          %add3A_510 = arith.constant 3 : i32
          %add3A_511 = arith.addi %mul3A_509, %add3A_510 : i32
          %dma_start3A_512 = arith.constant 1 : i32
          %dma_start3A_513 = arith.constant 1 : i32
          %dma_start3A_514 = arith.constant 0 : i32
          %dma_start3A_515 = tpu.memref_slice %arg6[%dma_start3A_512, %add3A_511, %dma_start3A_514] : memref<2x200x64xf32, #tpu.memory_space<vmem>> -> memref<1x1x64xf32, #tpu.memory_space<vmem>>
          %dma_start3A_516 = tpu.memref_squeeze %dma_start3A_515 : memref<1x1x64xf32, #tpu.memory_space<vmem>> -> memref<64xf32, #tpu.memory_space<vmem>>
          %dma_start3A_517 = arith.constant 0 : i32
          %dma_start3A_518 = tpu.memref_slice %arg3[%squeeze3A_507, %dma_start3A_517] : memref<1000000x64xf32, #tpu.memory_space<hbm>> -> memref<1x64xf32, #tpu.memory_space<hbm>>
          %dma_start3A_519 = tpu.memref_squeeze %dma_start3A_518 : memref<1x64xf32, #tpu.memory_space<hbm>> -> memref<64xf32, #tpu.memory_space<hbm>>
          %dma_start3A_520 = tpu.memref_slice %arg7[%dma_start3A_513] : memref<2x!tpu.dma_semaphore, #tpu.memory_space<semaphore_mem>> -> memref<1x!tpu.dma_semaphore, #tpu.memory_space<semaphore_mem>>
          %dma_start3A_521 = tpu.memref_squeeze %dma_start3A_520 : memref<1x!tpu.dma_semaphore, #tpu.memory_space<semaphore_mem>> -> memref<!tpu.dma_semaphore, #tpu.memory_space<semaphore_mem>>
          %dma_start3A_522 = arith.constant 0 : i32
          %dma_start3A_523 = tpu.memref_slice %arg6[%dma_start3A_512, %add3A_511, %dma_start3A_522] : memref<2x200x64xf32, #tpu.memory_space<vmem>> -> memref<1x1x64xf32, #tpu.memory_space<vmem>>
          %dma_start3A_524 = tpu.memref_squeeze %dma_start3A_523 : memref<1x1x64xf32, #tpu.memory_space<vmem>> -> memref<64xf32, #tpu.memory_space<vmem>>
          %dma_start3A_525 = arith.constant 0 : i32
          %dma_start3A_526 = tpu.memref_slice %arg3[%squeeze3A_507, %dma_start3A_525] : memref<1000000x64xf32, #tpu.memory_space<hbm>> -> memref<1x64xf32, #tpu.memory_space<hbm>>
          %dma_start3A_527 = tpu.memref_squeeze %dma_start3A_526 : memref<1x64xf32, #tpu.memory_space<hbm>> -> memref<64xf32, #tpu.memory_space<hbm>>
          tpu.enqueue_dma source(%dma_start3A_527 : memref<64xf32, #tpu.memory_space<hbm>>) target(%dma_start3A_524 : memref<64xf32, #tpu.memory_space<vmem>>) target_semaphore(%dma_start3A_521 : memref<!tpu.dma_semaphore, #tpu.memory_space<semaphore_mem>>)
          %slice3A_528 = vector.extract_strided_slice %get3A_439 {offsets = [4], sizes = [1], strides = [1]} : vector<16xi32> to vector<1xi32>
          %squeeze3A_529 = vector.extract %slice3A_528[0] : i32 from vector<1xi32>
          %mul3A_530 = arith.constant 16 : i32
          %mul3A_531 = arith.muli %scan3A_433, %mul3A_530 : i32
          %add3A_532 = arith.constant 4 : i32
          %add3A_533 = arith.addi %mul3A_531, %add3A_532 : i32
          %dma_start3A_534 = arith.constant 1 : i32
          %dma_start3A_535 = arith.constant 1 : i32
          %dma_start3A_536 = arith.constant 0 : i32
          %dma_start3A_537 = tpu.memref_slice %arg6[%dma_start3A_534, %add3A_533, %dma_start3A_536] : memref<2x200x64xf32, #tpu.memory_space<vmem>> -> memref<1x1x64xf32, #tpu.memory_space<vmem>>
          %dma_start3A_538 = tpu.memref_squeeze %dma_start3A_537 : memref<1x1x64xf32, #tpu.memory_space<vmem>> -> memref<64xf32, #tpu.memory_space<vmem>>
          %dma_start3A_539 = arith.constant 0 : i32
          %dma_start3A_540 = tpu.memref_slice %arg3[%squeeze3A_529, %dma_start3A_539] : memref<1000000x64xf32, #tpu.memory_space<hbm>> -> memref<1x64xf32, #tpu.memory_space<hbm>>
          %dma_start3A_541 = tpu.memref_squeeze %dma_start3A_540 : memref<1x64xf32, #tpu.memory_space<hbm>> -> memref<64xf32, #tpu.memory_space<hbm>>
          %dma_start3A_542 = tpu.memref_slice %arg7[%dma_start3A_535] : memref<2x!tpu.dma_semaphore, #tpu.memory_space<semaphore_mem>> -> memref<1x!tpu.dma_semaphore, #tpu.memory_space<semaphore_mem>>
          %dma_start3A_543 = tpu.memref_squeeze %dma_start3A_542 : memref<1x!tpu.dma_semaphore, #tpu.memory_space<semaphore_mem>> -> memref<!tpu.dma_semaphore, #tpu.memory_space<semaphore_mem>>
          %dma_start3A_544 = arith.constant 0 : i32
          %dma_start3A_545 = tpu.memref_slice %arg6[%dma_start3A_534, %add3A_533, %dma_start3A_544] : memref<2x200x64xf32, #tpu.memory_space<vmem>> -> memref<1x1x64xf32, #tpu.memory_space<vmem>>
          %dma_start3A_546 = tpu.memref_squeeze %dma_start3A_545 : memref<1x1x64xf32, #tpu.memory_space<vmem>> -> memref<64xf32, #tpu.memory_space<vmem>>
          %dma_start3A_547 = arith.constant 0 : i32
          %dma_start3A_548 = tpu.memref_slice %arg3[%squeeze3A_529, %dma_start3A_547] : memref<1000000x64xf32, #tpu.memory_space<hbm>> -> memref<1x64xf32, #tpu.memory_space<hbm>>
          %dma_start3A_549 = tpu.memref_squeeze %dma_start3A_548 : memref<1x64xf32, #tpu.memory_space<hbm>> -> memref<64xf32, #tpu.memory_space<hbm>>
          tpu.enqueue_dma source(%dma_start3A_549 : memref<64xf32, #tpu.memory_space<hbm>>) target(%dma_start3A_546 : memref<64xf32, #tpu.memory_space<vmem>>) target_semaphore(%dma_start3A_543 : memref<!tpu.dma_semaphore, #tpu.memory_space<semaphore_mem>>)
          %slice3A_550 = vector.extract_strided_slice %get3A_439 {offsets = [5], sizes = [1], strides = [1]} : vector<16xi32> to vector<1xi32>
          %squeeze3A_551 = vector.extract %slice3A_550[0] : i32 from vector<1xi32>
          %mul3A_552 = arith.constant 16 : i32
          %mul3A_553 = arith.muli %scan3A_433, %mul3A_552 : i32
          %add3A_554 = arith.constant 5 : i32
          %add3A_555 = arith.addi %mul3A_553, %add3A_554 : i32
          %dma_start3A_556 = arith.constant 1 : i32
          %dma_start3A_557 = arith.constant 1 : i32
          %dma_start3A_558 = arith.constant 0 : i32
          %dma_start3A_559 = tpu.memref_slice %arg6[%dma_start3A_556, %add3A_555, %dma_start3A_558] : memref<2x200x64xf32, #tpu.memory_space<vmem>> -> memref<1x1x64xf32, #tpu.memory_space<vmem>>
          %dma_start3A_560 = tpu.memref_squeeze %dma_start3A_559 : memref<1x1x64xf32, #tpu.memory_space<vmem>> -> memref<64xf32, #tpu.memory_space<vmem>>
          %dma_start3A_561 = arith.constant 0 : i32
          %dma_start3A_562 = tpu.memref_slice %arg3[%squeeze3A_551, %dma_start3A_561] : memref<1000000x64xf32, #tpu.memory_space<hbm>> -> memref<1x64xf32, #tpu.memory_space<hbm>>
          %dma_start3A_563 = tpu.memref_squeeze %dma_start3A_562 : memref<1x64xf32, #tpu.memory_space<hbm>> -> memref<64xf32, #tpu.memory_space<hbm>>
          %dma_start3A_564 = tpu.memref_slice %arg7[%dma_start3A_557] : memref<2x!tpu.dma_semaphore, #tpu.memory_space<semaphore_mem>> -> memref<1x!tpu.dma_semaphore, #tpu.memory_space<semaphore_mem>>
          %dma_start3A_565 = tpu.memref_squeeze %dma_start3A_564 : memref<1x!tpu.dma_semaphore, #tpu.memory_space<semaphore_mem>> -> memref<!tpu.dma_semaphore, #tpu.memory_space<semaphore_mem>>
          %dma_start3A_566 = arith.constant 0 : i32
          %dma_start3A_567 = tpu.memref_slice %arg6[%dma_start3A_556, %add3A_555, %dma_start3A_566] : memref<2x200x64xf32, #tpu.memory_space<vmem>> -> memref<1x1x64xf32, #tpu.memory_space<vmem>>
          %dma_start3A_568 = tpu.memref_squeeze %dma_start3A_567 : memref<1x1x64xf32, #tpu.memory_space<vmem>> -> memref<64xf32, #tpu.memory_space<vmem>>
          %dma_start3A_569 = arith.constant 0 : i32
          %dma_start3A_570 = tpu.memref_slice %arg3[%squeeze3A_551, %dma_start3A_569] : memref<1000000x64xf32, #tpu.memory_space<hbm>> -> memref<1x64xf32, #tpu.memory_space<hbm>>
          %dma_start3A_571 = tpu.memref_squeeze %dma_start3A_570 : memref<1x64xf32, #tpu.memory_space<hbm>> -> memref<64xf32, #tpu.memory_space<hbm>>
          tpu.enqueue_dma source(%dma_start3A_571 : memref<64xf32, #tpu.memory_space<hbm>>) target(%dma_start3A_568 : memref<64xf32, #tpu.memory_space<vmem>>) target_semaphore(%dma_start3A_565 : memref<!tpu.dma_semaphore, #tpu.memory_space<semaphore_mem>>)
          %slice3A_572 = vector.extract_strided_slice %get3A_439 {offsets = [6], sizes = [1], strides = [1]} : vector<16xi32> to vector<1xi32>
          %squeeze3A_573 = vector.extract %slice3A_572[0] : i32 from vector<1xi32>
          %mul3A_574 = arith.constant 16 : i32
          %mul3A_575 = arith.muli %scan3A_433, %mul3A_574 : i32
          %add3A_576 = arith.constant 6 : i32
          %add3A_577 = arith.addi %mul3A_575, %add3A_576 : i32
          %dma_start3A_578 = arith.constant 1 : i32
          %dma_start3A_579 = arith.constant 1 : i32
          %dma_start3A_580 = arith.constant 0 : i32
          %dma_start3A_581 = tpu.memref_slice %arg6[%dma_start3A_578, %add3A_577, %dma_start3A_580] : memref<2x200x64xf32, #tpu.memory_space<vmem>> -> memref<1x1x64xf32, #tpu.memory_space<vmem>>
          %dma_start3A_582 = tpu.memref_squeeze %dma_start3A_581 : memref<1x1x64xf32, #tpu.memory_space<vmem>> -> memref<64xf32, #tpu.memory_space<vmem>>
          %dma_start3A_583 = arith.constant 0 : i32
          %dma_start3A_584 = tpu.memref_slice %arg3[%squeeze3A_573, %dma_start3A_583] : memref<1000000x64xf32, #tpu.memory_space<hbm>> -> memref<1x64xf32, #tpu.memory_space<hbm>>
          %dma_start3A_585 = tpu.memref_squeeze %dma_start3A_584 : memref<1x64xf32, #tpu.memory_space<hbm>> -> memref<64xf32, #tpu.memory_space<hbm>>
          %dma_start3A_586 = tpu.memref_slice %arg7[%dma_start3A_579] : memref<2x!tpu.dma_semaphore, #tpu.memory_space<semaphore_mem>> -> memref<1x!tpu.dma_semaphore, #tpu.memory_space<semaphore_mem>>
          %dma_start3A_587 = tpu.memref_squeeze %dma_start3A_586 : memref<1x!tpu.dma_semaphore, #tpu.memory_space<semaphore_mem>> -> memref<!tpu.dma_semaphore, #tpu.memory_space<semaphore_mem>>
          %dma_start3A_588 = arith.constant 0 : i32
          %dma_start3A_589 = tpu.memref_slice %arg6[%dma_start3A_578, %add3A_577, %dma_start3A_588] : memref<2x200x64xf32, #tpu.memory_space<vmem>> -> memref<1x1x64xf32, #tpu.memory_space<vmem>>
          %dma_start3A_590 = tpu.memref_squeeze %dma_start3A_589 : memref<1x1x64xf32, #tpu.memory_space<vmem>> -> memref<64xf32, #tpu.memory_space<vmem>>
          %dma_start3A_591 = arith.constant 0 : i32
          %dma_start3A_592 = tpu.memref_slice %arg3[%squeeze3A_573, %dma_start3A_591] : memref<1000000x64xf32, #tpu.memory_space<hbm>> -> memref<1x64xf32, #tpu.memory_space<hbm>>
          %dma_start3A_593 = tpu.memref_squeeze %dma_start3A_592 : memref<1x64xf32, #tpu.memory_space<hbm>> -> memref<64xf32, #tpu.memory_space<hbm>>
          tpu.enqueue_dma source(%dma_start3A_593 : memref<64xf32, #tpu.memory_space<hbm>>) target(%dma_start3A_590 : memref<64xf32, #tpu.memory_space<vmem>>) target_semaphore(%dma_start3A_587 : memref<!tpu.dma_semaphore, #tpu.memory_space<semaphore_mem>>)
          %slice3A_594 = vector.extract_strided_slice %get3A_439 {offsets = [7], sizes = [1], strides = [1]} : vector<16xi32> to vector<1xi32>
          %squeeze3A_595 = vector.extract %slice3A_594[0] : i32 from vector<1xi32>
          %mul3A_596 = arith.constant 16 : i32
          %mul3A_597 = arith.muli %scan3A_433, %mul3A_596 : i32
          %add3A_598 = arith.constant 7 : i32
          %add3A_599 = arith.addi %mul3A_597, %add3A_598 : i32
          %dma_start3A_600 = arith.constant 1 : i32
          %dma_start3A_601 = arith.constant 1 : i32
          %dma_start3A_602 = arith.constant 0 : i32
          %dma_start3A_603 = tpu.memref_slice %arg6[%dma_start3A_600, %add3A_599, %dma_start3A_602] : memref<2x200x64xf32, #tpu.memory_space<vmem>> -> memref<1x1x64xf32, #tpu.memory_space<vmem>>
          %dma_start3A_604 = tpu.memref_squeeze %dma_start3A_603 : memref<1x1x64xf32, #tpu.memory_space<vmem>> -> memref<64xf32, #tpu.memory_space<vmem>>
          %dma_start3A_605 = arith.constant 0 : i32
          %dma_start3A_606 = tpu.memref_slice %arg3[%squeeze3A_595, %dma_start3A_605] : memref<1000000x64xf32, #tpu.memory_space<hbm>> -> memref<1x64xf32, #tpu.memory_space<hbm>>
          %dma_start3A_607 = tpu.memref_squeeze %dma_start3A_606 : memref<1x64xf32, #tpu.memory_space<hbm>> -> memref<64xf32, #tpu.memory_space<hbm>>
          %dma_start3A_608 = tpu.memref_slice %arg7[%dma_start3A_601] : memref<2x!tpu.dma_semaphore, #tpu.memory_space<semaphore_mem>> -> memref<1x!tpu.dma_semaphore, #tpu.memory_space<semaphore_mem>>
          %dma_start3A_609 = tpu.memref_squeeze %dma_start3A_608 : memref<1x!tpu.dma_semaphore, #tpu.memory_space<semaphore_mem>> -> memref<!tpu.dma_semaphore, #tpu.memory_space<semaphore_mem>>
          %dma_start3A_610 = arith.constant 0 : i32
          %dma_start3A_611 = tpu.memref_slice %arg6[%dma_start3A_600, %add3A_599, %dma_start3A_610] : memref<2x200x64xf32, #tpu.memory_space<vmem>> -> memref<1x1x64xf32, #tpu.memory_space<vmem>>
          %dma_start3A_612 = tpu.memref_squeeze %dma_start3A_611 : memref<1x1x64xf32, #tpu.memory_space<vmem>> -> memref<64xf32, #tpu.memory_space<vmem>>
          %dma_start3A_613 = arith.constant 0 : i32
          %dma_start3A_614 = tpu.memref_slice %arg3[%squeeze3A_595, %dma_start3A_613] : memref<1000000x64xf32, #tpu.memory_space<hbm>> -> memref<1x64xf32, #tpu.memory_space<hbm>>
          %dma_start3A_615 = tpu.memref_squeeze %dma_start3A_614 : memref<1x64xf32, #tpu.memory_space<hbm>> -> memref<64xf32, #tpu.memory_space<hbm>>
          tpu.enqueue_dma source(%dma_start3A_615 : memref<64xf32, #tpu.memory_space<hbm>>) target(%dma_start3A_612 : memref<64xf32, #tpu.memory_space<vmem>>) target_semaphore(%dma_start3A_609 : memref<!tpu.dma_semaphore, #tpu.memory_space<semaphore_mem>>)
          %slice3A_616 = vector.extract_strided_slice %get3A_439 {offsets = [8], sizes = [1], strides = [1]} : vector<16xi32> to vector<1xi32>
          %squeeze3A_617 = vector.extract %slice3A_616[0] : i32 from vector<1xi32>
          %mul3A_618 = arith.constant 16 : i32
          %mul3A_619 = arith.muli %scan3A_433, %mul3A_618 : i32
          %add3A_620 = arith.constant 8 : i32
          %add3A_621 = arith.addi %mul3A_619, %add3A_620 : i32
          %dma_start3A_622 = arith.constant 1 : i32
          %dma_start3A_623 = arith.constant 1 : i32
          %dma_start3A_624 = arith.constant 0 : i32
          %dma_start3A_625 = tpu.memref_slice %arg6[%dma_start3A_622, %add3A_621, %dma_start3A_624] : memref<2x200x64xf32, #tpu.memory_space<vmem>> -> memref<1x1x64xf32, #tpu.memory_space<vmem>>
          %dma_start3A_626 = tpu.memref_squeeze %dma_start3A_625 : memref<1x1x64xf32, #tpu.memory_space<vmem>> -> memref<64xf32, #tpu.memory_space<vmem>>
          %dma_start3A_627 = arith.constant 0 : i32
          %dma_start3A_628 = tpu.memref_slice %arg3[%squeeze3A_617, %dma_start3A_627] : memref<1000000x64xf32, #tpu.memory_space<hbm>> -> memref<1x64xf32, #tpu.memory_space<hbm>>
          %dma_start3A_629 = tpu.memref_squeeze %dma_start3A_628 : memref<1x64xf32, #tpu.memory_space<hbm>> -> memref<64xf32, #tpu.memory_space<hbm>>
          %dma_start3A_630 = tpu.memref_slice %arg7[%dma_start3A_623] : memref<2x!tpu.dma_semaphore, #tpu.memory_space<semaphore_mem>> -> memref<1x!tpu.dma_semaphore, #tpu.memory_space<semaphore_mem>>
          %dma_start3A_631 = tpu.memref_squeeze %dma_start3A_630 : memref<1x!tpu.dma_semaphore, #tpu.memory_space<semaphore_mem>> -> memref<!tpu.dma_semaphore, #tpu.memory_space<semaphore_mem>>
          %dma_start3A_632 = arith.constant 0 : i32
          %dma_start3A_633 = tpu.memref_slice %arg6[%dma_start3A_622, %add3A_621, %dma_start3A_632] : memref<2x200x64xf32, #tpu.memory_space<vmem>> -> memref<1x1x64xf32, #tpu.memory_space<vmem>>
          %dma_start3A_634 = tpu.memref_squeeze %dma_start3A_633 : memref<1x1x64xf32, #tpu.memory_space<vmem>> -> memref<64xf32, #tpu.memory_space<vmem>>
          %dma_start3A_635 = arith.constant 0 : i32
          %dma_start3A_636 = tpu.memref_slice %arg3[%squeeze3A_617, %dma_start3A_635] : memref<1000000x64xf32, #tpu.memory_space<hbm>> -> memref<1x64xf32, #tpu.memory_space<hbm>>
          %dma_start3A_637 = tpu.memref_squeeze %dma_start3A_636 : memref<1x64xf32, #tpu.memory_space<hbm>> -> memref<64xf32, #tpu.memory_space<hbm>>
          tpu.enqueue_dma source(%dma_start3A_637 : memref<64xf32, #tpu.memory_space<hbm>>) target(%dma_start3A_634 : memref<64xf32, #tpu.memory_space<vmem>>) target_semaphore(%dma_start3A_631 : memref<!tpu.dma_semaphore, #tpu.memory_space<semaphore_mem>>)
          %slice3A_638 = vector.extract_strided_slice %get3A_439 {offsets = [9], sizes = [1], strides = [1]} : vector<16xi32> to vector<1xi32>
          %squeeze3A_639 = vector.extract %slice3A_638[0] : i32 from vector<1xi32>
          %mul3A_640 = arith.constant 16 : i32
          %mul3A_641 = arith.muli %scan3A_433, %mul3A_640 : i32
          %add3A_642 = arith.constant 9 : i32
          %add3A_643 = arith.addi %mul3A_641, %add3A_642 : i32
          %dma_start3A_644 = arith.constant 1 : i32
          %dma_start3A_645 = arith.constant 1 : i32
          %dma_start3A_646 = arith.constant 0 : i32
          %dma_start3A_647 = tpu.memref_slice %arg6[%dma_start3A_644, %add3A_643, %dma_start3A_646] : memref<2x200x64xf32, #tpu.memory_space<vmem>> -> memref<1x1x64xf32, #tpu.memory_space<vmem>>
          %dma_start3A_648 = tpu.memref_squeeze %dma_start3A_647 : memref<1x1x64xf32, #tpu.memory_space<vmem>> -> memref<64xf32, #tpu.memory_space<vmem>>
          %dma_start3A_649 = arith.constant 0 : i32
          %dma_start3A_650 = tpu.memref_slice %arg3[%squeeze3A_639, %dma_start3A_649] : memref<1000000x64xf32, #tpu.memory_space<hbm>> -> memref<1x64xf32, #tpu.memory_space<hbm>>
          %dma_start3A_651 = tpu.memref_squeeze %dma_start3A_650 : memref<1x64xf32, #tpu.memory_space<hbm>> -> memref<64xf32, #tpu.memory_space<hbm>>
          %dma_start3A_652 = tpu.memref_slice %arg7[%dma_start3A_645] : memref<2x!tpu.dma_semaphore, #tpu.memory_space<semaphore_mem>> -> memref<1x!tpu.dma_semaphore, #tpu.memory_space<semaphore_mem>>
          %dma_start3A_653 = tpu.memref_squeeze %dma_start3A_652 : memref<1x!tpu.dma_semaphore, #tpu.memory_space<semaphore_mem>> -> memref<!tpu.dma_semaphore, #tpu.memory_space<semaphore_mem>>
          %dma_start3A_654 = arith.constant 0 : i32
          %dma_start3A_655 = tpu.memref_slice %arg6[%dma_start3A_644, %add3A_643, %dma_start3A_654] : memref<2x200x64xf32, #tpu.memory_space<vmem>> -> memref<1x1x64xf32, #tpu.memory_space<vmem>>
          %dma_start3A_656 = tpu.memref_squeeze %dma_start3A_655 : memref<1x1x64xf32, #tpu.memory_space<vmem>> -> memref<64xf32, #tpu.memory_space<vmem>>
          %dma_start3A_657 = arith.constant 0 : i32
          %dma_start3A_658 = tpu.memref_slice %arg3[%squeeze3A_639, %dma_start3A_657] : memref<1000000x64xf32, #tpu.memory_space<hbm>> -> memref<1x64xf32, #tpu.memory_space<hbm>>
          %dma_start3A_659 = tpu.memref_squeeze %dma_start3A_658 : memref<1x64xf32, #tpu.memory_space<hbm>> -> memref<64xf32, #tpu.memory_space<hbm>>
          tpu.enqueue_dma source(%dma_start3A_659 : memref<64xf32, #tpu.memory_space<hbm>>) target(%dma_start3A_656 : memref<64xf32, #tpu.memory_space<vmem>>) target_semaphore(%dma_start3A_653 : memref<!tpu.dma_semaphore, #tpu.memory_space<semaphore_mem>>)
          %slice3A_660 = vector.extract_strided_slice %get3A_439 {offsets = [10], sizes = [1], strides = [1]} : vector<16xi32> to vector<1xi32>
          %squeeze3A_661 = vector.extract %slice3A_660[0] : i32 from vector<1xi32>
          %mul3A_662 = arith.constant 16 : i32
          %mul3A_663 = arith.muli %scan3A_433, %mul3A_662 : i32
          %add3A_664 = arith.constant 10 : i32
          %add3A_665 = arith.addi %mul3A_663, %add3A_664 : i32
          %dma_start3A_666 = arith.constant 1 : i32
          %dma_start3A_667 = arith.constant 1 : i32
          %dma_start3A_668 = arith.constant 0 : i32
          %dma_start3A_669 = tpu.memref_slice %arg6[%dma_start3A_666, %add3A_665, %dma_start3A_668] : memref<2x200x64xf32, #tpu.memory_space<vmem>> -> memref<1x1x64xf32, #tpu.memory_space<vmem>>
          %dma_start3A_670 = tpu.memref_squeeze %dma_start3A_669 : memref<1x1x64xf32, #tpu.memory_space<vmem>> -> memref<64xf32, #tpu.memory_space<vmem>>
          %dma_start3A_671 = arith.constant 0 : i32
          %dma_start3A_672 = tpu.memref_slice %arg3[%squeeze3A_661, %dma_start3A_671] : memref<1000000x64xf32, #tpu.memory_space<hbm>> -> memref<1x64xf32, #tpu.memory_space<hbm>>
          %dma_start3A_673 = tpu.memref_squeeze %dma_start3A_672 : memref<1x64xf32, #tpu.memory_space<hbm>> -> memref<64xf32, #tpu.memory_space<hbm>>
          %dma_start3A_674 = tpu.memref_slice %arg7[%dma_start3A_667] : memref<2x!tpu.dma_semaphore, #tpu.memory_space<semaphore_mem>> -> memref<1x!tpu.dma_semaphore, #tpu.memory_space<semaphore_mem>>
          %dma_start3A_675 = tpu.memref_squeeze %dma_start3A_674 : memref<1x!tpu.dma_semaphore, #tpu.memory_space<semaphore_mem>> -> memref<!tpu.dma_semaphore, #tpu.memory_space<semaphore_mem>>
          %dma_start3A_676 = arith.constant 0 : i32
          %dma_start3A_677 = tpu.memref_slice %arg6[%dma_start3A_666, %add3A_665, %dma_start3A_676] : memref<2x200x64xf32, #tpu.memory_space<vmem>> -> memref<1x1x64xf32, #tpu.memory_space<vmem>>
          %dma_start3A_678 = tpu.memref_squeeze %dma_start3A_677 : memref<1x1x64xf32, #tpu.memory_space<vmem>> -> memref<64xf32, #tpu.memory_space<vmem>>
          %dma_start3A_679 = arith.constant 0 : i32
          %dma_start3A_680 = tpu.memref_slice %arg3[%squeeze3A_661, %dma_start3A_679] : memref<1000000x64xf32, #tpu.memory_space<hbm>> -> memref<1x64xf32, #tpu.memory_space<hbm>>
          %dma_start3A_681 = tpu.memref_squeeze %dma_start3A_680 : memref<1x64xf32, #tpu.memory_space<hbm>> -> memref<64xf32, #tpu.memory_space<hbm>>
          tpu.enqueue_dma source(%dma_start3A_681 : memref<64xf32, #tpu.memory_space<hbm>>) target(%dma_start3A_678 : memref<64xf32, #tpu.memory_space<vmem>>) target_semaphore(%dma_start3A_675 : memref<!tpu.dma_semaphore, #tpu.memory_space<semaphore_mem>>)
          %slice3A_682 = vector.extract_strided_slice %get3A_439 {offsets = [11], sizes = [1], strides = [1]} : vector<16xi32> to vector<1xi32>
          %squeeze3A_683 = vector.extract %slice3A_682[0] : i32 from vector<1xi32>
          %mul3A_684 = arith.constant 16 : i32
          %mul3A_685 = arith.muli %scan3A_433, %mul3A_684 : i32
          %add3A_686 = arith.constant 11 : i32
          %add3A_687 = arith.addi %mul3A_685, %add3A_686 : i32
          %dma_start3A_688 = arith.constant 1 : i32
          %dma_start3A_689 = arith.constant 1 : i32
          %dma_start3A_690 = arith.constant 0 : i32
          %dma_start3A_691 = tpu.memref_slice %arg6[%dma_start3A_688, %add3A_687, %dma_start3A_690] : memref<2x200x64xf32, #tpu.memory_space<vmem>> -> memref<1x1x64xf32, #tpu.memory_space<vmem>>
          %dma_start3A_692 = tpu.memref_squeeze %dma_start3A_691 : memref<1x1x64xf32, #tpu.memory_space<vmem>> -> memref<64xf32, #tpu.memory_space<vmem>>
          %dma_start3A_693 = arith.constant 0 : i32
          %dma_start3A_694 = tpu.memref_slice %arg3[%squeeze3A_683, %dma_start3A_693] : memref<1000000x64xf32, #tpu.memory_space<hbm>> -> memref<1x64xf32, #tpu.memory_space<hbm>>
          %dma_start3A_695 = tpu.memref_squeeze %dma_start3A_694 : memref<1x64xf32, #tpu.memory_space<hbm>> -> memref<64xf32, #tpu.memory_space<hbm>>
          %dma_start3A_696 = tpu.memref_slice %arg7[%dma_start3A_689] : memref<2x!tpu.dma_semaphore, #tpu.memory_space<semaphore_mem>> -> memref<1x!tpu.dma_semaphore, #tpu.memory_space<semaphore_mem>>
          %dma_start3A_697 = tpu.memref_squeeze %dma_start3A_696 : memref<1x!tpu.dma_semaphore, #tpu.memory_space<semaphore_mem>> -> memref<!tpu.dma_semaphore, #tpu.memory_space<semaphore_mem>>
          %dma_start3A_698 = arith.constant 0 : i32
          %dma_start3A_699 = tpu.memref_slice %arg6[%dma_start3A_688, %add3A_687, %dma_start3A_698] : memref<2x200x64xf32, #tpu.memory_space<vmem>> -> memref<1x1x64xf32, #tpu.memory_space<vmem>>
          %dma_start3A_700 = tpu.memref_squeeze %dma_start3A_699 : memref<1x1x64xf32, #tpu.memory_space<vmem>> -> memref<64xf32, #tpu.memory_space<vmem>>
          %dma_start3A_701 = arith.constant 0 : i32
          %dma_start3A_702 = tpu.memref_slice %arg3[%squeeze3A_683, %dma_start3A_701] : memref<1000000x64xf32, #tpu.memory_space<hbm>> -> memref<1x64xf32, #tpu.memory_space<hbm>>
          %dma_start3A_703 = tpu.memref_squeeze %dma_start3A_702 : memref<1x64xf32, #tpu.memory_space<hbm>> -> memref<64xf32, #tpu.memory_space<hbm>>
          tpu.enqueue_dma source(%dma_start3A_703 : memref<64xf32, #tpu.memory_space<hbm>>) target(%dma_start3A_700 : memref<64xf32, #tpu.memory_space<vmem>>) target_semaphore(%dma_start3A_697 : memref<!tpu.dma_semaphore, #tpu.memory_space<semaphore_mem>>)
          %slice3A_704 = vector.extract_strided_slice %get3A_439 {offsets = [12], sizes = [1], strides = [1]} : vector<16xi32> to vector<1xi32>
          %squeeze3A_705 = vector.extract %slice3A_704[0] : i32 from vector<1xi32>
          %mul3A_706 = arith.constant 16 : i32
          %mul3A_707 = arith.muli %scan3A_433, %mul3A_706 : i32
          %add3A_708 = arith.constant 12 : i32
          %add3A_709 = arith.addi %mul3A_707, %add3A_708 : i32
          %dma_start3A_710 = arith.constant 1 : i32
          %dma_start3A_711 = arith.constant 1 : i32
          %dma_start3A_712 = arith.constant 0 : i32
          %dma_start3A_713 = tpu.memref_slice %arg6[%dma_start3A_710, %add3A_709, %dma_start3A_712] : memref<2x200x64xf32, #tpu.memory_space<vmem>> -> memref<1x1x64xf32, #tpu.memory_space<vmem>>
          %dma_start3A_714 = tpu.memref_squeeze %dma_start3A_713 : memref<1x1x64xf32, #tpu.memory_space<vmem>> -> memref<64xf32, #tpu.memory_space<vmem>>
          %dma_start3A_715 = arith.constant 0 : i32
          %dma_start3A_716 = tpu.memref_slice %arg3[%squeeze3A_705, %dma_start3A_715] : memref<1000000x64xf32, #tpu.memory_space<hbm>> -> memref<1x64xf32, #tpu.memory_space<hbm>>
          %dma_start3A_717 = tpu.memref_squeeze %dma_start3A_716 : memref<1x64xf32, #tpu.memory_space<hbm>> -> memref<64xf32, #tpu.memory_space<hbm>>
          %dma_start3A_718 = tpu.memref_slice %arg7[%dma_start3A_711] : memref<2x!tpu.dma_semaphore, #tpu.memory_space<semaphore_mem>> -> memref<1x!tpu.dma_semaphore, #tpu.memory_space<semaphore_mem>>
          %dma_start3A_719 = tpu.memref_squeeze %dma_start3A_718 : memref<1x!tpu.dma_semaphore, #tpu.memory_space<semaphore_mem>> -> memref<!tpu.dma_semaphore, #tpu.memory_space<semaphore_mem>>
          %dma_start3A_720 = arith.constant 0 : i32
          %dma_start3A_721 = tpu.memref_slice %arg6[%dma_start3A_710, %add3A_709, %dma_start3A_720] : memref<2x200x64xf32, #tpu.memory_space<vmem>> -> memref<1x1x64xf32, #tpu.memory_space<vmem>>
          %dma_start3A_722 = tpu.memref_squeeze %dma_start3A_721 : memref<1x1x64xf32, #tpu.memory_space<vmem>> -> memref<64xf32, #tpu.memory_space<vmem>>
          %dma_start3A_723 = arith.constant 0 : i32
          %dma_start3A_724 = tpu.memref_slice %arg3[%squeeze3A_705, %dma_start3A_723] : memref<1000000x64xf32, #tpu.memory_space<hbm>> -> memref<1x64xf32, #tpu.memory_space<hbm>>
          %dma_start3A_725 = tpu.memref_squeeze %dma_start3A_724 : memref<1x64xf32, #tpu.memory_space<hbm>> -> memref<64xf32, #tpu.memory_space<hbm>>
          tpu.enqueue_dma source(%dma_start3A_725 : memref<64xf32, #tpu.memory_space<hbm>>) target(%dma_start3A_722 : memref<64xf32, #tpu.memory_space<vmem>>) target_semaphore(%dma_start3A_719 : memref<!tpu.dma_semaphore, #tpu.memory_space<semaphore_mem>>)
          %slice3A_726 = vector.extract_strided_slice %get3A_439 {offsets = [13], sizes = [1], strides = [1]} : vector<16xi32> to vector<1xi32>
          %squeeze3A_727 = vector.extract %slice3A_726[0] : i32 from vector<1xi32>
          %mul3A_728 = arith.constant 16 : i32
          %mul3A_729 = arith.muli %scan3A_433, %mul3A_728 : i32
          %add3A_730 = arith.constant 13 : i32
          %add3A_731 = arith.addi %mul3A_729, %add3A_730 : i32
          %dma_start3A_732 = arith.constant 1 : i32
          %dma_start3A_733 = arith.constant 1 : i32
          %dma_start3A_734 = arith.constant 0 : i32
          %dma_start3A_735 = tpu.memref_slice %arg6[%dma_start3A_732, %add3A_731, %dma_start3A_734] : memref<2x200x64xf32, #tpu.memory_space<vmem>> -> memref<1x1x64xf32, #tpu.memory_space<vmem>>
          %dma_start3A_736 = tpu.memref_squeeze %dma_start3A_735 : memref<1x1x64xf32, #tpu.memory_space<vmem>> -> memref<64xf32, #tpu.memory_space<vmem>>
          %dma_start3A_737 = arith.constant 0 : i32
          %dma_start3A_738 = tpu.memref_slice %arg3[%squeeze3A_727, %dma_start3A_737] : memref<1000000x64xf32, #tpu.memory_space<hbm>> -> memref<1x64xf32, #tpu.memory_space<hbm>>
          %dma_start3A_739 = tpu.memref_squeeze %dma_start3A_738 : memref<1x64xf32, #tpu.memory_space<hbm>> -> memref<64xf32, #tpu.memory_space<hbm>>
          %dma_start3A_740 = tpu.memref_slice %arg7[%dma_start3A_733] : memref<2x!tpu.dma_semaphore, #tpu.memory_space<semaphore_mem>> -> memref<1x!tpu.dma_semaphore, #tpu.memory_space<semaphore_mem>>
          %dma_start3A_741 = tpu.memref_squeeze %dma_start3A_740 : memref<1x!tpu.dma_semaphore, #tpu.memory_space<semaphore_mem>> -> memref<!tpu.dma_semaphore, #tpu.memory_space<semaphore_mem>>
          %dma_start3A_742 = arith.constant 0 : i32
          %dma_start3A_743 = tpu.memref_slice %arg6[%dma_start3A_732, %add3A_731, %dma_start3A_742] : memref<2x200x64xf32, #tpu.memory_space<vmem>> -> memref<1x1x64xf32, #tpu.memory_space<vmem>>
          %dma_start3A_744 = tpu.memref_squeeze %dma_start3A_743 : memref<1x1x64xf32, #tpu.memory_space<vmem>> -> memref<64xf32, #tpu.memory_space<vmem>>
          %dma_start3A_745 = arith.constant 0 : i32
          %dma_start3A_746 = tpu.memref_slice %arg3[%squeeze3A_727, %dma_start3A_745] : memref<1000000x64xf32, #tpu.memory_space<hbm>> -> memref<1x64xf32, #tpu.memory_space<hbm>>
          %dma_start3A_747 = tpu.memref_squeeze %dma_start3A_746 : memref<1x64xf32, #tpu.memory_space<hbm>> -> memref<64xf32, #tpu.memory_space<hbm>>
          tpu.enqueue_dma source(%dma_start3A_747 : memref<64xf32, #tpu.memory_space<hbm>>) target(%dma_start3A_744 : memref<64xf32, #tpu.memory_space<vmem>>) target_semaphore(%dma_start3A_741 : memref<!tpu.dma_semaphore, #tpu.memory_space<semaphore_mem>>)
          %slice3A_748 = vector.extract_strided_slice %get3A_439 {offsets = [14], sizes = [1], strides = [1]} : vector<16xi32> to vector<1xi32>
          %squeeze3A_749 = vector.extract %slice3A_748[0] : i32 from vector<1xi32>
          %mul3A_750 = arith.constant 16 : i32
          %mul3A_751 = arith.muli %scan3A_433, %mul3A_750 : i32
          %add3A_752 = arith.constant 14 : i32
          %add3A_753 = arith.addi %mul3A_751, %add3A_752 : i32
          %dma_start3A_754 = arith.constant 1 : i32
          %dma_start3A_755 = arith.constant 1 : i32
          %dma_start3A_756 = arith.constant 0 : i32
          %dma_start3A_757 = tpu.memref_slice %arg6[%dma_start3A_754, %add3A_753, %dma_start3A_756] : memref<2x200x64xf32, #tpu.memory_space<vmem>> -> memref<1x1x64xf32, #tpu.memory_space<vmem>>
          %dma_start3A_758 = tpu.memref_squeeze %dma_start3A_757 : memref<1x1x64xf32, #tpu.memory_space<vmem>> -> memref<64xf32, #tpu.memory_space<vmem>>
          %dma_start3A_759 = arith.constant 0 : i32
          %dma_start3A_760 = tpu.memref_slice %arg3[%squeeze3A_749, %dma_start3A_759] : memref<1000000x64xf32, #tpu.memory_space<hbm>> -> memref<1x64xf32, #tpu.memory_space<hbm>>
          %dma_start3A_761 = tpu.memref_squeeze %dma_start3A_760 : memref<1x64xf32, #tpu.memory_space<hbm>> -> memref<64xf32, #tpu.memory_space<hbm>>
          %dma_start3A_762 = tpu.memref_slice %arg7[%dma_start3A_755] : memref<2x!tpu.dma_semaphore, #tpu.memory_space<semaphore_mem>> -> memref<1x!tpu.dma_semaphore, #tpu.memory_space<semaphore_mem>>
          %dma_start3A_763 = tpu.memref_squeeze %dma_start3A_762 : memref<1x!tpu.dma_semaphore, #tpu.memory_space<semaphore_mem>> -> memref<!tpu.dma_semaphore, #tpu.memory_space<semaphore_mem>>
          %dma_start3A_764 = arith.constant 0 : i32
          %dma_start3A_765 = tpu.memref_slice %arg6[%dma_start3A_754, %add3A_753, %dma_start3A_764] : memref<2x200x64xf32, #tpu.memory_space<vmem>> -> memref<1x1x64xf32, #tpu.memory_space<vmem>>
          %dma_start3A_766 = tpu.memref_squeeze %dma_start3A_765 : memref<1x1x64xf32, #tpu.memory_space<vmem>> -> memref<64xf32, #tpu.memory_space<vmem>>
          %dma_start3A_767 = arith.constant 0 : i32
          %dma_start3A_768 = tpu.memref_slice %arg3[%squeeze3A_749, %dma_start3A_767] : memref<1000000x64xf32, #tpu.memory_space<hbm>> -> memref<1x64xf32, #tpu.memory_space<hbm>>
          %dma_start3A_769 = tpu.memref_squeeze %dma_start3A_768 : memref<1x64xf32, #tpu.memory_space<hbm>> -> memref<64xf32, #tpu.memory_space<hbm>>
          tpu.enqueue_dma source(%dma_start3A_769 : memref<64xf32, #tpu.memory_space<hbm>>) target(%dma_start3A_766 : memref<64xf32, #tpu.memory_space<vmem>>) target_semaphore(%dma_start3A_763 : memref<!tpu.dma_semaphore, #tpu.memory_space<semaphore_mem>>)
          %slice3A_770 = vector.extract_strided_slice %get3A_439 {offsets = [15], sizes = [1], strides = [1]} : vector<16xi32> to vector<1xi32>
          %squeeze3A_771 = vector.extract %slice3A_770[0] : i32 from vector<1xi32>
          %mul3A_772 = arith.constant 16 : i32
          %mul3A_773 = arith.muli %scan3A_433, %mul3A_772 : i32
          %add3A_774 = arith.constant 15 : i32
          %add3A_775 = arith.addi %mul3A_773, %add3A_774 : i32
          %dma_start3A_776 = arith.constant 1 : i32
          %dma_start3A_777 = arith.constant 1 : i32
          %dma_start3A_778 = arith.constant 0 : i32
          %dma_start3A_779 = tpu.memref_slice %arg6[%dma_start3A_776, %add3A_775, %dma_start3A_778] : memref<2x200x64xf32, #tpu.memory_space<vmem>> -> memref<1x1x64xf32, #tpu.memory_space<vmem>>
          %dma_start3A_780 = tpu.memref_squeeze %dma_start3A_779 : memref<1x1x64xf32, #tpu.memory_space<vmem>> -> memref<64xf32, #tpu.memory_space<vmem>>
          %dma_start3A_781 = arith.constant 0 : i32
          %dma_start3A_782 = tpu.memref_slice %arg3[%squeeze3A_771, %dma_start3A_781] : memref<1000000x64xf32, #tpu.memory_space<hbm>> -> memref<1x64xf32, #tpu.memory_space<hbm>>
          %dma_start3A_783 = tpu.memref_squeeze %dma_start3A_782 : memref<1x64xf32, #tpu.memory_space<hbm>> -> memref<64xf32, #tpu.memory_space<hbm>>
          %dma_start3A_784 = tpu.memref_slice %arg7[%dma_start3A_777] : memref<2x!tpu.dma_semaphore, #tpu.memory_space<semaphore_mem>> -> memref<1x!tpu.dma_semaphore, #tpu.memory_space<semaphore_mem>>
          %dma_start3A_785 = tpu.memref_squeeze %dma_start3A_784 : memref<1x!tpu.dma_semaphore, #tpu.memory_space<semaphore_mem>> -> memref<!tpu.dma_semaphore, #tpu.memory_space<semaphore_mem>>
          %dma_start3A_786 = arith.constant 0 : i32
          %dma_start3A_787 = tpu.memref_slice %arg6[%dma_start3A_776, %add3A_775, %dma_start3A_786] : memref<2x200x64xf32, #tpu.memory_space<vmem>> -> memref<1x1x64xf32, #tpu.memory_space<vmem>>
          %dma_start3A_788 = tpu.memref_squeeze %dma_start3A_787 : memref<1x1x64xf32, #tpu.memory_space<vmem>> -> memref<64xf32, #tpu.memory_space<vmem>>
          %dma_start3A_789 = arith.constant 0 : i32
          %dma_start3A_790 = tpu.memref_slice %arg3[%squeeze3A_771, %dma_start3A_789] : memref<1000000x64xf32, #tpu.memory_space<hbm>> -> memref<1x64xf32, #tpu.memory_space<hbm>>
          %dma_start3A_791 = tpu.memref_squeeze %dma_start3A_790 : memref<1x64xf32, #tpu.memory_space<hbm>> -> memref<64xf32, #tpu.memory_space<hbm>>
          tpu.enqueue_dma source(%dma_start3A_791 : memref<64xf32, #tpu.memory_space<hbm>>) target(%dma_start3A_788 : memref<64xf32, #tpu.memory_space<vmem>>) target_semaphore(%dma_start3A_785 : memref<!tpu.dma_semaphore, #tpu.memory_space<semaphore_mem>>)
        }
        %scan3A_276 = arith.constant 12 : i32
        %get3A_277 = arith.index_cast %add3A_270 : i32 to index
        %get3A_278 = arith.constant 192 : index
        %get3A_279 = tpu.vector_load %arg5[%get3A_277, %get3A_278] {strides = array<i32>} : memref<128x256xi32, #tpu.memory_space<vmem>>, vector<1x16xi32>,
        %get3A_280 = vector.shape_cast %get3A_279 : vector<1x16xi32> to vector<16xi32>
        %slice3A_281 = vector.extract_strided_slice %get3A_280 {offsets = [0], sizes = [1], strides = [1]} : vector<16xi32> to vector<1xi32>
        %squeeze3A_282 = vector.extract %slice3A_281[0] : i32 from vector<1xi32>
        %dma_start3A_283 = arith.constant 1 : i32
        %dma_start3A_284 = arith.constant 192 : i32
        %dma_start3A_285 = arith.constant 1 : i32
        %dma_start3A_286 = arith.constant 0 : i32
        %dma_start3A_287 = tpu.memref_slice %arg6[%dma_start3A_283, %dma_start3A_284, %dma_start3A_286] : memref<2x200x64xf32, #tpu.memory_space<vmem>> -> memref<1x1x64xf32, #tpu.memory_space<vmem>>
        %dma_start3A_288 = tpu.memref_squeeze %dma_start3A_287 : memref<1x1x64xf32, #tpu.memory_space<vmem>> -> memref<64xf32, #tpu.memory_space<vmem>>
        %dma_start3A_289 = arith.constant 0 : i32
        %dma_start3A_290 = tpu.memref_slice %arg3[%squeeze3A_282, %dma_start3A_289] : memref<1000000x64xf32, #tpu.memory_space<hbm>> -> memref<1x64xf32, #tpu.memory_space<hbm>>
        %dma_start3A_291 = tpu.memref_squeeze %dma_start3A_290 : memref<1x64xf32, #tpu.memory_space<hbm>> -> memref<64xf32, #tpu.memory_space<hbm>>
        %dma_start3A_292 = tpu.memref_slice %arg7[%dma_start3A_285] : memref<2x!tpu.dma_semaphore, #tpu.memory_space<semaphore_mem>> -> memref<1x!tpu.dma_semaphore, #tpu.memory_space<semaphore_mem>>
        %dma_start3A_293 = tpu.memref_squeeze %dma_start3A_292 : memref<1x!tpu.dma_semaphore, #tpu.memory_space<semaphore_mem>> -> memref<!tpu.dma_semaphore, #tpu.memory_space<semaphore_mem>>
        %dma_start3A_294 = arith.constant 0 : i32
        %dma_start3A_295 = tpu.memref_slice %arg6[%dma_start3A_283, %dma_start3A_284, %dma_start3A_294] : memref<2x200x64xf32, #tpu.memory_space<vmem>> -> memref<1x1x64xf32, #tpu.memory_space<vmem>>
        %dma_start3A_296 = tpu.memref_squeeze %dma_start3A_295 : memref<1x1x64xf32, #tpu.memory_space<vmem>> -> memref<64xf32, #tpu.memory_space<vmem>>
        %dma_start3A_297 = arith.constant 0 : i32
        %dma_start3A_298 = tpu.memref_slice %arg3[%squeeze3A_282, %dma_start3A_297] : memref<1000000x64xf32, #tpu.memory_space<hbm>> -> memref<1x64xf32, #tpu.memory_space<hbm>>
        %dma_start3A_299 = tpu.memref_squeeze %dma_start3A_298 : memref<1x64xf32, #tpu.memory_space<hbm>> -> memref<64xf32, #tpu.memory_space<hbm>>
        tpu.enqueue_dma source(%dma_start3A_299 : memref<64xf32, #tpu.memory_space<hbm>>) target(%dma_start3A_296 : memref<64xf32, #tpu.memory_space<vmem>>) target_semaphore(%dma_start3A_293 : memref<!tpu.dma_semaphore, #tpu.memory_space<semaphore_mem>>)
        %slice3A_300 = vector.extract_strided_slice %get3A_280 {offsets = [1], sizes = [1], strides = [1]} : vector<16xi32> to vector<1xi32>
        %squeeze3A_301 = vector.extract %slice3A_300[0] : i32 from vector<1xi32>
        %dma_start3A_302 = arith.constant 1 : i32
        %dma_start3A_303 = arith.constant 193 : i32
        %dma_start3A_304 = arith.constant 1 : i32
        %dma_start3A_305 = arith.constant 0 : i32
        %dma_start3A_306 = tpu.memref_slice %arg6[%dma_start3A_302, %dma_start3A_303, %dma_start3A_305] : memref<2x200x64xf32, #tpu.memory_space<vmem>> -> memref<1x1x64xf32, #tpu.memory_space<vmem>>
        %dma_start3A_307 = tpu.memref_squeeze %dma_start3A_306 : memref<1x1x64xf32, #tpu.memory_space<vmem>> -> memref<64xf32, #tpu.memory_space<vmem>>
        %dma_start3A_308 = arith.constant 0 : i32
        %dma_start3A_309 = tpu.memref_slice %arg3[%squeeze3A_301, %dma_start3A_308] : memref<1000000x64xf32, #tpu.memory_space<hbm>> -> memref<1x64xf32, #tpu.memory_space<hbm>>
        %dma_start3A_310 = tpu.memref_squeeze %dma_start3A_309 : memref<1x64xf32, #tpu.memory_space<hbm>> -> memref<64xf32, #tpu.memory_space<hbm>>
        %dma_start3A_311 = tpu.memref_slice %arg7[%dma_start3A_304] : memref<2x!tpu.dma_semaphore, #tpu.memory_space<semaphore_mem>> -> memref<1x!tpu.dma_semaphore, #tpu.memory_space<semaphore_mem>>
        %dma_start3A_312 = tpu.memref_squeeze %dma_start3A_311 : memref<1x!tpu.dma_semaphore, #tpu.memory_space<semaphore_mem>> -> memref<!tpu.dma_semaphore, #tpu.memory_space<semaphore_mem>>
        %dma_start3A_313 = arith.constant 0 : i32
        %dma_start3A_314 = tpu.memref_slice %arg6[%dma_start3A_302, %dma_start3A_303, %dma_start3A_313] : memref<2x200x64xf32, #tpu.memory_space<vmem>> -> memref<1x1x64xf32, #tpu.memory_space<vmem>>
        %dma_start3A_315 = tpu.memref_squeeze %dma_start3A_314 : memref<1x1x64xf32, #tpu.memory_space<vmem>> -> memref<64xf32, #tpu.memory_space<vmem>>
        %dma_start3A_316 = arith.constant 0 : i32
        %dma_start3A_317 = tpu.memref_slice %arg3[%squeeze3A_301, %dma_start3A_316] : memref<1000000x64xf32, #tpu.memory_space<hbm>> -> memref<1x64xf32, #tpu.memory_space<hbm>>
        %dma_start3A_318 = tpu.memref_squeeze %dma_start3A_317 : memref<1x64xf32, #tpu.memory_space<hbm>> -> memref<64xf32, #tpu.memory_space<hbm>>
        tpu.enqueue_dma source(%dma_start3A_318 : memref<64xf32, #tpu.memory_space<hbm>>) target(%dma_start3A_315 : memref<64xf32, #tpu.memory_space<vmem>>) target_semaphore(%dma_start3A_312 : memref<!tpu.dma_semaphore, #tpu.memory_space<semaphore_mem>>)
        %slice3A_319 = vector.extract_strided_slice %get3A_280 {offsets = [2], sizes = [1], strides = [1]} : vector<16xi32> to vector<1xi32>
        %squeeze3A_320 = vector.extract %slice3A_319[0] : i32 from vector<1xi32>
        %dma_start3A_321 = arith.constant 1 : i32
        %dma_start3A_322 = arith.constant 194 : i32
        %dma_start3A_323 = arith.constant 1 : i32
        %dma_start3A_324 = arith.constant 0 : i32
        %dma_start3A_325 = tpu.memref_slice %arg6[%dma_start3A_321, %dma_start3A_322, %dma_start3A_324] : memref<2x200x64xf32, #tpu.memory_space<vmem>> -> memref<1x1x64xf32, #tpu.memory_space<vmem>>
        %dma_start3A_326 = tpu.memref_squeeze %dma_start3A_325 : memref<1x1x64xf32, #tpu.memory_space<vmem>> -> memref<64xf32, #tpu.memory_space<vmem>>
        %dma_start3A_327 = arith.constant 0 : i32
        %dma_start3A_328 = tpu.memref_slice %arg3[%squeeze3A_320, %dma_start3A_327] : memref<1000000x64xf32, #tpu.memory_space<hbm>> -> memref<1x64xf32, #tpu.memory_space<hbm>>
        %dma_start3A_329 = tpu.memref_squeeze %dma_start3A_328 : memref<1x64xf32, #tpu.memory_space<hbm>> -> memref<64xf32, #tpu.memory_space<hbm>>
        %dma_start3A_330 = tpu.memref_slice %arg7[%dma_start3A_323] : memref<2x!tpu.dma_semaphore, #tpu.memory_space<semaphore_mem>> -> memref<1x!tpu.dma_semaphore, #tpu.memory_space<semaphore_mem>>
        %dma_start3A_331 = tpu.memref_squeeze %dma_start3A_330 : memref<1x!tpu.dma_semaphore, #tpu.memory_space<semaphore_mem>> -> memref<!tpu.dma_semaphore, #tpu.memory_space<semaphore_mem>>
        %dma_start3A_332 = arith.constant 0 : i32
        %dma_start3A_333 = tpu.memref_slice %arg6[%dma_start3A_321, %dma_start3A_322, %dma_start3A_332] : memref<2x200x64xf32, #tpu.memory_space<vmem>> -> memref<1x1x64xf32, #tpu.memory_space<vmem>>
        %dma_start3A_334 = tpu.memref_squeeze %dma_start3A_333 : memref<1x1x64xf32, #tpu.memory_space<vmem>> -> memref<64xf32, #tpu.memory_space<vmem>>
        %dma_start3A_335 = arith.constant 0 : i32
        %dma_start3A_336 = tpu.memref_slice %arg3[%squeeze3A_320, %dma_start3A_335] : memref<1000000x64xf32, #tpu.memory_space<hbm>> -> memref<1x64xf32, #tpu.memory_space<hbm>>
        %dma_start3A_337 = tpu.memref_squeeze %dma_start3A_336 : memref<1x64xf32, #tpu.memory_space<hbm>> -> memref<64xf32, #tpu.memory_space<hbm>>
        tpu.enqueue_dma source(%dma_start3A_337 : memref<64xf32, #tpu.memory_space<hbm>>) target(%dma_start3A_334 : memref<64xf32, #tpu.memory_space<vmem>>) target_semaphore(%dma_start3A_331 : memref<!tpu.dma_semaphore, #tpu.memory_space<semaphore_mem>>)
        %slice3A_338 = vector.extract_strided_slice %get3A_280 {offsets = [3], sizes = [1], strides = [1]} : vector<16xi32> to vector<1xi32>
        %squeeze3A_339 = vector.extract %slice3A_338[0] : i32 from vector<1xi32>
        %dma_start3A_340 = arith.constant 1 : i32
        %dma_start3A_341 = arith.constant 195 : i32
        %dma_start3A_342 = arith.constant 1 : i32
        %dma_start3A_343 = arith.constant 0 : i32
        %dma_start3A_344 = tpu.memref_slice %arg6[%dma_start3A_340, %dma_start3A_341, %dma_start3A_343] : memref<2x200x64xf32, #tpu.memory_space<vmem>> -> memref<1x1x64xf32, #tpu.memory_space<vmem>>
        %dma_start3A_345 = tpu.memref_squeeze %dma_start3A_344 : memref<1x1x64xf32, #tpu.memory_space<vmem>> -> memref<64xf32, #tpu.memory_space<vmem>>
        %dma_start3A_346 = arith.constant 0 : i32
        %dma_start3A_347 = tpu.memref_slice %arg3[%squeeze3A_339, %dma_start3A_346] : memref<1000000x64xf32, #tpu.memory_space<hbm>> -> memref<1x64xf32, #tpu.memory_space<hbm>>
        %dma_start3A_348 = tpu.memref_squeeze %dma_start3A_347 : memref<1x64xf32, #tpu.memory_space<hbm>> -> memref<64xf32, #tpu.memory_space<hbm>>
        %dma_start3A_349 = tpu.memref_slice %arg7[%dma_start3A_342] : memref<2x!tpu.dma_semaphore, #tpu.memory_space<semaphore_mem>> -> memref<1x!tpu.dma_semaphore, #tpu.memory_space<semaphore_mem>>
        %dma_start3A_350 = tpu.memref_squeeze %dma_start3A_349 : memref<1x!tpu.dma_semaphore, #tpu.memory_space<semaphore_mem>> -> memref<!tpu.dma_semaphore, #tpu.memory_space<semaphore_mem>>
        %dma_start3A_351 = arith.constant 0 : i32
        %dma_start3A_352 = tpu.memref_slice %arg6[%dma_start3A_340, %dma_start3A_341, %dma_start3A_351] : memref<2x200x64xf32, #tpu.memory_space<vmem>> -> memref<1x1x64xf32, #tpu.memory_space<vmem>>
        %dma_start3A_353 = tpu.memref_squeeze %dma_start3A_352 : memref<1x1x64xf32, #tpu.memory_space<vmem>> -> memref<64xf32, #tpu.memory_space<vmem>>
        %dma_start3A_354 = arith.constant 0 : i32
        %dma_start3A_355 = tpu.memref_slice %arg3[%squeeze3A_339, %dma_start3A_354] : memref<1000000x64xf32, #tpu.memory_space<hbm>> -> memref<1x64xf32, #tpu.memory_space<hbm>>
        %dma_start3A_356 = tpu.memref_squeeze %dma_start3A_355 : memref<1x64xf32, #tpu.memory_space<hbm>> -> memref<64xf32, #tpu.memory_space<hbm>>
        tpu.enqueue_dma source(%dma_start3A_356 : memref<64xf32, #tpu.memory_space<hbm>>) target(%dma_start3A_353 : memref<64xf32, #tpu.memory_space<vmem>>) target_semaphore(%dma_start3A_350 : memref<!tpu.dma_semaphore, #tpu.memory_space<semaphore_mem>>)
        %slice3A_357 = vector.extract_strided_slice %get3A_280 {offsets = [4], sizes = [1], strides = [1]} : vector<16xi32> to vector<1xi32>
        %squeeze3A_358 = vector.extract %slice3A_357[0] : i32 from vector<1xi32>
        %dma_start3A_359 = arith.constant 1 : i32
        %dma_start3A_360 = arith.constant 196 : i32
        %dma_start3A_361 = arith.constant 1 : i32
        %dma_start3A_362 = arith.constant 0 : i32
        %dma_start3A_363 = tpu.memref_slice %arg6[%dma_start3A_359, %dma_start3A_360, %dma_start3A_362] : memref<2x200x64xf32, #tpu.memory_space<vmem>> -> memref<1x1x64xf32, #tpu.memory_space<vmem>>
        %dma_start3A_364 = tpu.memref_squeeze %dma_start3A_363 : memref<1x1x64xf32, #tpu.memory_space<vmem>> -> memref<64xf32, #tpu.memory_space<vmem>>
        %dma_start3A_365 = arith.constant 0 : i32
        %dma_start3A_366 = tpu.memref_slice %arg3[%squeeze3A_358, %dma_start3A_365] : memref<1000000x64xf32, #tpu.memory_space<hbm>> -> memref<1x64xf32, #tpu.memory_space<hbm>>
        %dma_start3A_367 = tpu.memref_squeeze %dma_start3A_366 : memref<1x64xf32, #tpu.memory_space<hbm>> -> memref<64xf32, #tpu.memory_space<hbm>>
        %dma_start3A_368 = tpu.memref_slice %arg7[%dma_start3A_361] : memref<2x!tpu.dma_semaphore, #tpu.memory_space<semaphore_mem>> -> memref<1x!tpu.dma_semaphore, #tpu.memory_space<semaphore_mem>>
        %dma_start3A_369 = tpu.memref_squeeze %dma_start3A_368 : memref<1x!tpu.dma_semaphore, #tpu.memory_space<semaphore_mem>> -> memref<!tpu.dma_semaphore, #tpu.memory_space<semaphore_mem>>
        %dma_start3A_370 = arith.constant 0 : i32
        %dma_start3A_371 = tpu.memref_slice %arg6[%dma_start3A_359, %dma_start3A_360, %dma_start3A_370] : memref<2x200x64xf32, #tpu.memory_space<vmem>> -> memref<1x1x64xf32, #tpu.memory_space<vmem>>
        %dma_start3A_372 = tpu.memref_squeeze %dma_start3A_371 : memref<1x1x64xf32, #tpu.memory_space<vmem>> -> memref<64xf32, #tpu.memory_space<vmem>>
        %dma_start3A_373 = arith.constant 0 : i32
        %dma_start3A_374 = tpu.memref_slice %arg3[%squeeze3A_358, %dma_start3A_373] : memref<1000000x64xf32, #tpu.memory_space<hbm>> -> memref<1x64xf32, #tpu.memory_space<hbm>>
        %dma_start3A_375 = tpu.memref_squeeze %dma_start3A_374 : memref<1x64xf32, #tpu.memory_space<hbm>> -> memref<64xf32, #tpu.memory_space<hbm>>
        tpu.enqueue_dma source(%dma_start3A_375 : memref<64xf32, #tpu.memory_space<hbm>>) target(%dma_start3A_372 : memref<64xf32, #tpu.memory_space<vmem>>) target_semaphore(%dma_start3A_369 : memref<!tpu.dma_semaphore, #tpu.memory_space<semaphore_mem>>)
        %slice3A_376 = vector.extract_strided_slice %get3A_280 {offsets = [5], sizes = [1], strides = [1]} : vector<16xi32> to vector<1xi32>
        %squeeze3A_377 = vector.extract %slice3A_376[0] : i32 from vector<1xi32>
        %dma_start3A_378 = arith.constant 1 : i32
        %dma_start3A_379 = arith.constant 197 : i32
        %dma_start3A_380 = arith.constant 1 : i32
        %dma_start3A_381 = arith.constant 0 : i32
        %dma_start3A_382 = tpu.memref_slice %arg6[%dma_start3A_378, %dma_start3A_379, %dma_start3A_381] : memref<2x200x64xf32, #tpu.memory_space<vmem>> -> memref<1x1x64xf32, #tpu.memory_space<vmem>>
        %dma_start3A_383 = tpu.memref_squeeze %dma_start3A_382 : memref<1x1x64xf32, #tpu.memory_space<vmem>> -> memref<64xf32, #tpu.memory_space<vmem>>
        %dma_start3A_384 = arith.constant 0 : i32
        %dma_start3A_385 = tpu.memref_slice %arg3[%squeeze3A_377, %dma_start3A_384] : memref<1000000x64xf32, #tpu.memory_space<hbm>> -> memref<1x64xf32, #tpu.memory_space<hbm>>
        %dma_start3A_386 = tpu.memref_squeeze %dma_start3A_385 : memref<1x64xf32, #tpu.memory_space<hbm>> -> memref<64xf32, #tpu.memory_space<hbm>>
        %dma_start3A_387 = tpu.memref_slice %arg7[%dma_start3A_380] : memref<2x!tpu.dma_semaphore, #tpu.memory_space<semaphore_mem>> -> memref<1x!tpu.dma_semaphore, #tpu.memory_space<semaphore_mem>>
        %dma_start3A_388 = tpu.memref_squeeze %dma_start3A_387 : memref<1x!tpu.dma_semaphore, #tpu.memory_space<semaphore_mem>> -> memref<!tpu.dma_semaphore, #tpu.memory_space<semaphore_mem>>
        %dma_start3A_389 = arith.constant 0 : i32
        %dma_start3A_390 = tpu.memref_slice %arg6[%dma_start3A_378, %dma_start3A_379, %dma_start3A_389] : memref<2x200x64xf32, #tpu.memory_space<vmem>> -> memref<1x1x64xf32, #tpu.memory_space<vmem>>
        %dma_start3A_391 = tpu.memref_squeeze %dma_start3A_390 : memref<1x1x64xf32, #tpu.memory_space<vmem>> -> memref<64xf32, #tpu.memory_space<vmem>>
        %dma_start3A_392 = arith.constant 0 : i32
        %dma_start3A_393 = tpu.memref_slice %arg3[%squeeze3A_377, %dma_start3A_392] : memref<1000000x64xf32, #tpu.memory_space<hbm>> -> memref<1x64xf32, #tpu.memory_space<hbm>>
        %dma_start3A_394 = tpu.memref_squeeze %dma_start3A_393 : memref<1x64xf32, #tpu.memory_space<hbm>> -> memref<64xf32, #tpu.memory_space<hbm>>
        tpu.enqueue_dma source(%dma_start3A_394 : memref<64xf32, #tpu.memory_space<hbm>>) target(%dma_start3A_391 : memref<64xf32, #tpu.memory_space<vmem>>) target_semaphore(%dma_start3A_388 : memref<!tpu.dma_semaphore, #tpu.memory_space<semaphore_mem>>)
        %slice3A_395 = vector.extract_strided_slice %get3A_280 {offsets = [6], sizes = [1], strides = [1]} : vector<16xi32> to vector<1xi32>
        %squeeze3A_396 = vector.extract %slice3A_395[0] : i32 from vector<1xi32>
        %dma_start3A_397 = arith.constant 1 : i32
        %dma_start3A_398 = arith.constant 198 : i32
        %dma_start3A_399 = arith.constant 1 : i32
        %dma_start3A_400 = arith.constant 0 : i32
        %dma_start3A_401 = tpu.memref_slice %arg6[%dma_start3A_397, %dma_start3A_398, %dma_start3A_400] : memref<2x200x64xf32, #tpu.memory_space<vmem>> -> memref<1x1x64xf32, #tpu.memory_space<vmem>>
        %dma_start3A_402 = tpu.memref_squeeze %dma_start3A_401 : memref<1x1x64xf32, #tpu.memory_space<vmem>> -> memref<64xf32, #tpu.memory_space<vmem>>
        %dma_start3A_403 = arith.constant 0 : i32
        %dma_start3A_404 = tpu.memref_slice %arg3[%squeeze3A_396, %dma_start3A_403] : memref<1000000x64xf32, #tpu.memory_space<hbm>> -> memref<1x64xf32, #tpu.memory_space<hbm>>
        %dma_start3A_405 = tpu.memref_squeeze %dma_start3A_404 : memref<1x64xf32, #tpu.memory_space<hbm>> -> memref<64xf32, #tpu.memory_space<hbm>>
        %dma_start3A_406 = tpu.memref_slice %arg7[%dma_start3A_399] : memref<2x!tpu.dma_semaphore, #tpu.memory_space<semaphore_mem>> -> memref<1x!tpu.dma_semaphore, #tpu.memory_space<semaphore_mem>>
        %dma_start3A_407 = tpu.memref_squeeze %dma_start3A_406 : memref<1x!tpu.dma_semaphore, #tpu.memory_space<semaphore_mem>> -> memref<!tpu.dma_semaphore, #tpu.memory_space<semaphore_mem>>
        %dma_start3A_408 = arith.constant 0 : i32
        %dma_start3A_409 = tpu.memref_slice %arg6[%dma_start3A_397, %dma_start3A_398, %dma_start3A_408] : memref<2x200x64xf32, #tpu.memory_space<vmem>> -> memref<1x1x64xf32, #tpu.memory_space<vmem>>
        %dma_start3A_410 = tpu.memref_squeeze %dma_start3A_409 : memref<1x1x64xf32, #tpu.memory_space<vmem>> -> memref<64xf32, #tpu.memory_space<vmem>>
        %dma_start3A_411 = arith.constant 0 : i32
        %dma_start3A_412 = tpu.memref_slice %arg3[%squeeze3A_396, %dma_start3A_411] : memref<1000000x64xf32, #tpu.memory_space<hbm>> -> memref<1x64xf32, #tpu.memory_space<hbm>>
        %dma_start3A_413 = tpu.memref_squeeze %dma_start3A_412 : memref<1x64xf32, #tpu.memory_space<hbm>> -> memref<64xf32, #tpu.memory_space<hbm>>
        tpu.enqueue_dma source(%dma_start3A_413 : memref<64xf32, #tpu.memory_space<hbm>>) target(%dma_start3A_410 : memref<64xf32, #tpu.memory_space<vmem>>) target_semaphore(%dma_start3A_407 : memref<!tpu.dma_semaphore, #tpu.memory_space<semaphore_mem>>)
        %slice3A_414 = vector.extract_strided_slice %get3A_280 {offsets = [7], sizes = [1], strides = [1]} : vector<16xi32> to vector<1xi32>
        %squeeze3A_415 = vector.extract %slice3A_414[0] : i32 from vector<1xi32>
        %dma_start3A_416 = arith.constant 1 : i32
        %dma_start3A_417 = arith.constant 199 : i32
        %dma_start3A_418 = arith.constant 1 : i32
        %dma_start3A_419 = arith.constant 0 : i32
        %dma_start3A_420 = tpu.memref_slice %arg6[%dma_start3A_416, %dma_start3A_417, %dma_start3A_419] : memref<2x200x64xf32, #tpu.memory_space<vmem>> -> memref<1x1x64xf32, #tpu.memory_space<vmem>>
        %dma_start3A_421 = tpu.memref_squeeze %dma_start3A_420 : memref<1x1x64xf32, #tpu.memory_space<vmem>> -> memref<64xf32, #tpu.memory_space<vmem>>
        %dma_start3A_422 = arith.constant 0 : i32
        %dma_start3A_423 = tpu.memref_slice %arg3[%squeeze3A_415, %dma_start3A_422] : memref<1000000x64xf32, #tpu.memory_space<hbm>> -> memref<1x64xf32, #tpu.memory_space<hbm>>
        %dma_start3A_424 = tpu.memref_squeeze %dma_start3A_423 : memref<1x64xf32, #tpu.memory_space<hbm>> -> memref<64xf32, #tpu.memory_space<hbm>>
        %dma_start3A_425 = tpu.memref_slice %arg7[%dma_start3A_418] : memref<2x!tpu.dma_semaphore, #tpu.memory_space<semaphore_mem>> -> memref<1x!tpu.dma_semaphore, #tpu.memory_space<semaphore_mem>>
        %dma_start3A_426 = tpu.memref_squeeze %dma_start3A_425 : memref<1x!tpu.dma_semaphore, #tpu.memory_space<semaphore_mem>> -> memref<!tpu.dma_semaphore, #tpu.memory_space<semaphore_mem>>
        %dma_start3A_427 = arith.constant 0 : i32
        %dma_start3A_428 = tpu.memref_slice %arg6[%dma_start3A_416, %dma_start3A_417, %dma_start3A_427] : memref<2x200x64xf32, #tpu.memory_space<vmem>> -> memref<1x1x64xf32, #tpu.memory_space<vmem>>
        %dma_start3A_429 = tpu.memref_squeeze %dma_start3A_428 : memref<1x1x64xf32, #tpu.memory_space<vmem>> -> memref<64xf32, #tpu.memory_space<vmem>>
        %dma_start3A_430 = arith.constant 0 : i32
        %dma_start3A_431 = tpu.memref_slice %arg3[%squeeze3A_415, %dma_start3A_430] : memref<1000000x64xf32, #tpu.memory_space<hbm>> -> memref<1x64xf32, #tpu.memory_space<hbm>>
        %dma_start3A_432 = tpu.memref_squeeze %dma_start3A_431 : memref<1x64xf32, #tpu.memory_space<hbm>> -> memref<64xf32, #tpu.memory_space<hbm>>
        tpu.enqueue_dma source(%dma_start3A_432 : memref<64xf32, #tpu.memory_space<hbm>>) target(%dma_start3A_429 : memref<64xf32, #tpu.memory_space<vmem>>) target_semaphore(%dma_start3A_426 : memref<!tpu.dma_semaphore, #tpu.memory_space<semaphore_mem>>)
      } else {
      }
      %scan3A_199 = arith.constant 0 : i32
      %scan3A_200 = arith.constant 0 : i32
      %scan3A_201 = arith.constant 200 : i32
      %scan3A_202 = arith.addi %scan3A_200, %scan3A_201 : i32
      %scan3A_203 = arith.constant 1 : i32
      scf.for %scan3A_269 = %scan3A_200 to %scan3A_202 step %scan3A_203  : i32 {
        %dma_wait3A_270 = arith.constant 0 : i32
        %dma_wait3A_271 = arith.constant 0 : i32
        %dma_wait3A_272 = arith.constant 0 : i32
        %dma_wait3A_273 = arith.constant 0 : i32
        %dma_wait3A_274 = arith.constant 0 : i32
        %dma_wait3A_275 = tpu.memref_slice %arg6[%dma_wait3A_271, %dma_wait3A_272, %dma_wait3A_274] : memref<2x200x64xf32, #tpu.memory_space<vmem>> -> memref<1x1x64xf32, #tpu.memory_space<vmem>>
        %dma_wait3A_276 = tpu.memref_squeeze %dma_wait3A_275 : memref<1x1x64xf32, #tpu.memory_space<vmem>> -> memref<64xf32, #tpu.memory_space<vmem>>
        %dma_wait3A_277 = arith.constant 0 : i32
        %dma_wait3A_278 = tpu.memref_slice %arg3[%dma_wait3A_270, %dma_wait3A_277] : memref<1000000x64xf32, #tpu.memory_space<hbm>> -> memref<1x64xf32, #tpu.memory_space<hbm>>
        %dma_wait3A_279 = tpu.memref_squeeze %dma_wait3A_278 : memref<1x64xf32, #tpu.memory_space<hbm>> -> memref<64xf32, #tpu.memory_space<hbm>>
        %dma_wait3A_280 = tpu.memref_slice %arg7[%dma_wait3A_273] : memref<2x!tpu.dma_semaphore, #tpu.memory_space<semaphore_mem>> -> memref<1x!tpu.dma_semaphore, #tpu.memory_space<semaphore_mem>>
        %dma_wait3A_281 = tpu.memref_squeeze %dma_wait3A_280 : memref<1x!tpu.dma_semaphore, #tpu.memory_space<semaphore_mem>> -> memref<!tpu.dma_semaphore, #tpu.memory_space<semaphore_mem>>
        %dma_wait3A_282 = arith.constant 0 : i32
        %dma_wait3A_283 = tpu.memref_slice %arg6[%dma_wait3A_271, %dma_wait3A_272, %dma_wait3A_282] : memref<2x200x64xf32, #tpu.memory_space<vmem>> -> memref<1x1x64xf32, #tpu.memory_space<vmem>>
        %dma_wait3A_284 = tpu.memref_squeeze %dma_wait3A_283 : memref<1x1x64xf32, #tpu.memory_space<vmem>> -> memref<64xf32, #tpu.memory_space<vmem>>
        %dma_wait3A_285 = arith.constant 0 : i32
        %dma_wait3A_286 = tpu.memref_slice %arg3[%dma_wait3A_270, %dma_wait3A_285] : memref<1000000x64xf32, #tpu.memory_space<hbm>> -> memref<1x64xf32, #tpu.memory_space<hbm>>
        %dma_wait3A_287 = tpu.memref_squeeze %dma_wait3A_286 : memref<1x64xf32, #tpu.memory_space<hbm>> -> memref<64xf32, #tpu.memory_space<hbm>>
        tpu.wait_dma2 semaphore(%dma_wait3A_281 : memref<!tpu.dma_semaphore, #tpu.memory_space<semaphore_mem>>) src(%dma_wait3A_287 : memref<64xf32, #tpu.memory_space<hbm>>) dst(%dma_wait3A_284 : memref<64xf32, #tpu.memory_space<vmem>>)
      }
      %scan3A_204 = arith.constant 200 : i32
      %add3A_205 = arith.addi %mul3A_2, %add3A_190 : i32
      %dma_start3A_206 = arith.constant 0 : i32
      %dma_start3A_207 = arith.constant 0 : i32
      %dma_start3A_208 = arith.constant 0 : i32
      %dma_start3A_209 = arith.constant 0 : i32
      %dma_start3A_210 = tpu.memref_slice %arg6[%dma_start3A_206, %dma_start3A_208, %dma_start3A_209] : memref<2x200x64xf32, #tpu.memory_space<vmem>> -> memref<1x200x64xf32, #tpu.memory_space<vmem>>
      %dma_start3A_211 = tpu.memref_squeeze %dma_start3A_210 : memref<1x200x64xf32, #tpu.memory_space<vmem>> -> memref<200x64xf32, #tpu.memory_space<vmem>>
      %dma_start3A_212 = arith.constant 0 : i32
      %dma_start3A_213 = arith.constant 0 : i32
      %dma_start3A_214 = tpu.memref_slice %arg4[%add3A_205, %dma_start3A_212, %dma_start3A_213] : memref<4096x200x64xf32, #tpu.memory_space<hbm>> -> memref<1x200x64xf32, #tpu.memory_space<hbm>>
      %dma_start3A_215 = tpu.memref_squeeze %dma_start3A_214 : memref<1x200x64xf32, #tpu.memory_space<hbm>> -> memref<200x64xf32, #tpu.memory_space<hbm>>
      %dma_start3A_216 = tpu.memref_slice %arg8[%dma_start3A_207] : memref<2x!tpu.dma_semaphore, #tpu.memory_space<semaphore_mem>> -> memref<1x!tpu.dma_semaphore, #tpu.memory_space<semaphore_mem>>
      %dma_start3A_217 = tpu.memref_squeeze %dma_start3A_216 : memref<1x!tpu.dma_semaphore, #tpu.memory_space<semaphore_mem>> -> memref<!tpu.dma_semaphore, #tpu.memory_space<semaphore_mem>>
      %dma_start3A_218 = arith.constant 0 : i32
      %dma_start3A_219 = arith.constant 0 : i32
      %dma_start3A_220 = tpu.memref_slice %arg4[%add3A_205, %dma_start3A_218, %dma_start3A_219] : memref<4096x200x64xf32, #tpu.memory_space<hbm>> -> memref<1x200x64xf32, #tpu.memory_space<hbm>>
      %dma_start3A_221 = tpu.memref_squeeze %dma_start3A_220 : memref<1x200x64xf32, #tpu.memory_space<hbm>> -> memref<200x64xf32, #tpu.memory_space<hbm>>
      %dma_start3A_222 = arith.constant 0 : i32
      %dma_start3A_223 = arith.constant 0 : i32
      %dma_start3A_224 = tpu.memref_slice %arg6[%dma_start3A_206, %dma_start3A_222, %dma_start3A_223] : memref<2x200x64xf32, #tpu.memory_space<vmem>> -> memref<1x200x64xf32, #tpu.memory_space<vmem>>
      %dma_start3A_225 = tpu.memref_squeeze %dma_start3A_224 : memref<1x200x64xf32, #tpu.memory_space<vmem>> -> memref<200x64xf32, #tpu.memory_space<vmem>>
      tpu.enqueue_dma source(%dma_start3A_225 : memref<200x64xf32, #tpu.memory_space<vmem>>) target(%dma_start3A_221 : memref<200x64xf32, #tpu.memory_space<hbm>>) target_semaphore(%dma_start3A_217 : memref<!tpu.dma_semaphore, #tpu.memory_space<semaphore_mem>>)
      %mul3A_226 = arith.constant 2 : i32
      %mul3A_227 = arith.muli %mul3A_226, %scan3A_186 : i32
      %add3A_228 = arith.constant 1 : i32
      %add3A_229 = arith.addi %mul3A_227, %add3A_228 : i32
      %ge3A_230 = arith.constant 1 : i32
      %ge3A_231 = arith.cmpi sge, %add3A_229, %ge3A_230 : i32
      %convert_element_type3A_232 = arith.extui %ge3A_231 : i1 to i32
      %cond3A_233 = arith.constant 0 : i32
      %cond3A_234 = arith.cmpi ne, %convert_element_type3A_232, %cond3A_233 : i32
      scf.if %cond3A_234 {
        %dma_wait3A_269 = arith.constant 0 : i32
        %dma_wait3A_270 = arith.constant 0 : i32
        %dma_wait3A_271 = arith.constant 0 : i32
        %dma_wait3A_272 = arith.constant 0 : i32
        %dma_wait3A_273 = tpu.memref_slice %arg6[%dma_wait3A_269, %dma_wait3A_271, %dma_wait3A_272] : memref<2x200x64xf32, #tpu.memory_space<vmem>> -> memref<1x200x64xf32, #tpu.memory_space<vmem>>
        %dma_wait3A_274 = tpu.memref_squeeze %dma_wait3A_273 : memref<1x200x64xf32, #tpu.memory_space<vmem>> -> memref<200x64xf32, #tpu.memory_space<vmem>>
        %dma_wait3A_275 = arith.constant 0 : i32
        %dma_wait3A_276 = arith.constant 0 : i32
        %dma_wait3A_277 = tpu.memref_slice %arg4[%mul3A_2, %dma_wait3A_275, %dma_wait3A_276] : memref<4096x200x64xf32, #tpu.memory_space<hbm>> -> memref<1x200x64xf32, #tpu.memory_space<hbm>>
        %dma_wait3A_278 = tpu.memref_squeeze %dma_wait3A_277 : memref<1x200x64xf32, #tpu.memory_space<hbm>> -> memref<200x64xf32, #tpu.memory_space<hbm>>
        %dma_wait3A_279 = tpu.memref_slice %arg8[%dma_wait3A_270] : memref<2x!tpu.dma_semaphore, #tpu.memory_space<semaphore_mem>> -> memref<1x!tpu.dma_semaphore, #tpu.memory_space<semaphore_mem>>
        %dma_wait3A_280 = tpu.memref_squeeze %dma_wait3A_279 : memref<1x!tpu.dma_semaphore, #tpu.memory_space<semaphore_mem>> -> memref<!tpu.dma_semaphore, #tpu.memory_space<semaphore_mem>>
        %dma_wait3A_281 = arith.constant 0 : i32
        %dma_wait3A_282 = arith.constant 0 : i32
        %dma_wait3A_283 = tpu.memref_slice %arg4[%mul3A_2, %dma_wait3A_281, %dma_wait3A_282] : memref<4096x200x64xf32, #tpu.memory_space<hbm>> -> memref<1x200x64xf32, #tpu.memory_space<hbm>>
        %dma_wait3A_284 = tpu.memref_squeeze %dma_wait3A_283 : memref<1x200x64xf32, #tpu.memory_space<hbm>> -> memref<200x64xf32, #tpu.memory_space<hbm>>
        %dma_wait3A_285 = arith.constant 0 : i32
        %dma_wait3A_286 = arith.constant 0 : i32
        %dma_wait3A_287 = tpu.memref_slice %arg6[%dma_wait3A_269, %dma_wait3A_285, %dma_wait3A_286] : memref<2x200x64xf32, #tpu.memory_space<vmem>> -> memref<1x200x64xf32, #tpu.memory_space<vmem>>
        %dma_wait3A_288 = tpu.memref_squeeze %dma_wait3A_287 : memref<1x200x64xf32, #tpu.memory_space<vmem>> -> memref<200x64xf32, #tpu.memory_space<vmem>>
        tpu.wait_dma2 semaphore(%dma_wait3A_280 : memref<!tpu.dma_semaphore, #tpu.memory_space<semaphore_mem>>) src(%dma_wait3A_288 : memref<200x64xf32, #tpu.memory_space<vmem>>) dst(%dma_wait3A_284 : memref<200x64xf32, #tpu.memory_space<hbm>>)
      } else {
      }
      %add3A_235 = arith.constant 1 : i32
      %add3A_236 = arith.addi %add3A_229, %add3A_235 : i32
      %lt3A_237 = arith.constant 128 : i32
      %lt3A_238 = arith.cmpi slt, %add3A_236, %lt3A_237 : i32
      %convert_element_type3A_239 = arith.extui %lt3A_238 : i1 to i32
      %cond3A_240 = arith.constant 0 : i32
      %cond3A_241 = arith.cmpi ne, %convert_element_type3A_239, %cond3A_240 : i32
      scf.if %cond3A_241 {
        %add3A_269 = arith.constant 1 : i32
        %add3A_270 = arith.addi %add3A_229, %add3A_269 : i32
        %scan3A_271 = arith.constant 0 : i32
        %scan3A_272 = arith.constant 0 : i32
        %scan3A_273 = arith.constant 12 : i32
        %scan3A_274 = arith.addi %scan3A_272, %scan3A_273 : i32
        %scan3A_275 = arith.constant 1 : i32
        scf.for %scan3A_433 = %scan3A_272 to %scan3A_274 step %scan3A_275  : i32 {
          %mul3A_434 = arith.constant 16 : i32
          %mul3A_435 = arith.muli %scan3A_433, %mul3A_434 : i32
          %get3A_436 = arith.index_cast %add3A_270 : i32 to index
          %get3A_437 = arith.index_cast %mul3A_435 : i32 to index
          %get3A_438 = tpu.vector_load %arg5[%get3A_436, %get3A_437] {strides = array<i32>} : memref<128x256xi32, #tpu.memory_space<vmem>>, vector<1x16xi32>,
          %get3A_439 = vector.shape_cast %get3A_438 : vector<1x16xi32> to vector<16xi32>
          %slice3A_440 = vector.extract_strided_slice %get3A_439 {offsets = [0], sizes = [1], strides = [1]} : vector<16xi32> to vector<1xi32>
          %squeeze3A_441 = vector.extract %slice3A_440[0] : i32 from vector<1xi32>
          %mul3A_442 = arith.constant 16 : i32
          %mul3A_443 = arith.muli %scan3A_433, %mul3A_442 : i32
          %add3A_444 = arith.constant 0 : i32
          %add3A_445 = arith.addi %mul3A_443, %add3A_444 : i32
          %dma_start3A_446 = arith.constant 0 : i32
          %dma_start3A_447 = arith.constant 0 : i32
          %dma_start3A_448 = arith.constant 0 : i32
          %dma_start3A_449 = tpu.memref_slice %arg6[%dma_start3A_446, %add3A_445, %dma_start3A_448] : memref<2x200x64xf32, #tpu.memory_space<vmem>> -> memref<1x1x64xf32, #tpu.memory_space<vmem>>
          %dma_start3A_450 = tpu.memref_squeeze %dma_start3A_449 : memref<1x1x64xf32, #tpu.memory_space<vmem>> -> memref<64xf32, #tpu.memory_space<vmem>>
          %dma_start3A_451 = arith.constant 0 : i32
          %dma_start3A_452 = tpu.memref_slice %arg3[%squeeze3A_441, %dma_start3A_451] : memref<1000000x64xf32, #tpu.memory_space<hbm>> -> memref<1x64xf32, #tpu.memory_space<hbm>>
          %dma_start3A_453 = tpu.memref_squeeze %dma_start3A_452 : memref<1x64xf32, #tpu.memory_space<hbm>> -> memref<64xf32, #tpu.memory_space<hbm>>
          %dma_start3A_454 = tpu.memref_slice %arg7[%dma_start3A_447] : memref<2x!tpu.dma_semaphore, #tpu.memory_space<semaphore_mem>> -> memref<1x!tpu.dma_semaphore, #tpu.memory_space<semaphore_mem>>
          %dma_start3A_455 = tpu.memref_squeeze %dma_start3A_454 : memref<1x!tpu.dma_semaphore, #tpu.memory_space<semaphore_mem>> -> memref<!tpu.dma_semaphore, #tpu.memory_space<semaphore_mem>>
          %dma_start3A_456 = arith.constant 0 : i32
          %dma_start3A_457 = tpu.memref_slice %arg6[%dma_start3A_446, %add3A_445, %dma_start3A_456] : memref<2x200x64xf32, #tpu.memory_space<vmem>> -> memref<1x1x64xf32, #tpu.memory_space<vmem>>
          %dma_start3A_458 = tpu.memref_squeeze %dma_start3A_457 : memref<1x1x64xf32, #tpu.memory_space<vmem>> -> memref<64xf32, #tpu.memory_space<vmem>>
          %dma_start3A_459 = arith.constant 0 : i32
          %dma_start3A_460 = tpu.memref_slice %arg3[%squeeze3A_441, %dma_start3A_459] : memref<1000000x64xf32, #tpu.memory_space<hbm>> -> memref<1x64xf32, #tpu.memory_space<hbm>>
          %dma_start3A_461 = tpu.memref_squeeze %dma_start3A_460 : memref<1x64xf32, #tpu.memory_space<hbm>> -> memref<64xf32, #tpu.memory_space<hbm>>
          tpu.enqueue_dma source(%dma_start3A_461 : memref<64xf32, #tpu.memory_space<hbm>>) target(%dma_start3A_458 : memref<64xf32, #tpu.memory_space<vmem>>) target_semaphore(%dma_start3A_455 : memref<!tpu.dma_semaphore, #tpu.memory_space<semaphore_mem>>)
          %slice3A_462 = vector.extract_strided_slice %get3A_439 {offsets = [1], sizes = [1], strides = [1]} : vector<16xi32> to vector<1xi32>
          %squeeze3A_463 = vector.extract %slice3A_462[0] : i32 from vector<1xi32>
          %mul3A_464 = arith.constant 16 : i32
          %mul3A_465 = arith.muli %scan3A_433, %mul3A_464 : i32
          %add3A_466 = arith.constant 1 : i32
          %add3A_467 = arith.addi %mul3A_465, %add3A_466 : i32
          %dma_start3A_468 = arith.constant 0 : i32
          %dma_start3A_469 = arith.constant 0 : i32
          %dma_start3A_470 = arith.constant 0 : i32
          %dma_start3A_471 = tpu.memref_slice %arg6[%dma_start3A_468, %add3A_467, %dma_start3A_470] : memref<2x200x64xf32, #tpu.memory_space<vmem>> -> memref<1x1x64xf32, #tpu.memory_space<vmem>>
          %dma_start3A_472 = tpu.memref_squeeze %dma_start3A_471 : memref<1x1x64xf32, #tpu.memory_space<vmem>> -> memref<64xf32, #tpu.memory_space<vmem>>
          %dma_start3A_473 = arith.constant 0 : i32
          %dma_start3A_474 = tpu.memref_slice %arg3[%squeeze3A_463, %dma_start3A_473] : memref<1000000x64xf32, #tpu.memory_space<hbm>> -> memref<1x64xf32, #tpu.memory_space<hbm>>
          %dma_start3A_475 = tpu.memref_squeeze %dma_start3A_474 : memref<1x64xf32, #tpu.memory_space<hbm>> -> memref<64xf32, #tpu.memory_space<hbm>>
          %dma_start3A_476 = tpu.memref_slice %arg7[%dma_start3A_469] : memref<2x!tpu.dma_semaphore, #tpu.memory_space<semaphore_mem>> -> memref<1x!tpu.dma_semaphore, #tpu.memory_space<semaphore_mem>>
          %dma_start3A_477 = tpu.memref_squeeze %dma_start3A_476 : memref<1x!tpu.dma_semaphore, #tpu.memory_space<semaphore_mem>> -> memref<!tpu.dma_semaphore, #tpu.memory_space<semaphore_mem>>
          %dma_start3A_478 = arith.constant 0 : i32
          %dma_start3A_479 = tpu.memref_slice %arg6[%dma_start3A_468, %add3A_467, %dma_start3A_478] : memref<2x200x64xf32, #tpu.memory_space<vmem>> -> memref<1x1x64xf32, #tpu.memory_space<vmem>>
          %dma_start3A_480 = tpu.memref_squeeze %dma_start3A_479 : memref<1x1x64xf32, #tpu.memory_space<vmem>> -> memref<64xf32, #tpu.memory_space<vmem>>
          %dma_start3A_481 = arith.constant 0 : i32
          %dma_start3A_482 = tpu.memref_slice %arg3[%squeeze3A_463, %dma_start3A_481] : memref<1000000x64xf32, #tpu.memory_space<hbm>> -> memref<1x64xf32, #tpu.memory_space<hbm>>
          %dma_start3A_483 = tpu.memref_squeeze %dma_start3A_482 : memref<1x64xf32, #tpu.memory_space<hbm>> -> memref<64xf32, #tpu.memory_space<hbm>>
          tpu.enqueue_dma source(%dma_start3A_483 : memref<64xf32, #tpu.memory_space<hbm>>) target(%dma_start3A_480 : memref<64xf32, #tpu.memory_space<vmem>>) target_semaphore(%dma_start3A_477 : memref<!tpu.dma_semaphore, #tpu.memory_space<semaphore_mem>>)
          %slice3A_484 = vector.extract_strided_slice %get3A_439 {offsets = [2], sizes = [1], strides = [1]} : vector<16xi32> to vector<1xi32>
          %squeeze3A_485 = vector.extract %slice3A_484[0] : i32 from vector<1xi32>
          %mul3A_486 = arith.constant 16 : i32
          %mul3A_487 = arith.muli %scan3A_433, %mul3A_486 : i32
          %add3A_488 = arith.constant 2 : i32
          %add3A_489 = arith.addi %mul3A_487, %add3A_488 : i32
          %dma_start3A_490 = arith.constant 0 : i32
          %dma_start3A_491 = arith.constant 0 : i32
          %dma_start3A_492 = arith.constant 0 : i32
          %dma_start3A_493 = tpu.memref_slice %arg6[%dma_start3A_490, %add3A_489, %dma_start3A_492] : memref<2x200x64xf32, #tpu.memory_space<vmem>> -> memref<1x1x64xf32, #tpu.memory_space<vmem>>
          %dma_start3A_494 = tpu.memref_squeeze %dma_start3A_493 : memref<1x1x64xf32, #tpu.memory_space<vmem>> -> memref<64xf32, #tpu.memory_space<vmem>>
          %dma_start3A_495 = arith.constant 0 : i32
          %dma_start3A_496 = tpu.memref_slice %arg3[%squeeze3A_485, %dma_start3A_495] : memref<1000000x64xf32, #tpu.memory_space<hbm>> -> memref<1x64xf32, #tpu.memory_space<hbm>>
          %dma_start3A_497 = tpu.memref_squeeze %dma_start3A_496 : memref<1x64xf32, #tpu.memory_space<hbm>> -> memref<64xf32, #tpu.memory_space<hbm>>
          %dma_start3A_498 = tpu.memref_slice %arg7[%dma_start3A_491] : memref<2x!tpu.dma_semaphore, #tpu.memory_space<semaphore_mem>> -> memref<1x!tpu.dma_semaphore, #tpu.memory_space<semaphore_mem>>
          %dma_start3A_499 = tpu.memref_squeeze %dma_start3A_498 : memref<1x!tpu.dma_semaphore, #tpu.memory_space<semaphore_mem>> -> memref<!tpu.dma_semaphore, #tpu.memory_space<semaphore_mem>>
          %dma_start3A_500 = arith.constant 0 : i32
          %dma_start3A_501 = tpu.memref_slice %arg6[%dma_start3A_490, %add3A_489, %dma_start3A_500] : memref<2x200x64xf32, #tpu.memory_space<vmem>> -> memref<1x1x64xf32, #tpu.memory_space<vmem>>
          %dma_start3A_502 = tpu.memref_squeeze %dma_start3A_501 : memref<1x1x64xf32, #tpu.memory_space<vmem>> -> memref<64xf32, #tpu.memory_space<vmem>>
          %dma_start3A_503 = arith.constant 0 : i32
          %dma_start3A_504 = tpu.memref_slice %arg3[%squeeze3A_485, %dma_start3A_503] : memref<1000000x64xf32, #tpu.memory_space<hbm>> -> memref<1x64xf32, #tpu.memory_space<hbm>>
          %dma_start3A_505 = tpu.memref_squeeze %dma_start3A_504 : memref<1x64xf32, #tpu.memory_space<hbm>> -> memref<64xf32, #tpu.memory_space<hbm>>
          tpu.enqueue_dma source(%dma_start3A_505 : memref<64xf32, #tpu.memory_space<hbm>>) target(%dma_start3A_502 : memref<64xf32, #tpu.memory_space<vmem>>) target_semaphore(%dma_start3A_499 : memref<!tpu.dma_semaphore, #tpu.memory_space<semaphore_mem>>)
          %slice3A_506 = vector.extract_strided_slice %get3A_439 {offsets = [3], sizes = [1], strides = [1]} : vector<16xi32> to vector<1xi32>
          %squeeze3A_507 = vector.extract %slice3A_506[0] : i32 from vector<1xi32>
          %mul3A_508 = arith.constant 16 : i32
          %mul3A_509 = arith.muli %scan3A_433, %mul3A_508 : i32
          %add3A_510 = arith.constant 3 : i32
          %add3A_511 = arith.addi %mul3A_509, %add3A_510 : i32
          %dma_start3A_512 = arith.constant 0 : i32
          %dma_start3A_513 = arith.constant 0 : i32
          %dma_start3A_514 = arith.constant 0 : i32
          %dma_start3A_515 = tpu.memref_slice %arg6[%dma_start3A_512, %add3A_511, %dma_start3A_514] : memref<2x200x64xf32, #tpu.memory_space<vmem>> -> memref<1x1x64xf32, #tpu.memory_space<vmem>>
          %dma_start3A_516 = tpu.memref_squeeze %dma_start3A_515 : memref<1x1x64xf32, #tpu.memory_space<vmem>> -> memref<64xf32, #tpu.memory_space<vmem>>
          %dma_start3A_517 = arith.constant 0 : i32
          %dma_start3A_518 = tpu.memref_slice %arg3[%squeeze3A_507, %dma_start3A_517] : memref<1000000x64xf32, #tpu.memory_space<hbm>> -> memref<1x64xf32, #tpu.memory_space<hbm>>
          %dma_start3A_519 = tpu.memref_squeeze %dma_start3A_518 : memref<1x64xf32, #tpu.memory_space<hbm>> -> memref<64xf32, #tpu.memory_space<hbm>>
          %dma_start3A_520 = tpu.memref_slice %arg7[%dma_start3A_513] : memref<2x!tpu.dma_semaphore, #tpu.memory_space<semaphore_mem>> -> memref<1x!tpu.dma_semaphore, #tpu.memory_space<semaphore_mem>>
          %dma_start3A_521 = tpu.memref_squeeze %dma_start3A_520 : memref<1x!tpu.dma_semaphore, #tpu.memory_space<semaphore_mem>> -> memref<!tpu.dma_semaphore, #tpu.memory_space<semaphore_mem>>
          %dma_start3A_522 = arith.constant 0 : i32
          %dma_start3A_523 = tpu.memref_slice %arg6[%dma_start3A_512, %add3A_511, %dma_start3A_522] : memref<2x200x64xf32, #tpu.memory_space<vmem>> -> memref<1x1x64xf32, #tpu.memory_space<vmem>>
          %dma_start3A_524 = tpu.memref_squeeze %dma_start3A_523 : memref<1x1x64xf32, #tpu.memory_space<vmem>> -> memref<64xf32, #tpu.memory_space<vmem>>
          %dma_start3A_525 = arith.constant 0 : i32
          %dma_start3A_526 = tpu.memref_slice %arg3[%squeeze3A_507, %dma_start3A_525] : memref<1000000x64xf32, #tpu.memory_space<hbm>> -> memref<1x64xf32, #tpu.memory_space<hbm>>
          %dma_start3A_527 = tpu.memref_squeeze %dma_start3A_526 : memref<1x64xf32, #tpu.memory_space<hbm>> -> memref<64xf32, #tpu.memory_space<hbm>>
          tpu.enqueue_dma source(%dma_start3A_527 : memref<64xf32, #tpu.memory_space<hbm>>) target(%dma_start3A_524 : memref<64xf32, #tpu.memory_space<vmem>>) target_semaphore(%dma_start3A_521 : memref<!tpu.dma_semaphore, #tpu.memory_space<semaphore_mem>>)
          %slice3A_528 = vector.extract_strided_slice %get3A_439 {offsets = [4], sizes = [1], strides = [1]} : vector<16xi32> to vector<1xi32>
          %squeeze3A_529 = vector.extract %slice3A_528[0] : i32 from vector<1xi32>
          %mul3A_530 = arith.constant 16 : i32
          %mul3A_531 = arith.muli %scan3A_433, %mul3A_530 : i32
          %add3A_532 = arith.constant 4 : i32
          %add3A_533 = arith.addi %mul3A_531, %add3A_532 : i32
          %dma_start3A_534 = arith.constant 0 : i32
          %dma_start3A_535 = arith.constant 0 : i32
          %dma_start3A_536 = arith.constant 0 : i32
          %dma_start3A_537 = tpu.memref_slice %arg6[%dma_start3A_534, %add3A_533, %dma_start3A_536] : memref<2x200x64xf32, #tpu.memory_space<vmem>> -> memref<1x1x64xf32, #tpu.memory_space<vmem>>
          %dma_start3A_538 = tpu.memref_squeeze %dma_start3A_537 : memref<1x1x64xf32, #tpu.memory_space<vmem>> -> memref<64xf32, #tpu.memory_space<vmem>>
          %dma_start3A_539 = arith.constant 0 : i32
          %dma_start3A_540 = tpu.memref_slice %arg3[%squeeze3A_529, %dma_start3A_539] : memref<1000000x64xf32, #tpu.memory_space<hbm>> -> memref<1x64xf32, #tpu.memory_space<hbm>>
          %dma_start3A_541 = tpu.memref_squeeze %dma_start3A_540 : memref<1x64xf32, #tpu.memory_space<hbm>> -> memref<64xf32, #tpu.memory_space<hbm>>
          %dma_start3A_542 = tpu.memref_slice %arg7[%dma_start3A_535] : memref<2x!tpu.dma_semaphore, #tpu.memory_space<semaphore_mem>> -> memref<1x!tpu.dma_semaphore, #tpu.memory_space<semaphore_mem>>
          %dma_start3A_543 = tpu.memref_squeeze %dma_start3A_542 : memref<1x!tpu.dma_semaphore, #tpu.memory_space<semaphore_mem>> -> memref<!tpu.dma_semaphore, #tpu.memory_space<semaphore_mem>>
          %dma_start3A_544 = arith.constant 0 : i32
          %dma_start3A_545 = tpu.memref_slice %arg6[%dma_start3A_534, %add3A_533, %dma_start3A_544] : memref<2x200x64xf32, #tpu.memory_space<vmem>> -> memref<1x1x64xf32, #tpu.memory_space<vmem>>
          %dma_start3A_546 = tpu.memref_squeeze %dma_start3A_545 : memref<1x1x64xf32, #tpu.memory_space<vmem>> -> memref<64xf32, #tpu.memory_space<vmem>>
          %dma_start3A_547 = arith.constant 0 : i32
          %dma_start3A_548 = tpu.memref_slice %arg3[%squeeze3A_529, %dma_start3A_547] : memref<1000000x64xf32, #tpu.memory_space<hbm>> -> memref<1x64xf32, #tpu.memory_space<hbm>>
          %dma_start3A_549 = tpu.memref_squeeze %dma_start3A_548 : memref<1x64xf32, #tpu.memory_space<hbm>> -> memref<64xf32, #tpu.memory_space<hbm>>
          tpu.enqueue_dma source(%dma_start3A_549 : memref<64xf32, #tpu.memory_space<hbm>>) target(%dma_start3A_546 : memref<64xf32, #tpu.memory_space<vmem>>) target_semaphore(%dma_start3A_543 : memref<!tpu.dma_semaphore, #tpu.memory_space<semaphore_mem>>)
          %slice3A_550 = vector.extract_strided_slice %get3A_439 {offsets = [5], sizes = [1], strides = [1]} : vector<16xi32> to vector<1xi32>
          %squeeze3A_551 = vector.extract %slice3A_550[0] : i32 from vector<1xi32>
          %mul3A_552 = arith.constant 16 : i32
          %mul3A_553 = arith.muli %scan3A_433, %mul3A_552 : i32
          %add3A_554 = arith.constant 5 : i32
          %add3A_555 = arith.addi %mul3A_553, %add3A_554 : i32
          %dma_start3A_556 = arith.constant 0 : i32
          %dma_start3A_557 = arith.constant 0 : i32
          %dma_start3A_558 = arith.constant 0 : i32
          %dma_start3A_559 = tpu.memref_slice %arg6[%dma_start3A_556, %add3A_555, %dma_start3A_558] : memref<2x200x64xf32, #tpu.memory_space<vmem>> -> memref<1x1x64xf32, #tpu.memory_space<vmem>>
          %dma_start3A_560 = tpu.memref_squeeze %dma_start3A_559 : memref<1x1x64xf32, #tpu.memory_space<vmem>> -> memref<64xf32, #tpu.memory_space<vmem>>
          %dma_start3A_561 = arith.constant 0 : i32
          %dma_start3A_562 = tpu.memref_slice %arg3[%squeeze3A_551, %dma_start3A_561] : memref<1000000x64xf32, #tpu.memory_space<hbm>> -> memref<1x64xf32, #tpu.memory_space<hbm>>
          %dma_start3A_563 = tpu.memref_squeeze %dma_start3A_562 : memref<1x64xf32, #tpu.memory_space<hbm>> -> memref<64xf32, #tpu.memory_space<hbm>>
          %dma_start3A_564 = tpu.memref_slice %arg7[%dma_start3A_557] : memref<2x!tpu.dma_semaphore, #tpu.memory_space<semaphore_mem>> -> memref<1x!tpu.dma_semaphore, #tpu.memory_space<semaphore_mem>>
          %dma_start3A_565 = tpu.memref_squeeze %dma_start3A_564 : memref<1x!tpu.dma_semaphore, #tpu.memory_space<semaphore_mem>> -> memref<!tpu.dma_semaphore, #tpu.memory_space<semaphore_mem>>
          %dma_start3A_566 = arith.constant 0 : i32
          %dma_start3A_567 = tpu.memref_slice %arg6[%dma_start3A_556, %add3A_555, %dma_start3A_566] : memref<2x200x64xf32, #tpu.memory_space<vmem>> -> memref<1x1x64xf32, #tpu.memory_space<vmem>>
          %dma_start3A_568 = tpu.memref_squeeze %dma_start3A_567 : memref<1x1x64xf32, #tpu.memory_space<vmem>> -> memref<64xf32, #tpu.memory_space<vmem>>
          %dma_start3A_569 = arith.constant 0 : i32
          %dma_start3A_570 = tpu.memref_slice %arg3[%squeeze3A_551, %dma_start3A_569] : memref<1000000x64xf32, #tpu.memory_space<hbm>> -> memref<1x64xf32, #tpu.memory_space<hbm>>
          %dma_start3A_571 = tpu.memref_squeeze %dma_start3A_570 : memref<1x64xf32, #tpu.memory_space<hbm>> -> memref<64xf32, #tpu.memory_space<hbm>>
          tpu.enqueue_dma source(%dma_start3A_571 : memref<64xf32, #tpu.memory_space<hbm>>) target(%dma_start3A_568 : memref<64xf32, #tpu.memory_space<vmem>>) target_semaphore(%dma_start3A_565 : memref<!tpu.dma_semaphore, #tpu.memory_space<semaphore_mem>>)
          %slice3A_572 = vector.extract_strided_slice %get3A_439 {offsets = [6], sizes = [1], strides = [1]} : vector<16xi32> to vector<1xi32>
          %squeeze3A_573 = vector.extract %slice3A_572[0] : i32 from vector<1xi32>
          %mul3A_574 = arith.constant 16 : i32
          %mul3A_575 = arith.muli %scan3A_433, %mul3A_574 : i32
          %add3A_576 = arith.constant 6 : i32
          %add3A_577 = arith.addi %mul3A_575, %add3A_576 : i32
          %dma_start3A_578 = arith.constant 0 : i32
          %dma_start3A_579 = arith.constant 0 : i32
          %dma_start3A_580 = arith.constant 0 : i32
          %dma_start3A_581 = tpu.memref_slice %arg6[%dma_start3A_578, %add3A_577, %dma_start3A_580] : memref<2x200x64xf32, #tpu.memory_space<vmem>> -> memref<1x1x64xf32, #tpu.memory_space<vmem>>
          %dma_start3A_582 = tpu.memref_squeeze %dma_start3A_581 : memref<1x1x64xf32, #tpu.memory_space<vmem>> -> memref<64xf32, #tpu.memory_space<vmem>>
          %dma_start3A_583 = arith.constant 0 : i32
          %dma_start3A_584 = tpu.memref_slice %arg3[%squeeze3A_573, %dma_start3A_583] : memref<1000000x64xf32, #tpu.memory_space<hbm>> -> memref<1x64xf32, #tpu.memory_space<hbm>>
          %dma_start3A_585 = tpu.memref_squeeze %dma_start3A_584 : memref<1x64xf32, #tpu.memory_space<hbm>> -> memref<64xf32, #tpu.memory_space<hbm>>
          %dma_start3A_586 = tpu.memref_slice %arg7[%dma_start3A_579] : memref<2x!tpu.dma_semaphore, #tpu.memory_space<semaphore_mem>> -> memref<1x!tpu.dma_semaphore, #tpu.memory_space<semaphore_mem>>
          %dma_start3A_587 = tpu.memref_squeeze %dma_start3A_586 : memref<1x!tpu.dma_semaphore, #tpu.memory_space<semaphore_mem>> -> memref<!tpu.dma_semaphore, #tpu.memory_space<semaphore_mem>>
          %dma_start3A_588 = arith.constant 0 : i32
          %dma_start3A_589 = tpu.memref_slice %arg6[%dma_start3A_578, %add3A_577, %dma_start3A_588] : memref<2x200x64xf32, #tpu.memory_space<vmem>> -> memref<1x1x64xf32, #tpu.memory_space<vmem>>
          %dma_start3A_590 = tpu.memref_squeeze %dma_start3A_589 : memref<1x1x64xf32, #tpu.memory_space<vmem>> -> memref<64xf32, #tpu.memory_space<vmem>>
          %dma_start3A_591 = arith.constant 0 : i32
          %dma_start3A_592 = tpu.memref_slice %arg3[%squeeze3A_573, %dma_start3A_591] : memref<1000000x64xf32, #tpu.memory_space<hbm>> -> memref<1x64xf32, #tpu.memory_space<hbm>>
          %dma_start3A_593 = tpu.memref_squeeze %dma_start3A_592 : memref<1x64xf32, #tpu.memory_space<hbm>> -> memref<64xf32, #tpu.memory_space<hbm>>
          tpu.enqueue_dma source(%dma_start3A_593 : memref<64xf32, #tpu.memory_space<hbm>>) target(%dma_start3A_590 : memref<64xf32, #tpu.memory_space<vmem>>) target_semaphore(%dma_start3A_587 : memref<!tpu.dma_semaphore, #tpu.memory_space<semaphore_mem>>)
          %slice3A_594 = vector.extract_strided_slice %get3A_439 {offsets = [7], sizes = [1], strides = [1]} : vector<16xi32> to vector<1xi32>
          %squeeze3A_595 = vector.extract %slice3A_594[0] : i32 from vector<1xi32>
          %mul3A_596 = arith.constant 16 : i32
          %mul3A_597 = arith.muli %scan3A_433, %mul3A_596 : i32
          %add3A_598 = arith.constant 7 : i32
          %add3A_599 = arith.addi %mul3A_597, %add3A_598 : i32
          %dma_start3A_600 = arith.constant 0 : i32
          %dma_start3A_601 = arith.constant 0 : i32
          %dma_start3A_602 = arith.constant 0 : i32
          %dma_start3A_603 = tpu.memref_slice %arg6[%dma_start3A_600, %add3A_599, %dma_start3A_602] : memref<2x200x64xf32, #tpu.memory_space<vmem>> -> memref<1x1x64xf32, #tpu.memory_space<vmem>>
          %dma_start3A_604 = tpu.memref_squeeze %dma_start3A_603 : memref<1x1x64xf32, #tpu.memory_space<vmem>> -> memref<64xf32, #tpu.memory_space<vmem>>
          %dma_start3A_605 = arith.constant 0 : i32
          %dma_start3A_606 = tpu.memref_slice %arg3[%squeeze3A_595, %dma_start3A_605] : memref<1000000x64xf32, #tpu.memory_space<hbm>> -> memref<1x64xf32, #tpu.memory_space<hbm>>
          %dma_start3A_607 = tpu.memref_squeeze %dma_start3A_606 : memref<1x64xf32, #tpu.memory_space<hbm>> -> memref<64xf32, #tpu.memory_space<hbm>>
          %dma_start3A_608 = tpu.memref_slice %arg7[%dma_start3A_601] : memref<2x!tpu.dma_semaphore, #tpu.memory_space<semaphore_mem>> -> memref<1x!tpu.dma_semaphore, #tpu.memory_space<semaphore_mem>>
          %dma_start3A_609 = tpu.memref_squeeze %dma_start3A_608 : memref<1x!tpu.dma_semaphore, #tpu.memory_space<semaphore_mem>> -> memref<!tpu.dma_semaphore, #tpu.memory_space<semaphore_mem>>
          %dma_start3A_610 = arith.constant 0 : i32
          %dma_start3A_611 = tpu.memref_slice %arg6[%dma_start3A_600, %add3A_599, %dma_start3A_610] : memref<2x200x64xf32, #tpu.memory_space<vmem>> -> memref<1x1x64xf32, #tpu.memory_space<vmem>>
          %dma_start3A_612 = tpu.memref_squeeze %dma_start3A_611 : memref<1x1x64xf32, #tpu.memory_space<vmem>> -> memref<64xf32, #tpu.memory_space<vmem>>
          %dma_start3A_613 = arith.constant 0 : i32
          %dma_start3A_614 = tpu.memref_slice %arg3[%squeeze3A_595, %dma_start3A_613] : memref<1000000x64xf32, #tpu.memory_space<hbm>> -> memref<1x64xf32, #tpu.memory_space<hbm>>
          %dma_start3A_615 = tpu.memref_squeeze %dma_start3A_614 : memref<1x64xf32, #tpu.memory_space<hbm>> -> memref<64xf32, #tpu.memory_space<hbm>>
          tpu.enqueue_dma source(%dma_start3A_615 : memref<64xf32, #tpu.memory_space<hbm>>) target(%dma_start3A_612 : memref<64xf32, #tpu.memory_space<vmem>>) target_semaphore(%dma_start3A_609 : memref<!tpu.dma_semaphore, #tpu.memory_space<semaphore_mem>>)
          %slice3A_616 = vector.extract_strided_slice %get3A_439 {offsets = [8], sizes = [1], strides = [1]} : vector<16xi32> to vector<1xi32>
          %squeeze3A_617 = vector.extract %slice3A_616[0] : i32 from vector<1xi32>
          %mul3A_618 = arith.constant 16 : i32
          %mul3A_619 = arith.muli %scan3A_433, %mul3A_618 : i32
          %add3A_620 = arith.constant 8 : i32
          %add3A_621 = arith.addi %mul3A_619, %add3A_620 : i32
          %dma_start3A_622 = arith.constant 0 : i32
          %dma_start3A_623 = arith.constant 0 : i32
          %dma_start3A_624 = arith.constant 0 : i32
          %dma_start3A_625 = tpu.memref_slice %arg6[%dma_start3A_622, %add3A_621, %dma_start3A_624] : memref<2x200x64xf32, #tpu.memory_space<vmem>> -> memref<1x1x64xf32, #tpu.memory_space<vmem>>
          %dma_start3A_626 = tpu.memref_squeeze %dma_start3A_625 : memref<1x1x64xf32, #tpu.memory_space<vmem>> -> memref<64xf32, #tpu.memory_space<vmem>>
          %dma_start3A_627 = arith.constant 0 : i32
          %dma_start3A_628 = tpu.memref_slice %arg3[%squeeze3A_617, %dma_start3A_627] : memref<1000000x64xf32, #tpu.memory_space<hbm>> -> memref<1x64xf32, #tpu.memory_space<hbm>>
          %dma_start3A_629 = tpu.memref_squeeze %dma_start3A_628 : memref<1x64xf32, #tpu.memory_space<hbm>> -> memref<64xf32, #tpu.memory_space<hbm>>
          %dma_start3A_630 = tpu.memref_slice %arg7[%dma_start3A_623] : memref<2x!tpu.dma_semaphore, #tpu.memory_space<semaphore_mem>> -> memref<1x!tpu.dma_semaphore, #tpu.memory_space<semaphore_mem>>
          %dma_start3A_631 = tpu.memref_squeeze %dma_start3A_630 : memref<1x!tpu.dma_semaphore, #tpu.memory_space<semaphore_mem>> -> memref<!tpu.dma_semaphore, #tpu.memory_space<semaphore_mem>>
          %dma_start3A_632 = arith.constant 0 : i32
          %dma_start3A_633 = tpu.memref_slice %arg6[%dma_start3A_622, %add3A_621, %dma_start3A_632] : memref<2x200x64xf32, #tpu.memory_space<vmem>> -> memref<1x1x64xf32, #tpu.memory_space<vmem>>
          %dma_start3A_634 = tpu.memref_squeeze %dma_start3A_633 : memref<1x1x64xf32, #tpu.memory_space<vmem>> -> memref<64xf32, #tpu.memory_space<vmem>>
          %dma_start3A_635 = arith.constant 0 : i32
          %dma_start3A_636 = tpu.memref_slice %arg3[%squeeze3A_617, %dma_start3A_635] : memref<1000000x64xf32, #tpu.memory_space<hbm>> -> memref<1x64xf32, #tpu.memory_space<hbm>>
          %dma_start3A_637 = tpu.memref_squeeze %dma_start3A_636 : memref<1x64xf32, #tpu.memory_space<hbm>> -> memref<64xf32, #tpu.memory_space<hbm>>
          tpu.enqueue_dma source(%dma_start3A_637 : memref<64xf32, #tpu.memory_space<hbm>>) target(%dma_start3A_634 : memref<64xf32, #tpu.memory_space<vmem>>) target_semaphore(%dma_start3A_631 : memref<!tpu.dma_semaphore, #tpu.memory_space<semaphore_mem>>)
          %slice3A_638 = vector.extract_strided_slice %get3A_439 {offsets = [9], sizes = [1], strides = [1]} : vector<16xi32> to vector<1xi32>
          %squeeze3A_639 = vector.extract %slice3A_638[0] : i32 from vector<1xi32>
          %mul3A_640 = arith.constant 16 : i32
          %mul3A_641 = arith.muli %scan3A_433, %mul3A_640 : i32
          %add3A_642 = arith.constant 9 : i32
          %add3A_643 = arith.addi %mul3A_641, %add3A_642 : i32
          %dma_start3A_644 = arith.constant 0 : i32
          %dma_start3A_645 = arith.constant 0 : i32
          %dma_start3A_646 = arith.constant 0 : i32
          %dma_start3A_647 = tpu.memref_slice %arg6[%dma_start3A_644, %add3A_643, %dma_start3A_646] : memref<2x200x64xf32, #tpu.memory_space<vmem>> -> memref<1x1x64xf32, #tpu.memory_space<vmem>>
          %dma_start3A_648 = tpu.memref_squeeze %dma_start3A_647 : memref<1x1x64xf32, #tpu.memory_space<vmem>> -> memref<64xf32, #tpu.memory_space<vmem>>
          %dma_start3A_649 = arith.constant 0 : i32
          %dma_start3A_650 = tpu.memref_slice %arg3[%squeeze3A_639, %dma_start3A_649] : memref<1000000x64xf32, #tpu.memory_space<hbm>> -> memref<1x64xf32, #tpu.memory_space<hbm>>
          %dma_start3A_651 = tpu.memref_squeeze %dma_start3A_650 : memref<1x64xf32, #tpu.memory_space<hbm>> -> memref<64xf32, #tpu.memory_space<hbm>>
          %dma_start3A_652 = tpu.memref_slice %arg7[%dma_start3A_645] : memref<2x!tpu.dma_semaphore, #tpu.memory_space<semaphore_mem>> -> memref<1x!tpu.dma_semaphore, #tpu.memory_space<semaphore_mem>>
          %dma_start3A_653 = tpu.memref_squeeze %dma_start3A_652 : memref<1x!tpu.dma_semaphore, #tpu.memory_space<semaphore_mem>> -> memref<!tpu.dma_semaphore, #tpu.memory_space<semaphore_mem>>
          %dma_start3A_654 = arith.constant 0 : i32
          %dma_start3A_655 = tpu.memref_slice %arg6[%dma_start3A_644, %add3A_643, %dma_start3A_654] : memref<2x200x64xf32, #tpu.memory_space<vmem>> -> memref<1x1x64xf32, #tpu.memory_space<vmem>>
          %dma_start3A_656 = tpu.memref_squeeze %dma_start3A_655 : memref<1x1x64xf32, #tpu.memory_space<vmem>> -> memref<64xf32, #tpu.memory_space<vmem>>
          %dma_start3A_657 = arith.constant 0 : i32
          %dma_start3A_658 = tpu.memref_slice %arg3[%squeeze3A_639, %dma_start3A_657] : memref<1000000x64xf32, #tpu.memory_space<hbm>> -> memref<1x64xf32, #tpu.memory_space<hbm>>
          %dma_start3A_659 = tpu.memref_squeeze %dma_start3A_658 : memref<1x64xf32, #tpu.memory_space<hbm>> -> memref<64xf32, #tpu.memory_space<hbm>>
          tpu.enqueue_dma source(%dma_start3A_659 : memref<64xf32, #tpu.memory_space<hbm>>) target(%dma_start3A_656 : memref<64xf32, #tpu.memory_space<vmem>>) target_semaphore(%dma_start3A_653 : memref<!tpu.dma_semaphore, #tpu.memory_space<semaphore_mem>>)
          %slice3A_660 = vector.extract_strided_slice %get3A_439 {offsets = [10], sizes = [1], strides = [1]} : vector<16xi32> to vector<1xi32>
          %squeeze3A_661 = vector.extract %slice3A_660[0] : i32 from vector<1xi32>
          %mul3A_662 = arith.constant 16 : i32
          %mul3A_663 = arith.muli %scan3A_433, %mul3A_662 : i32
          %add3A_664 = arith.constant 10 : i32
          %add3A_665 = arith.addi %mul3A_663, %add3A_664 : i32
          %dma_start3A_666 = arith.constant 0 : i32
          %dma_start3A_667 = arith.constant 0 : i32
          %dma_start3A_668 = arith.constant 0 : i32
          %dma_start3A_669 = tpu.memref_slice %arg6[%dma_start3A_666, %add3A_665, %dma_start3A_668] : memref<2x200x64xf32, #tpu.memory_space<vmem>> -> memref<1x1x64xf32, #tpu.memory_space<vmem>>
          %dma_start3A_670 = tpu.memref_squeeze %dma_start3A_669 : memref<1x1x64xf32, #tpu.memory_space<vmem>> -> memref<64xf32, #tpu.memory_space<vmem>>
          %dma_start3A_671 = arith.constant 0 : i32
          %dma_start3A_672 = tpu.memref_slice %arg3[%squeeze3A_661, %dma_start3A_671] : memref<1000000x64xf32, #tpu.memory_space<hbm>> -> memref<1x64xf32, #tpu.memory_space<hbm>>
          %dma_start3A_673 = tpu.memref_squeeze %dma_start3A_672 : memref<1x64xf32, #tpu.memory_space<hbm>> -> memref<64xf32, #tpu.memory_space<hbm>>
          %dma_start3A_674 = tpu.memref_slice %arg7[%dma_start3A_667] : memref<2x!tpu.dma_semaphore, #tpu.memory_space<semaphore_mem>> -> memref<1x!tpu.dma_semaphore, #tpu.memory_space<semaphore_mem>>
          %dma_start3A_675 = tpu.memref_squeeze %dma_start3A_674 : memref<1x!tpu.dma_semaphore, #tpu.memory_space<semaphore_mem>> -> memref<!tpu.dma_semaphore, #tpu.memory_space<semaphore_mem>>
          %dma_start3A_676 = arith.constant 0 : i32
          %dma_start3A_677 = tpu.memref_slice %arg6[%dma_start3A_666, %add3A_665, %dma_start3A_676] : memref<2x200x64xf32, #tpu.memory_space<vmem>> -> memref<1x1x64xf32, #tpu.memory_space<vmem>>
          %dma_start3A_678 = tpu.memref_squeeze %dma_start3A_677 : memref<1x1x64xf32, #tpu.memory_space<vmem>> -> memref<64xf32, #tpu.memory_space<vmem>>
          %dma_start3A_679 = arith.constant 0 : i32
          %dma_start3A_680 = tpu.memref_slice %arg3[%squeeze3A_661, %dma_start3A_679] : memref<1000000x64xf32, #tpu.memory_space<hbm>> -> memref<1x64xf32, #tpu.memory_space<hbm>>
          %dma_start3A_681 = tpu.memref_squeeze %dma_start3A_680 : memref<1x64xf32, #tpu.memory_space<hbm>> -> memref<64xf32, #tpu.memory_space<hbm>>
          tpu.enqueue_dma source(%dma_start3A_681 : memref<64xf32, #tpu.memory_space<hbm>>) target(%dma_start3A_678 : memref<64xf32, #tpu.memory_space<vmem>>) target_semaphore(%dma_start3A_675 : memref<!tpu.dma_semaphore, #tpu.memory_space<semaphore_mem>>)
          %slice3A_682 = vector.extract_strided_slice %get3A_439 {offsets = [11], sizes = [1], strides = [1]} : vector<16xi32> to vector<1xi32>
          %squeeze3A_683 = vector.extract %slice3A_682[0] : i32 from vector<1xi32>
          %mul3A_684 = arith.constant 16 : i32
          %mul3A_685 = arith.muli %scan3A_433, %mul3A_684 : i32
          %add3A_686 = arith.constant 11 : i32
          %add3A_687 = arith.addi %mul3A_685, %add3A_686 : i32
          %dma_start3A_688 = arith.constant 0 : i32
          %dma_start3A_689 = arith.constant 0 : i32
          %dma_start3A_690 = arith.constant 0 : i32
          %dma_start3A_691 = tpu.memref_slice %arg6[%dma_start3A_688, %add3A_687, %dma_start3A_690] : memref<2x200x64xf32, #tpu.memory_space<vmem>> -> memref<1x1x64xf32, #tpu.memory_space<vmem>>
          %dma_start3A_692 = tpu.memref_squeeze %dma_start3A_691 : memref<1x1x64xf32, #tpu.memory_space<vmem>> -> memref<64xf32, #tpu.memory_space<vmem>>
          %dma_start3A_693 = arith.constant 0 : i32
          %dma_start3A_694 = tpu.memref_slice %arg3[%squeeze3A_683, %dma_start3A_693] : memref<1000000x64xf32, #tpu.memory_space<hbm>> -> memref<1x64xf32, #tpu.memory_space<hbm>>
          %dma_start3A_695 = tpu.memref_squeeze %dma_start3A_694 : memref<1x64xf32, #tpu.memory_space<hbm>> -> memref<64xf32, #tpu.memory_space<hbm>>
          %dma_start3A_696 = tpu.memref_slice %arg7[%dma_start3A_689] : memref<2x!tpu.dma_semaphore, #tpu.memory_space<semaphore_mem>> -> memref<1x!tpu.dma_semaphore, #tpu.memory_space<semaphore_mem>>
          %dma_start3A_697 = tpu.memref_squeeze %dma_start3A_696 : memref<1x!tpu.dma_semaphore, #tpu.memory_space<semaphore_mem>> -> memref<!tpu.dma_semaphore, #tpu.memory_space<semaphore_mem>>
          %dma_start3A_698 = arith.constant 0 : i32
          %dma_start3A_699 = tpu.memref_slice %arg6[%dma_start3A_688, %add3A_687, %dma_start3A_698] : memref<2x200x64xf32, #tpu.memory_space<vmem>> -> memref<1x1x64xf32, #tpu.memory_space<vmem>>
          %dma_start3A_700 = tpu.memref_squeeze %dma_start3A_699 : memref<1x1x64xf32, #tpu.memory_space<vmem>> -> memref<64xf32, #tpu.memory_space<vmem>>
          %dma_start3A_701 = arith.constant 0 : i32
          %dma_start3A_702 = tpu.memref_slice %arg3[%squeeze3A_683, %dma_start3A_701] : memref<1000000x64xf32, #tpu.memory_space<hbm>> -> memref<1x64xf32, #tpu.memory_space<hbm>>
          %dma_start3A_703 = tpu.memref_squeeze %dma_start3A_702 : memref<1x64xf32, #tpu.memory_space<hbm>> -> memref<64xf32, #tpu.memory_space<hbm>>
          tpu.enqueue_dma source(%dma_start3A_703 : memref<64xf32, #tpu.memory_space<hbm>>) target(%dma_start3A_700 : memref<64xf32, #tpu.memory_space<vmem>>) target_semaphore(%dma_start3A_697 : memref<!tpu.dma_semaphore, #tpu.memory_space<semaphore_mem>>)
          %slice3A_704 = vector.extract_strided_slice %get3A_439 {offsets = [12], sizes = [1], strides = [1]} : vector<16xi32> to vector<1xi32>
          %squeeze3A_705 = vector.extract %slice3A_704[0] : i32 from vector<1xi32>
          %mul3A_706 = arith.constant 16 : i32
          %mul3A_707 = arith.muli %scan3A_433, %mul3A_706 : i32
          %add3A_708 = arith.constant 12 : i32
          %add3A_709 = arith.addi %mul3A_707, %add3A_708 : i32
          %dma_start3A_710 = arith.constant 0 : i32
          %dma_start3A_711 = arith.constant 0 : i32
          %dma_start3A_712 = arith.constant 0 : i32
          %dma_start3A_713 = tpu.memref_slice %arg6[%dma_start3A_710, %add3A_709, %dma_start3A_712] : memref<2x200x64xf32, #tpu.memory_space<vmem>> -> memref<1x1x64xf32, #tpu.memory_space<vmem>>
          %dma_start3A_714 = tpu.memref_squeeze %dma_start3A_713 : memref<1x1x64xf32, #tpu.memory_space<vmem>> -> memref<64xf32, #tpu.memory_space<vmem>>
          %dma_start3A_715 = arith.constant 0 : i32
          %dma_start3A_716 = tpu.memref_slice %arg3[%squeeze3A_705, %dma_start3A_715] : memref<1000000x64xf32, #tpu.memory_space<hbm>> -> memref<1x64xf32, #tpu.memory_space<hbm>>
          %dma_start3A_717 = tpu.memref_squeeze %dma_start3A_716 : memref<1x64xf32, #tpu.memory_space<hbm>> -> memref<64xf32, #tpu.memory_space<hbm>>
          %dma_start3A_718 = tpu.memref_slice %arg7[%dma_start3A_711] : memref<2x!tpu.dma_semaphore, #tpu.memory_space<semaphore_mem>> -> memref<1x!tpu.dma_semaphore, #tpu.memory_space<semaphore_mem>>
          %dma_start3A_719 = tpu.memref_squeeze %dma_start3A_718 : memref<1x!tpu.dma_semaphore, #tpu.memory_space<semaphore_mem>> -> memref<!tpu.dma_semaphore, #tpu.memory_space<semaphore_mem>>
          %dma_start3A_720 = arith.constant 0 : i32
          %dma_start3A_721 = tpu.memref_slice %arg6[%dma_start3A_710, %add3A_709, %dma_start3A_720] : memref<2x200x64xf32, #tpu.memory_space<vmem>> -> memref<1x1x64xf32, #tpu.memory_space<vmem>>
          %dma_start3A_722 = tpu.memref_squeeze %dma_start3A_721 : memref<1x1x64xf32, #tpu.memory_space<vmem>> -> memref<64xf32, #tpu.memory_space<vmem>>
          %dma_start3A_723 = arith.constant 0 : i32
          %dma_start3A_724 = tpu.memref_slice %arg3[%squeeze3A_705, %dma_start3A_723] : memref<1000000x64xf32, #tpu.memory_space<hbm>> -> memref<1x64xf32, #tpu.memory_space<hbm>>
          %dma_start3A_725 = tpu.memref_squeeze %dma_start3A_724 : memref<1x64xf32, #tpu.memory_space<hbm>> -> memref<64xf32, #tpu.memory_space<hbm>>
          tpu.enqueue_dma source(%dma_start3A_725 : memref<64xf32, #tpu.memory_space<hbm>>) target(%dma_start3A_722 : memref<64xf32, #tpu.memory_space<vmem>>) target_semaphore(%dma_start3A_719 : memref<!tpu.dma_semaphore, #tpu.memory_space<semaphore_mem>>)
          %slice3A_726 = vector.extract_strided_slice %get3A_439 {offsets = [13], sizes = [1], strides = [1]} : vector<16xi32> to vector<1xi32>
          %squeeze3A_727 = vector.extract %slice3A_726[0] : i32 from vector<1xi32>
          %mul3A_728 = arith.constant 16 : i32
          %mul3A_729 = arith.muli %scan3A_433, %mul3A_728 : i32
          %add3A_730 = arith.constant 13 : i32
          %add3A_731 = arith.addi %mul3A_729, %add3A_730 : i32
          %dma_start3A_732 = arith.constant 0 : i32
          %dma_start3A_733 = arith.constant 0 : i32
          %dma_start3A_734 = arith.constant 0 : i32
          %dma_start3A_735 = tpu.memref_slice %arg6[%dma_start3A_732, %add3A_731, %dma_start3A_734] : memref<2x200x64xf32, #tpu.memory_space<vmem>> -> memref<1x1x64xf32, #tpu.memory_space<vmem>>
          %dma_start3A_736 = tpu.memref_squeeze %dma_start3A_735 : memref<1x1x64xf32, #tpu.memory_space<vmem>> -> memref<64xf32, #tpu.memory_space<vmem>>
          %dma_start3A_737 = arith.constant 0 : i32
          %dma_start3A_738 = tpu.memref_slice %arg3[%squeeze3A_727, %dma_start3A_737] : memref<1000000x64xf32, #tpu.memory_space<hbm>> -> memref<1x64xf32, #tpu.memory_space<hbm>>
          %dma_start3A_739 = tpu.memref_squeeze %dma_start3A_738 : memref<1x64xf32, #tpu.memory_space<hbm>> -> memref<64xf32, #tpu.memory_space<hbm>>
          %dma_start3A_740 = tpu.memref_slice %arg7[%dma_start3A_733] : memref<2x!tpu.dma_semaphore, #tpu.memory_space<semaphore_mem>> -> memref<1x!tpu.dma_semaphore, #tpu.memory_space<semaphore_mem>>
          %dma_start3A_741 = tpu.memref_squeeze %dma_start3A_740 : memref<1x!tpu.dma_semaphore, #tpu.memory_space<semaphore_mem>> -> memref<!tpu.dma_semaphore, #tpu.memory_space<semaphore_mem>>
          %dma_start3A_742 = arith.constant 0 : i32
          %dma_start3A_743 = tpu.memref_slice %arg6[%dma_start3A_732, %add3A_731, %dma_start3A_742] : memref<2x200x64xf32, #tpu.memory_space<vmem>> -> memref<1x1x64xf32, #tpu.memory_space<vmem>>
          %dma_start3A_744 = tpu.memref_squeeze %dma_start3A_743 : memref<1x1x64xf32, #tpu.memory_space<vmem>> -> memref<64xf32, #tpu.memory_space<vmem>>
          %dma_start3A_745 = arith.constant 0 : i32
          %dma_start3A_746 = tpu.memref_slice %arg3[%squeeze3A_727, %dma_start3A_745] : memref<1000000x64xf32, #tpu.memory_space<hbm>> -> memref<1x64xf32, #tpu.memory_space<hbm>>
          %dma_start3A_747 = tpu.memref_squeeze %dma_start3A_746 : memref<1x64xf32, #tpu.memory_space<hbm>> -> memref<64xf32, #tpu.memory_space<hbm>>
          tpu.enqueue_dma source(%dma_start3A_747 : memref<64xf32, #tpu.memory_space<hbm>>) target(%dma_start3A_744 : memref<64xf32, #tpu.memory_space<vmem>>) target_semaphore(%dma_start3A_741 : memref<!tpu.dma_semaphore, #tpu.memory_space<semaphore_mem>>)
          %slice3A_748 = vector.extract_strided_slice %get3A_439 {offsets = [14], sizes = [1], strides = [1]} : vector<16xi32> to vector<1xi32>
          %squeeze3A_749 = vector.extract %slice3A_748[0] : i32 from vector<1xi32>
          %mul3A_750 = arith.constant 16 : i32
          %mul3A_751 = arith.muli %scan3A_433, %mul3A_750 : i32
          %add3A_752 = arith.constant 14 : i32
          %add3A_753 = arith.addi %mul3A_751, %add3A_752 : i32
          %dma_start3A_754 = arith.constant 0 : i32
          %dma_start3A_755 = arith.constant 0 : i32
          %dma_start3A_756 = arith.constant 0 : i32
          %dma_start3A_757 = tpu.memref_slice %arg6[%dma_start3A_754, %add3A_753, %dma_start3A_756] : memref<2x200x64xf32, #tpu.memory_space<vmem>> -> memref<1x1x64xf32, #tpu.memory_space<vmem>>
          %dma_start3A_758 = tpu.memref_squeeze %dma_start3A_757 : memref<1x1x64xf32, #tpu.memory_space<vmem>> -> memref<64xf32, #tpu.memory_space<vmem>>
          %dma_start3A_759 = arith.constant 0 : i32
          %dma_start3A_760 = tpu.memref_slice %arg3[%squeeze3A_749, %dma_start3A_759] : memref<1000000x64xf32, #tpu.memory_space<hbm>> -> memref<1x64xf32, #tpu.memory_space<hbm>>
          %dma_start3A_761 = tpu.memref_squeeze %dma_start3A_760 : memref<1x64xf32, #tpu.memory_space<hbm>> -> memref<64xf32, #tpu.memory_space<hbm>>
          %dma_start3A_762 = tpu.memref_slice %arg7[%dma_start3A_755] : memref<2x!tpu.dma_semaphore, #tpu.memory_space<semaphore_mem>> -> memref<1x!tpu.dma_semaphore, #tpu.memory_space<semaphore_mem>>
          %dma_start3A_763 = tpu.memref_squeeze %dma_start3A_762 : memref<1x!tpu.dma_semaphore, #tpu.memory_space<semaphore_mem>> -> memref<!tpu.dma_semaphore, #tpu.memory_space<semaphore_mem>>
          %dma_start3A_764 = arith.constant 0 : i32
          %dma_start3A_765 = tpu.memref_slice %arg6[%dma_start3A_754, %add3A_753, %dma_start3A_764] : memref<2x200x64xf32, #tpu.memory_space<vmem>> -> memref<1x1x64xf32, #tpu.memory_space<vmem>>
          %dma_start3A_766 = tpu.memref_squeeze %dma_start3A_765 : memref<1x1x64xf32, #tpu.memory_space<vmem>> -> memref<64xf32, #tpu.memory_space<vmem>>
          %dma_start3A_767 = arith.constant 0 : i32
          %dma_start3A_768 = tpu.memref_slice %arg3[%squeeze3A_749, %dma_start3A_767] : memref<1000000x64xf32, #tpu.memory_space<hbm>> -> memref<1x64xf32, #tpu.memory_space<hbm>>
          %dma_start3A_769 = tpu.memref_squeeze %dma_start3A_768 : memref<1x64xf32, #tpu.memory_space<hbm>> -> memref<64xf32, #tpu.memory_space<hbm>>
          tpu.enqueue_dma source(%dma_start3A_769 : memref<64xf32, #tpu.memory_space<hbm>>) target(%dma_start3A_766 : memref<64xf32, #tpu.memory_space<vmem>>) target_semaphore(%dma_start3A_763 : memref<!tpu.dma_semaphore, #tpu.memory_space<semaphore_mem>>)
          %slice3A_770 = vector.extract_strided_slice %get3A_439 {offsets = [15], sizes = [1], strides = [1]} : vector<16xi32> to vector<1xi32>
          %squeeze3A_771 = vector.extract %slice3A_770[0] : i32 from vector<1xi32>
          %mul3A_772 = arith.constant 16 : i32
          %mul3A_773 = arith.muli %scan3A_433, %mul3A_772 : i32
          %add3A_774 = arith.constant 15 : i32
          %add3A_775 = arith.addi %mul3A_773, %add3A_774 : i32
          %dma_start3A_776 = arith.constant 0 : i32
          %dma_start3A_777 = arith.constant 0 : i32
          %dma_start3A_778 = arith.constant 0 : i32
          %dma_start3A_779 = tpu.memref_slice %arg6[%dma_start3A_776, %add3A_775, %dma_start3A_778] : memref<2x200x64xf32, #tpu.memory_space<vmem>> -> memref<1x1x64xf32, #tpu.memory_space<vmem>>
          %dma_start3A_780 = tpu.memref_squeeze %dma_start3A_779 : memref<1x1x64xf32, #tpu.memory_space<vmem>> -> memref<64xf32, #tpu.memory_space<vmem>>
          %dma_start3A_781 = arith.constant 0 : i32
          %dma_start3A_782 = tpu.memref_slice %arg3[%squeeze3A_771, %dma_start3A_781] : memref<1000000x64xf32, #tpu.memory_space<hbm>> -> memref<1x64xf32, #tpu.memory_space<hbm>>
          %dma_start3A_783 = tpu.memref_squeeze %dma_start3A_782 : memref<1x64xf32, #tpu.memory_space<hbm>> -> memref<64xf32, #tpu.memory_space<hbm>>
          %dma_start3A_784 = tpu.memref_slice %arg7[%dma_start3A_777] : memref<2x!tpu.dma_semaphore, #tpu.memory_space<semaphore_mem>> -> memref<1x!tpu.dma_semaphore, #tpu.memory_space<semaphore_mem>>
          %dma_start3A_785 = tpu.memref_squeeze %dma_start3A_784 : memref<1x!tpu.dma_semaphore, #tpu.memory_space<semaphore_mem>> -> memref<!tpu.dma_semaphore, #tpu.memory_space<semaphore_mem>>
          %dma_start3A_786 = arith.constant 0 : i32
          %dma_start3A_787 = tpu.memref_slice %arg6[%dma_start3A_776, %add3A_775, %dma_start3A_786] : memref<2x200x64xf32, #tpu.memory_space<vmem>> -> memref<1x1x64xf32, #tpu.memory_space<vmem>>
          %dma_start3A_788 = tpu.memref_squeeze %dma_start3A_787 : memref<1x1x64xf32, #tpu.memory_space<vmem>> -> memref<64xf32, #tpu.memory_space<vmem>>
          %dma_start3A_789 = arith.constant 0 : i32
          %dma_start3A_790 = tpu.memref_slice %arg3[%squeeze3A_771, %dma_start3A_789] : memref<1000000x64xf32, #tpu.memory_space<hbm>> -> memref<1x64xf32, #tpu.memory_space<hbm>>
          %dma_start3A_791 = tpu.memref_squeeze %dma_start3A_790 : memref<1x64xf32, #tpu.memory_space<hbm>> -> memref<64xf32, #tpu.memory_space<hbm>>
          tpu.enqueue_dma source(%dma_start3A_791 : memref<64xf32, #tpu.memory_space<hbm>>) target(%dma_start3A_788 : memref<64xf32, #tpu.memory_space<vmem>>) target_semaphore(%dma_start3A_785 : memref<!tpu.dma_semaphore, #tpu.memory_space<semaphore_mem>>)
        }
        %scan3A_276 = arith.constant 12 : i32
        %get3A_277 = arith.index_cast %add3A_270 : i32 to index
        %get3A_278 = arith.constant 192 : index
        %get3A_279 = tpu.vector_load %arg5[%get3A_277, %get3A_278] {strides = array<i32>} : memref<128x256xi32, #tpu.memory_space<vmem>>, vector<1x16xi32>,
        %get3A_280 = vector.shape_cast %get3A_279 : vector<1x16xi32> to vector<16xi32>
        %slice3A_281 = vector.extract_strided_slice %get3A_280 {offsets = [0], sizes = [1], strides = [1]} : vector<16xi32> to vector<1xi32>
        %squeeze3A_282 = vector.extract %slice3A_281[0] : i32 from vector<1xi32>
        %dma_start3A_283 = arith.constant 0 : i32
        %dma_start3A_284 = arith.constant 192 : i32
        %dma_start3A_285 = arith.constant 0 : i32
        %dma_start3A_286 = arith.constant 0 : i32
        %dma_start3A_287 = tpu.memref_slice %arg6[%dma_start3A_283, %dma_start3A_284, %dma_start3A_286] : memref<2x200x64xf32, #tpu.memory_space<vmem>> -> memref<1x1x64xf32, #tpu.memory_space<vmem>>
        %dma_start3A_288 = tpu.memref_squeeze %dma_start3A_287 : memref<1x1x64xf32, #tpu.memory_space<vmem>> -> memref<64xf32, #tpu.memory_space<vmem>>
        %dma_start3A_289 = arith.constant 0 : i32
        %dma_start3A_290 = tpu.memref_slice %arg3[%squeeze3A_282, %dma_start3A_289] : memref<1000000x64xf32, #tpu.memory_space<hbm>> -> memref<1x64xf32, #tpu.memory_space<hbm>>
        %dma_start3A_291 = tpu.memref_squeeze %dma_start3A_290 : memref<1x64xf32, #tpu.memory_space<hbm>> -> memref<64xf32, #tpu.memory_space<hbm>>
        %dma_start3A_292 = tpu.memref_slice %arg7[%dma_start3A_285] : memref<2x!tpu.dma_semaphore, #tpu.memory_space<semaphore_mem>> -> memref<1x!tpu.dma_semaphore, #tpu.memory_space<semaphore_mem>>
        %dma_start3A_293 = tpu.memref_squeeze %dma_start3A_292 : memref<1x!tpu.dma_semaphore, #tpu.memory_space<semaphore_mem>> -> memref<!tpu.dma_semaphore, #tpu.memory_space<semaphore_mem>>
        %dma_start3A_294 = arith.constant 0 : i32
        %dma_start3A_295 = tpu.memref_slice %arg6[%dma_start3A_283, %dma_start3A_284, %dma_start3A_294] : memref<2x200x64xf32, #tpu.memory_space<vmem>> -> memref<1x1x64xf32, #tpu.memory_space<vmem>>
        %dma_start3A_296 = tpu.memref_squeeze %dma_start3A_295 : memref<1x1x64xf32, #tpu.memory_space<vmem>> -> memref<64xf32, #tpu.memory_space<vmem>>
        %dma_start3A_297 = arith.constant 0 : i32
        %dma_start3A_298 = tpu.memref_slice %arg3[%squeeze3A_282, %dma_start3A_297] : memref<1000000x64xf32, #tpu.memory_space<hbm>> -> memref<1x64xf32, #tpu.memory_space<hbm>>
        %dma_start3A_299 = tpu.memref_squeeze %dma_start3A_298 : memref<1x64xf32, #tpu.memory_space<hbm>> -> memref<64xf32, #tpu.memory_space<hbm>>
        tpu.enqueue_dma source(%dma_start3A_299 : memref<64xf32, #tpu.memory_space<hbm>>) target(%dma_start3A_296 : memref<64xf32, #tpu.memory_space<vmem>>) target_semaphore(%dma_start3A_293 : memref<!tpu.dma_semaphore, #tpu.memory_space<semaphore_mem>>)
        %slice3A_300 = vector.extract_strided_slice %get3A_280 {offsets = [1], sizes = [1], strides = [1]} : vector<16xi32> to vector<1xi32>
        %squeeze3A_301 = vector.extract %slice3A_300[0] : i32 from vector<1xi32>
        %dma_start3A_302 = arith.constant 0 : i32
        %dma_start3A_303 = arith.constant 193 : i32
        %dma_start3A_304 = arith.constant 0 : i32
        %dma_start3A_305 = arith.constant 0 : i32
        %dma_start3A_306 = tpu.memref_slice %arg6[%dma_start3A_302, %dma_start3A_303, %dma_start3A_305] : memref<2x200x64xf32, #tpu.memory_space<vmem>> -> memref<1x1x64xf32, #tpu.memory_space<vmem>>
        %dma_start3A_307 = tpu.memref_squeeze %dma_start3A_306 : memref<1x1x64xf32, #tpu.memory_space<vmem>> -> memref<64xf32, #tpu.memory_space<vmem>>
        %dma_start3A_308 = arith.constant 0 : i32
        %dma_start3A_309 = tpu.memref_slice %arg3[%squeeze3A_301, %dma_start3A_308] : memref<1000000x64xf32, #tpu.memory_space<hbm>> -> memref<1x64xf32, #tpu.memory_space<hbm>>
        %dma_start3A_310 = tpu.memref_squeeze %dma_start3A_309 : memref<1x64xf32, #tpu.memory_space<hbm>> -> memref<64xf32, #tpu.memory_space<hbm>>
        %dma_start3A_311 = tpu.memref_slice %arg7[%dma_start3A_304] : memref<2x!tpu.dma_semaphore, #tpu.memory_space<semaphore_mem>> -> memref<1x!tpu.dma_semaphore, #tpu.memory_space<semaphore_mem>>
        %dma_start3A_312 = tpu.memref_squeeze %dma_start3A_311 : memref<1x!tpu.dma_semaphore, #tpu.memory_space<semaphore_mem>> -> memref<!tpu.dma_semaphore, #tpu.memory_space<semaphore_mem>>
        %dma_start3A_313 = arith.constant 0 : i32
        %dma_start3A_314 = tpu.memref_slice %arg6[%dma_start3A_302, %dma_start3A_303, %dma_start3A_313] : memref<2x200x64xf32, #tpu.memory_space<vmem>> -> memref<1x1x64xf32, #tpu.memory_space<vmem>>
        %dma_start3A_315 = tpu.memref_squeeze %dma_start3A_314 : memref<1x1x64xf32, #tpu.memory_space<vmem>> -> memref<64xf32, #tpu.memory_space<vmem>>
        %dma_start3A_316 = arith.constant 0 : i32
        %dma_start3A_317 = tpu.memref_slice %arg3[%squeeze3A_301, %dma_start3A_316] : memref<1000000x64xf32, #tpu.memory_space<hbm>> -> memref<1x64xf32, #tpu.memory_space<hbm>>
        %dma_start3A_318 = tpu.memref_squeeze %dma_start3A_317 : memref<1x64xf32, #tpu.memory_space<hbm>> -> memref<64xf32, #tpu.memory_space<hbm>>
        tpu.enqueue_dma source(%dma_start3A_318 : memref<64xf32, #tpu.memory_space<hbm>>) target(%dma_start3A_315 : memref<64xf32, #tpu.memory_space<vmem>>) target_semaphore(%dma_start3A_312 : memref<!tpu.dma_semaphore, #tpu.memory_space<semaphore_mem>>)
        %slice3A_319 = vector.extract_strided_slice %get3A_280 {offsets = [2], sizes = [1], strides = [1]} : vector<16xi32> to vector<1xi32>
        %squeeze3A_320 = vector.extract %slice3A_319[0] : i32 from vector<1xi32>
        %dma_start3A_321 = arith.constant 0 : i32
        %dma_start3A_322 = arith.constant 194 : i32
        %dma_start3A_323 = arith.constant 0 : i32
        %dma_start3A_324 = arith.constant 0 : i32
        %dma_start3A_325 = tpu.memref_slice %arg6[%dma_start3A_321, %dma_start3A_322, %dma_start3A_324] : memref<2x200x64xf32, #tpu.memory_space<vmem>> -> memref<1x1x64xf32, #tpu.memory_space<vmem>>
        %dma_start3A_326 = tpu.memref_squeeze %dma_start3A_325 : memref<1x1x64xf32, #tpu.memory_space<vmem>> -> memref<64xf32, #tpu.memory_space<vmem>>
        %dma_start3A_327 = arith.constant 0 : i32
        %dma_start3A_328 = tpu.memref_slice %arg3[%squeeze3A_320, %dma_start3A_327] : memref<1000000x64xf32, #tpu.memory_space<hbm>> -> memref<1x64xf32, #tpu.memory_space<hbm>>
        %dma_start3A_329 = tpu.memref_squeeze %dma_start3A_328 : memref<1x64xf32, #tpu.memory_space<hbm>> -> memref<64xf32, #tpu.memory_space<hbm>>
        %dma_start3A_330 = tpu.memref_slice %arg7[%dma_start3A_323] : memref<2x!tpu.dma_semaphore, #tpu.memory_space<semaphore_mem>> -> memref<1x!tpu.dma_semaphore, #tpu.memory_space<semaphore_mem>>
        %dma_start3A_331 = tpu.memref_squeeze %dma_start3A_330 : memref<1x!tpu.dma_semaphore, #tpu.memory_space<semaphore_mem>> -> memref<!tpu.dma_semaphore, #tpu.memory_space<semaphore_mem>>
        %dma_start3A_332 = arith.constant 0 : i32
        %dma_start3A_333 = tpu.memref_slice %arg6[%dma_start3A_321, %dma_start3A_322, %dma_start3A_332] : memref<2x200x64xf32, #tpu.memory_space<vmem>> -> memref<1x1x64xf32, #tpu.memory_space<vmem>>
        %dma_start3A_334 = tpu.memref_squeeze %dma_start3A_333 : memref<1x1x64xf32, #tpu.memory_space<vmem>> -> memref<64xf32, #tpu.memory_space<vmem>>
        %dma_start3A_335 = arith.constant 0 : i32
        %dma_start3A_336 = tpu.memref_slice %arg3[%squeeze3A_320, %dma_start3A_335] : memref<1000000x64xf32, #tpu.memory_space<hbm>> -> memref<1x64xf32, #tpu.memory_space<hbm>>
        %dma_start3A_337 = tpu.memref_squeeze %dma_start3A_336 : memref<1x64xf32, #tpu.memory_space<hbm>> -> memref<64xf32, #tpu.memory_space<hbm>>
        tpu.enqueue_dma source(%dma_start3A_337 : memref<64xf32, #tpu.memory_space<hbm>>) target(%dma_start3A_334 : memref<64xf32, #tpu.memory_space<vmem>>) target_semaphore(%dma_start3A_331 : memref<!tpu.dma_semaphore, #tpu.memory_space<semaphore_mem>>)
        %slice3A_338 = vector.extract_strided_slice %get3A_280 {offsets = [3], sizes = [1], strides = [1]} : vector<16xi32> to vector<1xi32>
        %squeeze3A_339 = vector.extract %slice3A_338[0] : i32 from vector<1xi32>
        %dma_start3A_340 = arith.constant 0 : i32
        %dma_start3A_341 = arith.constant 195 : i32
        %dma_start3A_342 = arith.constant 0 : i32
        %dma_start3A_343 = arith.constant 0 : i32
        %dma_start3A_344 = tpu.memref_slice %arg6[%dma_start3A_340, %dma_start3A_341, %dma_start3A_343] : memref<2x200x64xf32, #tpu.memory_space<vmem>> -> memref<1x1x64xf32, #tpu.memory_space<vmem>>
        %dma_start3A_345 = tpu.memref_squeeze %dma_start3A_344 : memref<1x1x64xf32, #tpu.memory_space<vmem>> -> memref<64xf32, #tpu.memory_space<vmem>>
        %dma_start3A_346 = arith.constant 0 : i32
        %dma_start3A_347 = tpu.memref_slice %arg3[%squeeze3A_339, %dma_start3A_346] : memref<1000000x64xf32, #tpu.memory_space<hbm>> -> memref<1x64xf32, #tpu.memory_space<hbm>>
        %dma_start3A_348 = tpu.memref_squeeze %dma_start3A_347 : memref<1x64xf32, #tpu.memory_space<hbm>> -> memref<64xf32, #tpu.memory_space<hbm>>
        %dma_start3A_349 = tpu.memref_slice %arg7[%dma_start3A_342] : memref<2x!tpu.dma_semaphore, #tpu.memory_space<semaphore_mem>> -> memref<1x!tpu.dma_semaphore, #tpu.memory_space<semaphore_mem>>
        %dma_start3A_350 = tpu.memref_squeeze %dma_start3A_349 : memref<1x!tpu.dma_semaphore, #tpu.memory_space<semaphore_mem>> -> memref<!tpu.dma_semaphore, #tpu.memory_space<semaphore_mem>>
        %dma_start3A_351 = arith.constant 0 : i32
        %dma_start3A_352 = tpu.memref_slice %arg6[%dma_start3A_340, %dma_start3A_341, %dma_start3A_351] : memref<2x200x64xf32, #tpu.memory_space<vmem>> -> memref<1x1x64xf32, #tpu.memory_space<vmem>>
        %dma_start3A_353 = tpu.memref_squeeze %dma_start3A_352 : memref<1x1x64xf32, #tpu.memory_space<vmem>> -> memref<64xf32, #tpu.memory_space<vmem>>
        %dma_start3A_354 = arith.constant 0 : i32
        %dma_start3A_355 = tpu.memref_slice %arg3[%squeeze3A_339, %dma_start3A_354] : memref<1000000x64xf32, #tpu.memory_space<hbm>> -> memref<1x64xf32, #tpu.memory_space<hbm>>
        %dma_start3A_356 = tpu.memref_squeeze %dma_start3A_355 : memref<1x64xf32, #tpu.memory_space<hbm>> -> memref<64xf32, #tpu.memory_space<hbm>>
        tpu.enqueue_dma source(%dma_start3A_356 : memref<64xf32, #tpu.memory_space<hbm>>) target(%dma_start3A_353 : memref<64xf32, #tpu.memory_space<vmem>>) target_semaphore(%dma_start3A_350 : memref<!tpu.dma_semaphore, #tpu.memory_space<semaphore_mem>>)
        %slice3A_357 = vector.extract_strided_slice %get3A_280 {offsets = [4], sizes = [1], strides = [1]} : vector<16xi32> to vector<1xi32>
        %squeeze3A_358 = vector.extract %slice3A_357[0] : i32 from vector<1xi32>
        %dma_start3A_359 = arith.constant 0 : i32
        %dma_start3A_360 = arith.constant 196 : i32
        %dma_start3A_361 = arith.constant 0 : i32
        %dma_start3A_362 = arith.constant 0 : i32
        %dma_start3A_363 = tpu.memref_slice %arg6[%dma_start3A_359, %dma_start3A_360, %dma_start3A_362] : memref<2x200x64xf32, #tpu.memory_space<vmem>> -> memref<1x1x64xf32, #tpu.memory_space<vmem>>
        %dma_start3A_364 = tpu.memref_squeeze %dma_start3A_363 : memref<1x1x64xf32, #tpu.memory_space<vmem>> -> memref<64xf32, #tpu.memory_space<vmem>>
        %dma_start3A_365 = arith.constant 0 : i32
        %dma_start3A_366 = tpu.memref_slice %arg3[%squeeze3A_358, %dma_start3A_365] : memref<1000000x64xf32, #tpu.memory_space<hbm>> -> memref<1x64xf32, #tpu.memory_space<hbm>>
        %dma_start3A_367 = tpu.memref_squeeze %dma_start3A_366 : memref<1x64xf32, #tpu.memory_space<hbm>> -> memref<64xf32, #tpu.memory_space<hbm>>
        %dma_start3A_368 = tpu.memref_slice %arg7[%dma_start3A_361] : memref<2x!tpu.dma_semaphore, #tpu.memory_space<semaphore_mem>> -> memref<1x!tpu.dma_semaphore, #tpu.memory_space<semaphore_mem>>
        %dma_start3A_369 = tpu.memref_squeeze %dma_start3A_368 : memref<1x!tpu.dma_semaphore, #tpu.memory_space<semaphore_mem>> -> memref<!tpu.dma_semaphore, #tpu.memory_space<semaphore_mem>>
        %dma_start3A_370 = arith.constant 0 : i32
        %dma_start3A_371 = tpu.memref_slice %arg6[%dma_start3A_359, %dma_start3A_360, %dma_start3A_370] : memref<2x200x64xf32, #tpu.memory_space<vmem>> -> memref<1x1x64xf32, #tpu.memory_space<vmem>>
        %dma_start3A_372 = tpu.memref_squeeze %dma_start3A_371 : memref<1x1x64xf32, #tpu.memory_space<vmem>> -> memref<64xf32, #tpu.memory_space<vmem>>
        %dma_start3A_373 = arith.constant 0 : i32
        %dma_start3A_374 = tpu.memref_slice %arg3[%squeeze3A_358, %dma_start3A_373] : memref<1000000x64xf32, #tpu.memory_space<hbm>> -> memref<1x64xf32, #tpu.memory_space<hbm>>
        %dma_start3A_375 = tpu.memref_squeeze %dma_start3A_374 : memref<1x64xf32, #tpu.memory_space<hbm>> -> memref<64xf32, #tpu.memory_space<hbm>>
        tpu.enqueue_dma source(%dma_start3A_375 : memref<64xf32, #tpu.memory_space<hbm>>) target(%dma_start3A_372 : memref<64xf32, #tpu.memory_space<vmem>>) target_semaphore(%dma_start3A_369 : memref<!tpu.dma_semaphore, #tpu.memory_space<semaphore_mem>>)
        %slice3A_376 = vector.extract_strided_slice %get3A_280 {offsets = [5], sizes = [1], strides = [1]} : vector<16xi32> to vector<1xi32>
        %squeeze3A_377 = vector.extract %slice3A_376[0] : i32 from vector<1xi32>
        %dma_start3A_378 = arith.constant 0 : i32
        %dma_start3A_379 = arith.constant 197 : i32
        %dma_start3A_380 = arith.constant 0 : i32
        %dma_start3A_381 = arith.constant 0 : i32
        %dma_start3A_382 = tpu.memref_slice %arg6[%dma_start3A_378, %dma_start3A_379, %dma_start3A_381] : memref<2x200x64xf32, #tpu.memory_space<vmem>> -> memref<1x1x64xf32, #tpu.memory_space<vmem>>
        %dma_start3A_383 = tpu.memref_squeeze %dma_start3A_382 : memref<1x1x64xf32, #tpu.memory_space<vmem>> -> memref<64xf32, #tpu.memory_space<vmem>>
        %dma_start3A_384 = arith.constant 0 : i32
        %dma_start3A_385 = tpu.memref_slice %arg3[%squeeze3A_377, %dma_start3A_384] : memref<1000000x64xf32, #tpu.memory_space<hbm>> -> memref<1x64xf32, #tpu.memory_space<hbm>>
        %dma_start3A_386 = tpu.memref_squeeze %dma_start3A_385 : memref<1x64xf32, #tpu.memory_space<hbm>> -> memref<64xf32, #tpu.memory_space<hbm>>
        %dma_start3A_387 = tpu.memref_slice %arg7[%dma_start3A_380] : memref<2x!tpu.dma_semaphore, #tpu.memory_space<semaphore_mem>> -> memref<1x!tpu.dma_semaphore, #tpu.memory_space<semaphore_mem>>
        %dma_start3A_388 = tpu.memref_squeeze %dma_start3A_387 : memref<1x!tpu.dma_semaphore, #tpu.memory_space<semaphore_mem>> -> memref<!tpu.dma_semaphore, #tpu.memory_space<semaphore_mem>>
        %dma_start3A_389 = arith.constant 0 : i32
        %dma_start3A_390 = tpu.memref_slice %arg6[%dma_start3A_378, %dma_start3A_379, %dma_start3A_389] : memref<2x200x64xf32, #tpu.memory_space<vmem>> -> memref<1x1x64xf32, #tpu.memory_space<vmem>>
        %dma_start3A_391 = tpu.memref_squeeze %dma_start3A_390 : memref<1x1x64xf32, #tpu.memory_space<vmem>> -> memref<64xf32, #tpu.memory_space<vmem>>
        %dma_start3A_392 = arith.constant 0 : i32
        %dma_start3A_393 = tpu.memref_slice %arg3[%squeeze3A_377, %dma_start3A_392] : memref<1000000x64xf32, #tpu.memory_space<hbm>> -> memref<1x64xf32, #tpu.memory_space<hbm>>
        %dma_start3A_394 = tpu.memref_squeeze %dma_start3A_393 : memref<1x64xf32, #tpu.memory_space<hbm>> -> memref<64xf32, #tpu.memory_space<hbm>>
        tpu.enqueue_dma source(%dma_start3A_394 : memref<64xf32, #tpu.memory_space<hbm>>) target(%dma_start3A_391 : memref<64xf32, #tpu.memory_space<vmem>>) target_semaphore(%dma_start3A_388 : memref<!tpu.dma_semaphore, #tpu.memory_space<semaphore_mem>>)
        %slice3A_395 = vector.extract_strided_slice %get3A_280 {offsets = [6], sizes = [1], strides = [1]} : vector<16xi32> to vector<1xi32>
        %squeeze3A_396 = vector.extract %slice3A_395[0] : i32 from vector<1xi32>
        %dma_start3A_397 = arith.constant 0 : i32
        %dma_start3A_398 = arith.constant 198 : i32
        %dma_start3A_399 = arith.constant 0 : i32
        %dma_start3A_400 = arith.constant 0 : i32
        %dma_start3A_401 = tpu.memref_slice %arg6[%dma_start3A_397, %dma_start3A_398, %dma_start3A_400] : memref<2x200x64xf32, #tpu.memory_space<vmem>> -> memref<1x1x64xf32, #tpu.memory_space<vmem>>
        %dma_start3A_402 = tpu.memref_squeeze %dma_start3A_401 : memref<1x1x64xf32, #tpu.memory_space<vmem>> -> memref<64xf32, #tpu.memory_space<vmem>>
        %dma_start3A_403 = arith.constant 0 : i32
        %dma_start3A_404 = tpu.memref_slice %arg3[%squeeze3A_396, %dma_start3A_403] : memref<1000000x64xf32, #tpu.memory_space<hbm>> -> memref<1x64xf32, #tpu.memory_space<hbm>>
        %dma_start3A_405 = tpu.memref_squeeze %dma_start3A_404 : memref<1x64xf32, #tpu.memory_space<hbm>> -> memref<64xf32, #tpu.memory_space<hbm>>
        %dma_start3A_406 = tpu.memref_slice %arg7[%dma_start3A_399] : memref<2x!tpu.dma_semaphore, #tpu.memory_space<semaphore_mem>> -> memref<1x!tpu.dma_semaphore, #tpu.memory_space<semaphore_mem>>
        %dma_start3A_407 = tpu.memref_squeeze %dma_start3A_406 : memref<1x!tpu.dma_semaphore, #tpu.memory_space<semaphore_mem>> -> memref<!tpu.dma_semaphore, #tpu.memory_space<semaphore_mem>>
        %dma_start3A_408 = arith.constant 0 : i32
        %dma_start3A_409 = tpu.memref_slice %arg6[%dma_start3A_397, %dma_start3A_398, %dma_start3A_408] : memref<2x200x64xf32, #tpu.memory_space<vmem>> -> memref<1x1x64xf32, #tpu.memory_space<vmem>>
        %dma_start3A_410 = tpu.memref_squeeze %dma_start3A_409 : memref<1x1x64xf32, #tpu.memory_space<vmem>> -> memref<64xf32, #tpu.memory_space<vmem>>
        %dma_start3A_411 = arith.constant 0 : i32
        %dma_start3A_412 = tpu.memref_slice %arg3[%squeeze3A_396, %dma_start3A_411] : memref<1000000x64xf32, #tpu.memory_space<hbm>> -> memref<1x64xf32, #tpu.memory_space<hbm>>
        %dma_start3A_413 = tpu.memref_squeeze %dma_start3A_412 : memref<1x64xf32, #tpu.memory_space<hbm>> -> memref<64xf32, #tpu.memory_space<hbm>>
        tpu.enqueue_dma source(%dma_start3A_413 : memref<64xf32, #tpu.memory_space<hbm>>) target(%dma_start3A_410 : memref<64xf32, #tpu.memory_space<vmem>>) target_semaphore(%dma_start3A_407 : memref<!tpu.dma_semaphore, #tpu.memory_space<semaphore_mem>>)
        %slice3A_414 = vector.extract_strided_slice %get3A_280 {offsets = [7], sizes = [1], strides = [1]} : vector<16xi32> to vector<1xi32>
        %squeeze3A_415 = vector.extract %slice3A_414[0] : i32 from vector<1xi32>
        %dma_start3A_416 = arith.constant 0 : i32
        %dma_start3A_417 = arith.constant 199 : i32
        %dma_start3A_418 = arith.constant 0 : i32
        %dma_start3A_419 = arith.constant 0 : i32
        %dma_start3A_420 = tpu.memref_slice %arg6[%dma_start3A_416, %dma_start3A_417, %dma_start3A_419] : memref<2x200x64xf32, #tpu.memory_space<vmem>> -> memref<1x1x64xf32, #tpu.memory_space<vmem>>
        %dma_start3A_421 = tpu.memref_squeeze %dma_start3A_420 : memref<1x1x64xf32, #tpu.memory_space<vmem>> -> memref<64xf32, #tpu.memory_space<vmem>>
        %dma_start3A_422 = arith.constant 0 : i32
        %dma_start3A_423 = tpu.memref_slice %arg3[%squeeze3A_415, %dma_start3A_422] : memref<1000000x64xf32, #tpu.memory_space<hbm>> -> memref<1x64xf32, #tpu.memory_space<hbm>>
        %dma_start3A_424 = tpu.memref_squeeze %dma_start3A_423 : memref<1x64xf32, #tpu.memory_space<hbm>> -> memref<64xf32, #tpu.memory_space<hbm>>
        %dma_start3A_425 = tpu.memref_slice %arg7[%dma_start3A_418] : memref<2x!tpu.dma_semaphore, #tpu.memory_space<semaphore_mem>> -> memref<1x!tpu.dma_semaphore, #tpu.memory_space<semaphore_mem>>
        %dma_start3A_426 = tpu.memref_squeeze %dma_start3A_425 : memref<1x!tpu.dma_semaphore, #tpu.memory_space<semaphore_mem>> -> memref<!tpu.dma_semaphore, #tpu.memory_space<semaphore_mem>>
        %dma_start3A_427 = arith.constant 0 : i32
        %dma_start3A_428 = tpu.memref_slice %arg6[%dma_start3A_416, %dma_start3A_417, %dma_start3A_427] : memref<2x200x64xf32, #tpu.memory_space<vmem>> -> memref<1x1x64xf32, #tpu.memory_space<vmem>>
        %dma_start3A_429 = tpu.memref_squeeze %dma_start3A_428 : memref<1x1x64xf32, #tpu.memory_space<vmem>> -> memref<64xf32, #tpu.memory_space<vmem>>
        %dma_start3A_430 = arith.constant 0 : i32
        %dma_start3A_431 = tpu.memref_slice %arg3[%squeeze3A_415, %dma_start3A_430] : memref<1000000x64xf32, #tpu.memory_space<hbm>> -> memref<1x64xf32, #tpu.memory_space<hbm>>
        %dma_start3A_432 = tpu.memref_squeeze %dma_start3A_431 : memref<1x64xf32, #tpu.memory_space<hbm>> -> memref<64xf32, #tpu.memory_space<hbm>>
        tpu.enqueue_dma source(%dma_start3A_432 : memref<64xf32, #tpu.memory_space<hbm>>) target(%dma_start3A_429 : memref<64xf32, #tpu.memory_space<vmem>>) target_semaphore(%dma_start3A_426 : memref<!tpu.dma_semaphore, #tpu.memory_space<semaphore_mem>>)
      } else {
      }
      %scan3A_242 = arith.constant 0 : i32
      %scan3A_243 = arith.constant 0 : i32
      %scan3A_244 = arith.constant 200 : i32
      %scan3A_245 = arith.addi %scan3A_243, %scan3A_244 : i32
      %scan3A_246 = arith.constant 1 : i32
      scf.for %scan3A_269 = %scan3A_243 to %scan3A_245 step %scan3A_246  : i32 {
        %dma_wait3A_270 = arith.constant 0 : i32
        %dma_wait3A_271 = arith.constant 1 : i32
        %dma_wait3A_272 = arith.constant 0 : i32
        %dma_wait3A_273 = arith.constant 1 : i32
        %dma_wait3A_274 = arith.constant 0 : i32
        %dma_wait3A_275 = tpu.memref_slice %arg6[%dma_wait3A_271, %dma_wait3A_272, %dma_wait3A_274] : memref<2x200x64xf32, #tpu.memory_space<vmem>> -> memref<1x1x64xf32, #tpu.memory_space<vmem>>
        %dma_wait3A_276 = tpu.memref_squeeze %dma_wait3A_275 : memref<1x1x64xf32, #tpu.memory_space<vmem>> -> memref<64xf32, #tpu.memory_space<vmem>>
        %dma_wait3A_277 = arith.constant 0 : i32
        %dma_wait3A_278 = tpu.memref_slice %arg3[%dma_wait3A_270, %dma_wait3A_277] : memref<1000000x64xf32, #tpu.memory_space<hbm>> -> memref<1x64xf32, #tpu.memory_space<hbm>>
        %dma_wait3A_279 = tpu.memref_squeeze %dma_wait3A_278 : memref<1x64xf32, #tpu.memory_space<hbm>> -> memref<64xf32, #tpu.memory_space<hbm>>
        %dma_wait3A_280 = tpu.memref_slice %arg7[%dma_wait3A_273] : memref<2x!tpu.dma_semaphore, #tpu.memory_space<semaphore_mem>> -> memref<1x!tpu.dma_semaphore, #tpu.memory_space<semaphore_mem>>
        %dma_wait3A_281 = tpu.memref_squeeze %dma_wait3A_280 : memref<1x!tpu.dma_semaphore, #tpu.memory_space<semaphore_mem>> -> memref<!tpu.dma_semaphore, #tpu.memory_space<semaphore_mem>>
        %dma_wait3A_282 = arith.constant 0 : i32
        %dma_wait3A_283 = tpu.memref_slice %arg6[%dma_wait3A_271, %dma_wait3A_272, %dma_wait3A_282] : memref<2x200x64xf32, #tpu.memory_space<vmem>> -> memref<1x1x64xf32, #tpu.memory_space<vmem>>
        %dma_wait3A_284 = tpu.memref_squeeze %dma_wait3A_283 : memref<1x1x64xf32, #tpu.memory_space<vmem>> -> memref<64xf32, #tpu.memory_space<vmem>>
        %dma_wait3A_285 = arith.constant 0 : i32
        %dma_wait3A_286 = tpu.memref_slice %arg3[%dma_wait3A_270, %dma_wait3A_285] : memref<1000000x64xf32, #tpu.memory_space<hbm>> -> memref<1x64xf32, #tpu.memory_space<hbm>>
        %dma_wait3A_287 = tpu.memref_squeeze %dma_wait3A_286 : memref<1x64xf32, #tpu.memory_space<hbm>> -> memref<64xf32, #tpu.memory_space<hbm>>
        tpu.wait_dma2 semaphore(%dma_wait3A_281 : memref<!tpu.dma_semaphore, #tpu.memory_space<semaphore_mem>>) src(%dma_wait3A_287 : memref<64xf32, #tpu.memory_space<hbm>>) dst(%dma_wait3A_284 : memref<64xf32, #tpu.memory_space<vmem>>)
      }
      %scan3A_247 = arith.constant 200 : i32
      %add3A_248 = arith.addi %mul3A_2, %add3A_229 : i32
      %dma_start3A_249 = arith.constant 1 : i32
      %dma_start3A_250 = arith.constant 1 : i32
      %dma_start3A_251 = arith.constant 0 : i32
      %dma_start3A_252 = arith.constant 0 : i32
      %dma_start3A_253 = tpu.memref_slice %arg6[%dma_start3A_249, %dma_start3A_251, %dma_start3A_252] : memref<2x200x64xf32, #tpu.memory_space<vmem>> -> memref<1x200x64xf32, #tpu.memory_space<vmem>>
      %dma_start3A_254 = tpu.memref_squeeze %dma_start3A_253 : memref<1x200x64xf32, #tpu.memory_space<vmem>> -> memref<200x64xf32, #tpu.memory_space<vmem>>
      %dma_start3A_255 = arith.constant 0 : i32
      %dma_start3A_256 = arith.constant 0 : i32
      %dma_start3A_257 = tpu.memref_slice %arg4[%add3A_248, %dma_start3A_255, %dma_start3A_256] : memref<4096x200x64xf32, #tpu.memory_space<hbm>> -> memref<1x200x64xf32, #tpu.memory_space<hbm>>
      %dma_start3A_258 = tpu.memref_squeeze %dma_start3A_257 : memref<1x200x64xf32, #tpu.memory_space<hbm>> -> memref<200x64xf32, #tpu.memory_space<hbm>>
      %dma_start3A_259 = tpu.memref_slice %arg8[%dma_start3A_250] : memref<2x!tpu.dma_semaphore, #tpu.memory_space<semaphore_mem>> -> memref<1x!tpu.dma_semaphore, #tpu.memory_space<semaphore_mem>>
      %dma_start3A_260 = tpu.memref_squeeze %dma_start3A_259 : memref<1x!tpu.dma_semaphore, #tpu.memory_space<semaphore_mem>> -> memref<!tpu.dma_semaphore, #tpu.memory_space<semaphore_mem>>
      %dma_start3A_261 = arith.constant 0 : i32
      %dma_start3A_262 = arith.constant 0 : i32
      %dma_start3A_263 = tpu.memref_slice %arg4[%add3A_248, %dma_start3A_261, %dma_start3A_262] : memref<4096x200x64xf32, #tpu.memory_space<hbm>> -> memref<1x200x64xf32, #tpu.memory_space<hbm>>
      %dma_start3A_264 = tpu.memref_squeeze %dma_start3A_263 : memref<1x200x64xf32, #tpu.memory_space<hbm>> -> memref<200x64xf32, #tpu.memory_space<hbm>>
      %dma_start3A_265 = arith.constant 0 : i32
      %dma_start3A_266 = arith.constant 0 : i32
      %dma_start3A_267 = tpu.memref_slice %arg6[%dma_start3A_249, %dma_start3A_265, %dma_start3A_266] : memref<2x200x64xf32, #tpu.memory_space<vmem>> -> memref<1x200x64xf32, #tpu.memory_space<vmem>>
      %dma_start3A_268 = tpu.memref_squeeze %dma_start3A_267 : memref<1x200x64xf32, #tpu.memory_space<vmem>> -> memref<200x64xf32, #tpu.memory_space<vmem>>
      tpu.enqueue_dma source(%dma_start3A_268 : memref<200x64xf32, #tpu.memory_space<vmem>>) target(%dma_start3A_264 : memref<200x64xf32, #tpu.memory_space<hbm>>) target_semaphore(%dma_start3A_260 : memref<!tpu.dma_semaphore, #tpu.memory_space<semaphore_mem>>)
    }
    %scan3A_166 = arith.constant 64 : i32
    %dma_wait3A = arith.constant 1 : i32
    %dma_wait3A_167 = arith.constant 1 : i32
    %dma_wait3A_168 = arith.constant 0 : i32
    %dma_wait3A_169 = arith.constant 0 : i32
    %dma_wait3A_170 = tpu.memref_slice %arg6[%dma_wait3A, %dma_wait3A_168, %dma_wait3A_169] : memref<2x200x64xf32, #tpu.memory_space<vmem>> -> memref<1x200x64xf32, #tpu.memory_space<vmem>>
    %dma_wait3A_171 = tpu.memref_squeeze %dma_wait3A_170 : memref<1x200x64xf32, #tpu.memory_space<vmem>> -> memref<200x64xf32, #tpu.memory_space<vmem>>
    %dma_wait3A_172 = arith.constant 0 : i32
    %dma_wait3A_173 = arith.constant 0 : i32
    %dma_wait3A_174 = tpu.memref_slice %arg4[%mul3A_2, %dma_wait3A_172, %dma_wait3A_173] : memref<4096x200x64xf32, #tpu.memory_space<hbm>> -> memref<1x200x64xf32, #tpu.memory_space<hbm>>
    %dma_wait3A_175 = tpu.memref_squeeze %dma_wait3A_174 : memref<1x200x64xf32, #tpu.memory_space<hbm>> -> memref<200x64xf32, #tpu.memory_space<hbm>>
    %dma_wait3A_176 = tpu.memref_slice %arg8[%dma_wait3A_167] : memref<2x!tpu.dma_semaphore, #tpu.memory_space<semaphore_mem>> -> memref<1x!tpu.dma_semaphore, #tpu.memory_space<semaphore_mem>>
    %dma_wait3A_177 = tpu.memref_squeeze %dma_wait3A_176 : memref<1x!tpu.dma_semaphore, #tpu.memory_space<semaphore_mem>> -> memref<!tpu.dma_semaphore, #tpu.memory_space<semaphore_mem>>
    %dma_wait3A_178 = arith.constant 0 : i32
    %dma_wait3A_179 = arith.constant 0 : i32
    %dma_wait3A_180 = tpu.memref_slice %arg4[%mul3A_2, %dma_wait3A_178, %dma_wait3A_179] : memref<4096x200x64xf32, #tpu.memory_space<hbm>> -> memref<1x200x64xf32, #tpu.memory_space<hbm>>
    %dma_wait3A_181 = tpu.memref_squeeze %dma_wait3A_180 : memref<1x200x64xf32, #tpu.memory_space<hbm>> -> memref<200x64xf32, #tpu.memory_space<hbm>>
    %dma_wait3A_182 = arith.constant 0 : i32
    %dma_wait3A_183 = arith.constant 0 : i32
    %dma_wait3A_184 = tpu.memref_slice %arg6[%dma_wait3A, %dma_wait3A_182, %dma_wait3A_183] : memref<2x200x64xf32, #tpu.memory_space<vmem>> -> memref<1x200x64xf32, #tpu.memory_space<vmem>>
    %dma_wait3A_185 = tpu.memref_squeeze %dma_wait3A_184 : memref<1x200x64xf32, #tpu.memory_space<vmem>> -> memref<200x64xf32, #tpu.memory_space<vmem>>
    tpu.wait_dma2 semaphore(%dma_wait3A_177 : memref<!tpu.dma_semaphore, #tpu.memory_space<semaphore_mem>>) src(%dma_wait3A_185 : memref<200x64xf32, #tpu.memory_space<vmem>>) dst(%dma_wait3A_181 : memref<200x64xf32, #tpu.memory_space<hbm>>)
    return
  }
}

</mosaic_0001>

<sc_bundles>
// kernel: kernel.3.cloned.1.call-start
scs
__scs_entry_jumppad:
0x0: {  	(pc) =	sbr.rel $0x88, $3  }
0x1: {  	(tag) =	ssettag $0x0;
	lr =	simm.s32 $0x1  }
0x2: {  	[smem:$0x3F9F] =	sst lr;
	_ =	strace $0xD0000000  }
0x3: {  	_ = 	snop  }
0x4: {  	_ = 	snop  }
0x5: {  	_ = 	snop  }
0x6: {  	_ = 	snop  }
0x7: {  	_ = 	snop  }
__scs_overlays_trampoline_lowered:
0x8: {  	[smem:$0x3FAE] =	sst s0  }
0x9: {  	[smem:$0x3FAF] =	sst s1  }
0xa: {  	[smem:$0x3FB0] =	sst s2  }
0xb: {  	[smem:$0x3FB1] =	sst s3  }
0xc: {  	[smem:$0x3FB2] =	sst s4  }
0xd: {  	[smem:$0x3FB3] =	sst s5  }
0xe: {  	[smem:$0x3FB4] =	sst s6  }
0xf: {  	[smem:$0x3FB5] =	sst s7  }
0x10: {  	[smem:$0x3FB6] =	sst s8  }
0x11: {  	[smem:$0x3FB7] =	sst s9;
	s0 =	simm.s32 @!p0 $0x0  }
0x12: {  	s1 =	sld [smem:$0x3F9D];
	s0 =	simm.s32 @p0 $0x1  }
0x13: {  	[smem:$0x3FB8] =	sst s0;
	s0 =	simm.s32 @!p1 $0x0  }
0x14: {  	s2 =	sld [smem:$0x3F9C];
	s0 =	simm.s32 @p1 $0x1  }
0x15: {  	[smem:$0x3FB9] =	sst s0;
	s0 =	simm.s32 @!p2 $0x0  }
0x16: {  	s3 =	sld [smem:$0x3FDB];
	s0 =	simm.s32 @p2 $0x1  }
0x17: {  	s4 =	simm.s32 $0x1BF5;
	[smem:$0x3FBB] =	sst s0  }
0x18: {  	s0 =	sld [smem:$0x3F9E];
	_ =	swait.ge [sflag:s4], $0x0  }
0x19: {  	s7 =	sld [smem:$0x3F9F]  }
0x1a: {  	s8 =	sadd.s32 $0xFFFFE003, lr  }
0x1b: {  	s9 =	sadd.s32 $0xFFFFFEF7, lr;
	s5 =	simm.s32 $0xFFFFFFFF;
	p2 =	slt.u32 s8, $0xFFFFF086  }
0x1c: {  	p1 =	slt.u32 s9, $0xF7A;
	s5 =	simm.s32 @!p2 $0x0  }
0x1d: {  	s5 =	simm.s32 @p1 $0x1;
	p0 =	seq.s32 s7, s2  }
0x1e: {  	s7 =	smul.u32 @!p0 $0xF7A, s2;
	p2 =	seq.s32 @!p0 s5, $0x0  }
0x1f: {  	s9 =	smul.u32 $0xF7A, s1;
	s8 =	simm.s32 @!p0 $0x1BF5;
	p2 =	por !p2, p0  }
0x20: {  	[sflag:s8] =	ssyncset.s32 @!p0 $0xFFFFF086;
	s6 =	sadd.s32 @!p0 s3, s7;
	s7 =	simm.s32 @!p0 $0x108  }
0x21: {  	s3 =	sadd.s32 s3, s9;
	s6 =	sadd.s32 @!p0 $0x88, s6;
	s7 =	simm.s32 @p2 $0x1082  }
0x22: {  	[simem:s7], [sflag:s8] =	dma.local @!p0 [hbm:s6], $0xF7A  }
0x23: {  	s9 =	sor.u32 $0xD0000000, s2;
	s6 =	simm.s32 $0x108;
	_ =	swait.ge @!p0 [sflag:s8], $0x0  }
0x24: {  	s3 =	sadd.s32 $0x88, s3;
	s6 =	simm.s32 @!p1 $0x1082;
	[sflag:s4] =	ssyncset.s32 $0xFFFFF086  }
0x25: {  	[simem:s6], [sflag:s4] =	dma.local [hbm:s3], $0xF7A  }
0x26: {  	[smem:$0x3F9F] =	sst s1;
	(tag) =	ssettag s2;
	_ =	strace s9  }
0x27: {  	s1 =	sld [smem:$0x3FAF]  }
0x28: {  	s2 =	sld [smem:$0x3FB0]  }
0x29: {  	s4 =	sld [smem:$0x3FB2]  }
0x2a: {  	p0 =	seq.s32 s5, $0x0;
	s5 =	sld [smem:$0x3FB3]  }
0x2b: {  	s6 =	sld [smem:$0x3FB4]  }
0x2c: {  	s7 =	sld [smem:$0x3FB5]  }
0x2d: {  	s3 =	simm.s32 $0x108;
	s8 =	sld [smem:$0x3FB6]  }
0x2e: {  	s3 =	simm.s32 @!p0 $0x1082;
	s9 =	sld [smem:$0x3FB7]  }
0x2f: {  	lr =	sadd.s32 s0, s3;
	s0 =	sld [smem:$0x3FAE]  }
0x30: {  	s3 =	sld [smem:$0x3FB1]  }
0x31: {  	[smem:$0x3FBA] =	sst s10  }
0x32: {  	s10 =	sld [smem:$0x3FB8];
	_ =	sdelay $0x3  }
0x33: {  	p0 =	seq.s32 s10, $0x1;
	s10 =	sld [smem:$0x3FBA];
	_ =	sdelay $0x3  }
0x34: {  	[smem:$0x3FBA] =	sst s10  }
0x35: {  	s10 =	sld [smem:$0x3FB9];
	_ =	sdelay $0x3  }
0x36: {  	p1 =	seq.s32 s10, $0x1;
	s10 =	sld [smem:$0x3FBA];
	_ =	sdelay $0x3  }
0x37: {  	[smem:$0x3FBA] =	sst s10  }
0x38: {  	s10 =	sld [smem:$0x3FBB]  }
0x39: {  	_ = 	snop;
	(pc) =	sbr.ind lr, $3  }
0x3a: {  	_ = 	snop  }
0x3b: {  	_ = 	snop  }
0x3c: {  	p2 =	seq.s32 s10, $0x1;
	s10 =	sld [smem:$0x3FBA]  }
0x3d: {  	_ =	shalt  }
0x3e: {  	_ =	shalt  }
0x3f: {  	_ =	shalt  }
0x40: {  	_ =	shalt  }
0x41: {  	_ =	shalt  }
0x42: {  	_ =	shalt  }
0x43: {  	_ =	shalt  }
0x44: {  	_ =	shalt  }
0x45: {  	_ =	shalt  }
0x46: {  	_ =	shalt  }
0x47: {  	_ =	shalt  }
0x48: {  	_ =	shalt  }
0x49: {  	_ =	shalt  }
0x4a: {  	_ =	shalt  }
0x4b: {  	_ =	shalt  }
0x4c: {  	_ =	shalt  }
0x4d: {  	_ =	shalt  }
0x4e: {  	_ =	shalt  }
0x4f: {  	_ =	shalt  }
0x50: {  	_ =	shalt  }
0x51: {  	_ =	shalt  }
0x52: {  	_ =	shalt  }
0x53: {  	_ =	shalt  }
0x54: {  	_ =	shalt  }
0x55: {  	_ =	shalt  }
0x56: {  	_ =	shalt  }
0x57: {  	_ =	shalt  }
0x58: {  	_ =	shalt  }
0x59: {  	_ =	shalt  }
0x5a: {  	_ =	shalt  }
0x5b: {  	_ =	shalt  }
0x5c: {  	_ =	shalt  }
0x5d: {  	_ =	shalt  }
0x5e: {  	_ =	shalt  }
0x5f: {  	_ =	shalt  }
0x60: {  	_ =	shalt  }
0x61: {  	_ =	shalt  }
0x62: {  	_ =	shalt  }
0x63: {  	_ =	shalt  }
0x64: {  	_ =	shalt  }
0x65: {  	_ =	shalt  }
0x66: {  	_ =	shalt  }
0x67: {  	_ =	shalt  }
0x68: {  	_ =	shalt  }
0x69: {  	_ =	shalt  }
0x6a: {  	_ =	shalt  }
0x6b: {  	_ =	shalt  }
0x6c: {  	_ =	shalt  }
0x6d: {  	_ =	shalt  }
0x6e: {  	_ =	shalt  }
0x6f: {  	_ =	shalt  }
0x70: {  	_ =	shalt  }
0x71: {  	_ =	shalt  }
0x72: {  	_ =	shalt  }
0x73: {  	_ =	shalt  }
0x74: {  	_ =	shalt  }
0x75: {  	_ =	shalt  }
0x76: {  	_ =	shalt  }
0x77: {  	_ =	shalt  }
0x78: {  	_ =	shalt  }
0x79: {  	_ =	shalt  }
0x7a: {  	_ =	shalt  }
0x7b: {  	_ =	shalt  }
0x7c: {  	_ =	shalt  }
0x7d: {  	_ =	shalt  }
0x7e: {  	_ =	shalt  }
0x7f: {  	_ =	shalt  }
0x80: {  	_ =	shalt  }
0x81: {  	_ =	shalt  }
0x82: {  	_ =	shalt  }
0x83: {  	_ =	shalt  }
0x84: {  	_ =	shalt  }
0x85: {  	_ =	shalt  }
0x86: {  	_ =	shalt  }
0x87: {  	_ =	shalt  }
.Lfunc_end0:
.L_simem_size_0:
called_computation_lowered:
.L_overlay_start_0:
0x88: {  	s2 =	sld [smem:$0x3FD9]  }
0x89: {  	s3 =	sld [smem:$0x3FFE];
	_ =	sdelay $0x1  }
0x8a: {  	s1 =	srdreg.scid  }
0x8b: {  	s0 =	sand.u32 $0x1, s1  }
0x8c: {  	s17 =	sshll.u32 s0, $0xA;
	s2 =	sadd.s32 s3, s2  }
0x8d: {  	s2 =	sadd.s32 s2, s17  }
0x8e: {  	[smem:$0x3FC6] =	sst s2  }
0x8f: {  	_ = 	snop  }
0x90: {  	s2 =	sld [smem:$0x3FD0];
	(tm) =	ssettm $0x1  }
0x91: {  	s18 =	sld [smem:$0x3FFB];
	_ =	sdelay $0x3  }
0x92: {  	_ =	strace s18  }
0x93: {  	s3 =	sld [smem:$0x3FFC];
	_ =	sdelay $0x3  }
0x94: {  	_ =	strace s3  }
0x95: {  	s3 =	sld [smem:$0x3FFD];
	_ =	sdelay $0x3  }
0x96: {  	_ =	strace s3  }
0x97: {  	_ =	strace $0x8FFFFFFF  }
0x98: {  	s19 =	sld [smem:$0x3FDB];
	_ =	sdelay $0x1  }
0x99: {  	s4 =	simm.s32 $_scs_section_size  }
0x9a: {  	s5 =	simm.s32 $_size__tile_overlayer_lowered;
	s6 =	simm.s32 $_tile_overlayer_lowered  }
0x9b: {  	s22 =	simm.s32 $0x1BFF;
	s21 =	sshll.u32 s6, $0x1;
	s3 =	sadd.s32 s4, s19  }
0x9c: {  	s7 =	simm.s32 $0x0;
	s20 =	sshll.u32 s5, $0x1;
	s5 =	sadd.s32 s21, s3  }
0x9d: {  	[timem:s7], [sflag:s22] =	dma.local [hbm:s5], s20  }
0x9e: {  	_ =	swait.ge [sflag:s22], s20  }
0x9f: {  	s4 =	ssub.s32 $0x0, s20;
	[sflag:s22] =	ssyncset.done $0x0  }
0xa0: {  	[sflag:s22] =	ssyncadd.s32 s4;
	_ =	sdelay $0x1  }
0xa1: {  	s23 =	simm.s32 $0x1B8B  }
0xa2: {  	_ =	swait.ge [sflag:s23], $0x1  }
0xa3: {  	[sflag:s23] =	ssyncset.done $0x0  }
0xa4: {  	s25 =	simm.s32 $0x1B8E;
	s24 =	sld [smem:$0x3FFE];
	[sflag:s23] =	ssyncadd.s32 $0xFFFFFFFF  }
0xa5: {  	s26 =	simm.s32 $execute0_lowered;
	[smem:$0x3FD2] =	sst s25  }
0xa6: {  	s5 =	sshll.u32 s26, $0x1;
	_ =	strace $0x80000046;
	[dreg:$0x1] =	wrdreg $0xFFFFFFFF  }
0xa7: {  	s28 =	simm.s32 $_size_execute0_lowered;
	s3 =	sadd.s32 s3, s5;
	[dreg:$0x0] =	wrdreg $0x0  }
0xa8: {  	s5 =	sshll.u32 s28, $0x1;
	[dreg:$0x2] =	wrdreg s3  }
0xa9: {  	[dreg:$0x3] =	wrdreg s5  }
0xaa: {  	[dreg:$0x4] =	wrdreg $0xC0  }
0xab: {  	_ =	task [dreg:s7], $0x5FFFF  }
0xac: {  	[dreg:$0x1] =	wrdreg $0xFFFFFFFF  }
0xad: {  	[dreg:$0x0] =	wrdreg $0x60  }
0xae: {  	[dreg:$0x2] =	wrdreg s2  }
0xaf: {  	[dreg:$0x3] =	wrdreg s24  }
0xb0: {  	[dreg:$0x4] =	wrdreg $0x9  }
0xb1: {  	_ =	task.clear_ibuf [dreg:s7], $0x5FFFF;
	_ =	strace $0x90000046  }
0xb2: {  	s29 =	simm.s32 $0x9;
	_ =	strace $0x80000048  }
0xb3: {  	_ =	swait.ge [sflag:s29], $0x1  }
0xb4: {  	[sflag:s29] =	ssyncadd.s32 $0xFFFFFFFF  }
0xb5: {  	_ =	strace $0x90000048  }
0xb6: {  	_ =	sfence  }
0xb7: {  	s30 =	sld [smem:$0x0];
	_ =	sdelay $0x2  }
0xb8: {  	s31 =	sshll.u32 s1, $0xD;
	s1 =	sshrl.u32 s1, $0x2  }
0xb9: {  	s3 =	sand.u32 $0x4000, s31;
	s1 =	sadd.s32 s1, s30  }
0xba: {  	s0 =	sor.u32 s3, s0;
	s1 =	sshll.u32 s1, $0x11  }
0xbb: {  	s0 =	sor.u32 s1, s0  }
0xbc: {  	s0 =	sadd.s32 $0x8F2B, s0  }
0xbd: {  	[sflag:s0] =	ssyncadd.remote.s32 $0x1  }
0xbe: {  	_ =	sfence.sel $0xFFFF  }
0xbf: {  	[dreg:$0x0] =	wrdreg $0xFFFFFFFF;
	(pc) =	sbr.abs _section_cstart, $3  }
0xc0: {  	[dreg:$0x1] =	wrdreg $0xFFFFFFFF  }
0xc1: {  	_ =	task.clear_ibuf [dreg:s7], $0x2FFFF;
	_ =	strace $0x9FFFFFFF  }
0xc2: {  	(tm) =	ssettm $0x7FFFFFFF  }
0xc3: {  	_ =	shalt  }
tec
execute0_lowered:
.L_overlay_start_1:
0x0: {  	(tag) =	ssettag $0x1  }
0x1: {  	s0 =	rddreg [dreg:$0x0]  }
0x2: {  	s1 =	rddreg [dreg:$0x1]  }
0x3: {  	s2 =	simm.s32 $0x0;
	s3 =	srdreg.scid;
	s4 =	stileid.u32  }
0x4: {  	[smem:$0x7FF] =	sst s2;
	s3 =	sand.u32 $0x1, s3;
	s4 =	sshll.u32 s4, $0x8  }
0x5: {  	s5 =	ssub.s32 $0x2, s3;
	s3 =	sshll.u32 s3, $0x7;
	_ =	strace $0x80000047  }
0x6: {  	s6 =	sshrl.u32 s5, $0x1;
	s3 =	sor.u32 s3, s4;
	s4 =	sadd.s32 $0x600, s1  }
0x7: {  	s1 =	sadd.s32 $0xF42A00, s1;
	[dreg:$0x3] =	wrdreg s3;
	s7 =	sshll.u32 s3, $0x5  }
0x8: {  	s6 =	ssub.s32 s5, s6;
	[dreg:$0x4] =	wrdreg s1;
	s0 =	sadd.s32 s0, s7  }
0x9: {  	s25 =	simm.s32 $0x1;
	s31 =	smax.u32 s6, $0x1;
	[dreg:$0x5] =	wrdreg s0  }
0xa: {  	s29 =	simm.s32 $0x2;
	s3 =	simm.s32 $0x0;
	[dreg:$0x6] =	wrdreg s31  }
.LBB2_1:
0xb: {  	[dreg:$0x7] =	wrdreg s3  }
0xc: {  	s0 =	rddreg [dreg:$0x5];
	s22 =	simm.s32 $0x5  }
0xd: {  	[tilespmem:s2], [sflag:$0x5] =	stream.linear.gather [hbm4b:s0+s2], $0x8000, $0x38;
	[tilespmem:$0x14800] =	vst v63  }
0xe: {  	_ =	swait.ge [sflag:s22], $0x8000  }
0xf: {  	s23 =	sand.u32 $0x70, s2;
	s1 =	sand.u32 $0x400, s2;
	[sflag:s22] =	ssyncset.done $0x0  }
0x10: {  	s0 =	sor.u32 s23, s1;
	[sflag:s22] =	ssyncadd.s32 $0xFFFF8000  }
0x11: {  	v0 =	vld [tilespmem:s0+$0x0];
	_ =	sdelay $0x4  }
0x12: {  	v0 =	vshll.u32 v0, $0x4  }
0x13: {  	(v2sf) =	vpush v0, $0x0  }
0x14: {  	(v2sf) =	vpush v0, $0x1  }
0x15: {  	(v2sf) =	vpush v0, $0x2  }
0x16: {  	(v2sf) =	vpush v0, $0x3  }
0x17: {  	(v2sf) =	vpush v0, $0x4;
	_ =	sdelay $0x6  }
0x18: {  	(v2sf) =	vpush v0, $0x5  }
0x19: {  	s6 =	simm.s32 $0x80  }
0x1a: {  	s8 =	simm.s32 $0x4000;
	s9 =	simm.s32 $0x20;
	s7 =	simm.s32 $0x0  }
0x1b: {  	s10 =	simm.s32 $0x100;
	s13 =	simm.s32 $0x8080;
	s11 =	simm.s32 $0x8680  }
0x1c: {  	s16 =	simm.s32 $0x8000;
	s12 =	simm.s32 $0x8580;
	(v2sf) =	vpush v0, $0x6;
	s17 =	spop (v2sf)  }
0x1d: {  	s31 =	simm.s32 $0x8600;
	s15 =	simm.s32 $0x8400;
	s19 =	spop (v2sf)  }
0x1e: {  	s14 =	simm.s32 $0x8480;
	s18 =	simm.s32 $0x8100;
	(v2sf) =	vpush v0, $0x7;
	s28 =	spop (v2sf)  }
0x1f: {  	s24 =	simm.s32 $0x8180;
	s1 =	simm.s32 $0x2000;
	s20 =	spop (v2sf)  }
0x20: {  	s23 =	simm.s32 $0x8200;
	s17 =	sand.u32 $0x1FFFFFF0, s17;
	s5 =	spop (v2sf);
	(v2sf) =	vpush v0, $0x8  }
0x21: {  	s0 =	simm.s32 $0x10;
	s17 =	sadd.s32 s4, s17;
	s26 =	sand.u32 $0x1FFFFFF0, s19  }
0x22: {  	[tilespmem:s16], [sflag:$0x1] =	stream.linear.gather [hbm4b:s17+s2], $0x80, $0x38;
	(v2sf) =	vpush v0, $0x9;
	[tilespmem:$0x14800] =	vst v63  }
0x23: {  	s17 =	sadd.s32 s4, s26;
	s19 =	sand.u32 $0x1FFFFFF0, s28;
	s16 =	simm.s32 $0x8500  }
0x24: {  	[tilespmem:s13], [sflag:$0x1] =	stream.linear.gather [hbm4b:s17+s2], $0x80, $0x38;
	(v2sf) =	vpush v0, $0xA;
	[tilespmem:$0x14800] =	vst v63  }
0x25: {  	s28 =	simm.s32 $0x8280;
	s30 =	sadd.s32 s4, s19;
	s3 =	sand.u32 $0x1FFFFFF0, s20  }
0x26: {  	[tilespmem:s18], [sflag:$0x1] =	stream.linear.gather [hbm4b:s30+s2], $0x80, $0x38;
	(v2sf) =	vpush v0, $0xB;
	[tilespmem:$0x14800] =	vst v63  }
0x27: {  	s20 =	sadd.s32 s4, s3;
	s21 =	sand.u32 $0x1FFFFFF0, s5;
	s22 =	spop (v2sf)  }
0x28: {  	(v2sf) =	vpush v0, $0xC;
	[tilespmem:s24], [sflag:$0x1] =	stream.linear.gather [hbm4b:s20+s2], $0x80, $0x38;
	[tilespmem:$0x14800] =	vst v63  }
0x29: {  	s13 =	simm.s32 $0x8780;
	s26 =	sand.u32 $0x1FFFFFF0, s22;
	s24 =	sadd.s32 s4, s21  }
0x2a: {  	(v2sf) =	vpush v0, $0xD;
	[tilespmem:s23], [sflag:$0x1] =	stream.linear.gather [hbm4b:s24+s2], $0x80, $0x38;
	[tilespmem:$0x14800] =	vst v63  }
0x2b: {  	s17 =	sadd.s32 s4, s26;
	s18 =	simm.s32 $0x8300;
	s30 =	spop (v2sf)  }
0x2c: {  	(v2sf) =	vpush v0, $0xE;
	[tilespmem:s28], [sflag:$0x1] =	stream.linear.gather [hbm4b:s17+s2], $0x80, $0x38;
	[tilespmem:$0x14800] =	vst v63  }
0x2d: {  	s21 =	sand.u32 $0x1FFFFFF0, s30;
	s20 =	spop (v2sf);
	(v2sf) =	vpush v0, $0xF;
	s17 =	simm.s32 $0x8380  }
.LBB2_2:
0x2e: {  	s21 =	sadd.s32 s4, s21  }
0x2f: {  	s20 =	sand.u32 $0x1FFFFFF0, s20;
	s22 =	spop (v2sf);
	s19 =	smov.u32 s8  }
0x30: {  	[tilespmem:s18], [sflag:$0x1] =	stream.linear.gather [hbm4b:s21+s2], $0x80, $0x38;
	[tilespmem:$0x14800] =	vst v63  }
0x31: {  	s18 =	sadd.s32 s4, s20;
	s20 =	sand.u32 $0x1FFFFFF0, s22;
	s21 =	spop (v2sf)  }
0x32: {  	[tilespmem:s17], [sflag:$0x1] =	stream.linear.gather [hbm4b:s18+s2], $0x80, $0x38;
	[tilespmem:$0x14800] =	vst v63  }
0x33: {  	s17 =	sadd.s32 s4, s20;
	s18 =	sand.u32 $0x1FFFFFF0, s21;
	s20 =	spop (v2sf)  }
0x34: {  	[tilespmem:s15], [sflag:$0x1] =	stream.linear.gather [hbm4b:s17+s2], $0x80, $0x38;
	[tilespmem:$0x14800] =	vst v63  }
0x35: {  	s15 =	sadd.s32 s4, s18;
	s17 =	sand.u32 $0x1FFFFFF0, s20;
	s18 =	spop (v2sf)  }
0x36: {  	[tilespmem:s14], [sflag:$0x1] =	stream.linear.gather [hbm4b:s15+s2], $0x80, $0x38;
	[tilespmem:$0x14800] =	vst v63  }
0x37: {  	s14 =	sadd.s32 s4, s17;
	s15 =	sand.u32 $0x1FFFFFF0, s18;
	s17 =	spop (v2sf)  }
0x38: {  	[tilespmem:s16], [sflag:$0x1] =	stream.linear.gather [hbm4b:s14+s2], $0x80, $0x38;
	[tilespmem:$0x14800] =	vst v63  }
0x39: {  	s14 =	sadd.s32 s4, s15;
	s15 =	sand.u32 $0x1FFFFFF0, s17;
	s16 =	spop (v2sf)  }
0x3a: {  	[tilespmem:s12], [sflag:$0x1] =	stream.linear.gather [hbm4b:s14+s2], $0x80, $0x38;
	[tilespmem:$0x14800] =	vst v63  }
0x3b: {  	s12 =	sadd.s32 s4, s15;
	s14 =	sand.u32 $0x1FFFFFF0, s16;
	s15 =	spop (v2sf)  }
0x3c: {  	[tilespmem:s31], [sflag:$0x1] =	stream.linear.gather [hbm4b:s12+s2], $0x80, $0x38;
	[tilespmem:$0x14800] =	vst v63  }
0x3d: {  	s12 =	sadd.s32 s4, s14;
	s14 =	sand.u32 $0x1FFFFFF0, s15;
	s15 =	spop (v2sf)  }
0x3e: {  	[tilespmem:s11], [sflag:$0x1] =	stream.linear.gather [hbm4b:s12+s2], $0x80, $0x38;
	[tilespmem:$0x14800] =	vst v63  }
0x3f: {  	s7 =	sadd.s32 $0x8700, s7;
	s11 =	sadd.s32 s4, s14;
	s12 =	sand.u32 $0x1FFFFFF0, s15  }
0x40: {  	[tilespmem:s7], [sflag:$0x1] =	stream.linear.gather [hbm4b:s11+s2], $0x80, $0x38;
	[tilespmem:$0x14800] =	vst v63  }
0x41: {  	s0 =	sand.u32 $0x70, s0;
	s6 =	sand.u32 $0x400, s6;
	s7 =	sadd.s32 s4, s12  }
0x42: {  	[tilespmem:s13], [sflag:$0x1] =	stream.linear.gather [hbm4b:s7+s2], $0x80, $0x38;
	[tilespmem:$0x14800] =	vst v63  }
0x43: {  	p0 =	sne.s32 s8, $0x16000;
	s8 =	sadd.s32 $0x2000, s8;
	s0 =	sor.u32 s0, s6  }
0x44: {  	s6 =	smov.u32 s10;
	v0 =	vld [tilespmem:s0+$0x0];
	s0 =	smov.u32 s9;
	_ =	sdelay $0x4  }
0x45: {  	s7 =	sshra.s32 s1, $0x2;
	s1 =	smov.u32 s19;
	s9 =	sadd.s32 $0x10, s9;
	v0 =	vshll.u32 v0, $0x4  }
0x46: {  	s10 =	sadd.s32 $0x80, s10;
	s20 =	sadd.s32 $0x8080, s7;
	s11 =	sadd.s32 $0x8680, s7;
	(v2sf) =	vpush v0, $0x0  }
0x47: {  	s21 =	sadd.s32 $0x8000, s7;
	s12 =	sadd.s32 $0x8580, s7;
	s31 =	sadd.s32 $0x8600, s7;
	(v2sf) =	vpush v0, $0x1  }
0x48: {  	s15 =	sadd.s32 $0x8400, s7;
	s14 =	sadd.s32 $0x8480, s7;
	s16 =	sadd.s32 $0x8500, s7;
	(v2sf) =	vpush v0, $0x2  }
0x49: {  	s18 =	sadd.s32 $0x8300, s7;
	s17 =	sadd.s32 $0x8380, s7  }
0x4a: {  	s19 =	sadd.s32 $0x8280, s7;
	(v2sf) =	vpush v0, $0x3  }
0x4b: {  	s22 =	sadd.s32 $0x8200, s7  }
0x4c: {  	(v2sf) =	vpush v0, $0x4  }
0x4d: {  	s13 =	sadd.s32 $0x8780, s7  }
0x4e: {  	(v2sf) =	vpush v0, $0x5;
	_ =	sdelay $0x1  }
0x4f: {  	s23 =	sadd.s32 $0x8100, s7;
	(v2sf) =	vpush v0, $0x6;
	_ =	sdelay $0x1  }
0x50: {  	s24 =	sadd.s32 $0x8180, s7;
	(v2sf) =	vpush v0, $0x7;
	_ =	sdelay $0x1  }
0x51: {  	(v2sf) =	vpush v0, $0x8  }
0x52: {  	s26 =	spop (v2sf)  }
0x53: {  	s26 =	sand.u32 $0x1FFFFFF0, s26;
	s30 =	spop (v2sf);
	(v2sf) =	vpush v0, $0x9  }
0x54: {  	s26 =	sadd.s32 s4, s26;
	s30 =	sand.u32 $0x1FFFFFF0, s30;
	s28 =	spop (v2sf)  }
0x55: {  	[tilespmem:s21], [sflag:$0x1] =	stream.linear.gather [hbm4b:s26+s2], $0x80, $0x38;
	(v2sf) =	vpush v0, $0xA;
	[tilespmem:$0x14800] =	vst v63  }
0x56: {  	s21 =	sadd.s32 s4, s30;
	s26 =	sand.u32 $0x1FFFFFF0, s28;
	s28 =	spop (v2sf)  }
0x57: {  	[tilespmem:s20], [sflag:$0x1] =	stream.linear.gather [hbm4b:s21+s2], $0x80, $0x38;
	(v2sf) =	vpush v0, $0xB;
	[tilespmem:$0x14800] =	vst v63  }
0x58: {  	s20 =	sadd.s32 s4, s26;
	s21 =	sand.u32 $0x1FFFFFF0, s28;
	s26 =	spop (v2sf)  }
0x59: {  	[tilespmem:s23], [sflag:$0x1] =	stream.linear.gather [hbm4b:s20+s2], $0x80, $0x38;
	(v2sf) =	vpush v0, $0xC;
	[tilespmem:$0x14800] =	vst v63  }
0x5a: {  	s20 =	sadd.s32 s4, s21;
	s21 =	sand.u32 $0x1FFFFFF0, s26;
	s23 =	spop (v2sf)  }
0x5b: {  	[tilespmem:s24], [sflag:$0x1] =	stream.linear.gather [hbm4b:s20+s2], $0x80, $0x38;
	[tilespmem:$0x14800] =	vst v63  }
.Ltmp0:
0x5c: {  	(v2sf) =	vpush v0, $0xD;
	(pc) =	sbr.rel @p0 .LBB2_2-.Ltmp0, $4  }
0x5d: {  	s20 =	sadd.s32 s4, s21;
	s21 =	sand.u32 $0x1FFFFFF0, s23;
	s23 =	spop (v2sf)  }
0x5e: {  	[tilespmem:s22], [sflag:$0x1] =	stream.linear.gather [hbm4b:s20+s2], $0x80, $0x38;
	(v2sf) =	vpush v0, $0xE;
	[tilespmem:$0x14800] =	vst v63  }
0x5f: {  	s22 =	sadd.s32 s4, s21;
	s21 =	sand.u32 $0x1FFFFFF0, s23;
	s20 =	spop (v2sf)  }
0x60: {  	[tilespmem:s19], [sflag:$0x1] =	stream.linear.gather [hbm4b:s22+s2], $0x80, $0x38;
	(v2sf) =	vpush v0, $0xF;
	[tilespmem:$0x14800] =	vst v63  }
0x61: {  	s8 =	sadd.s32 s4, s21;
	s21 =	sand.u32 $0x1FFFFFF0, s20  }
0x62: {  	[tilespmem:s18], [sflag:$0x1] =	stream.linear.gather [hbm4b:s8+s2], $0x80, $0x38;
	[tilespmem:$0x14800] =	vst v63  }
0x63: {  	s22 =	spop (v2sf);
	s8 =	sadd.s32 s4, s21  }
0x64: {  	[tilespmem:s17], [sflag:$0x1] =	stream.linear.gather [hbm4b:s8+s2], $0x80, $0x38;
	[tilespmem:$0x14800] =	vst v63  }
0x65: {  	s8 =	sand.u32 $0x1FFFFFF0, s22  }
0x66: {  	s23 =	spop (v2sf);
	s8 =	sadd.s32 s4, s8  }
0x67: {  	[tilespmem:s15], [sflag:$0x1] =	stream.linear.gather [hbm4b:s8+s2], $0x80, $0x38;
	[tilespmem:$0x14800] =	vst v63  }
0x68: {  	s8 =	sand.u32 $0x1FFFFFF0, s23  }
0x69: {  	s24 =	spop (v2sf);
	s8 =	sadd.s32 s4, s8  }
0x6a: {  	[tilespmem:s14], [sflag:$0x1] =	stream.linear.gather [hbm4b:s8+s2], $0x80, $0x38;
	[tilespmem:$0x14800] =	vst v63  }
0x6b: {  	s8 =	sand.u32 $0x1FFFFFF0, s24  }
0x6c: {  	s26 =	spop (v2sf);
	s8 =	sadd.s32 s4, s8  }
0x6d: {  	[tilespmem:s16], [sflag:$0x1] =	stream.linear.gather [hbm4b:s8+s2], $0x80, $0x38;
	[tilespmem:$0x14800] =	vst v63  }
0x6e: {  	s8 =	sand.u32 $0x1FFFFFF0, s26  }
0x6f: {  	s28 =	spop (v2sf);
	s8 =	sadd.s32 s4, s8  }
0x70: {  	[tilespmem:s12], [sflag:$0x1] =	stream.linear.gather [hbm4b:s8+s2], $0x80, $0x38;
	[tilespmem:$0x14800] =	vst v63  }
0x71: {  	s8 =	sand.u32 $0x1FFFFFF0, s28  }
0x72: {  	s30 =	spop (v2sf);
	s8 =	sadd.s32 s4, s8  }
0x73: {  	[tilespmem:s31], [sflag:$0x1] =	stream.linear.gather [hbm4b:s8+s2], $0x80, $0x38;
	[tilespmem:$0x14800] =	vst v63  }
0x74: {  	s8 =	sand.u32 $0x1FFFFFF0, s30  }
0x75: {  	s31 =	spop (v2sf);
	s8 =	sadd.s32 s4, s8  }
0x76: {  	[tilespmem:s11], [sflag:$0x1] =	stream.linear.gather [hbm4b:s8+s2], $0x80, $0x38;
	[tilespmem:$0x14800] =	vst v63  }
0x77: {  	s8 =	sand.u32 $0x1FFFFFF0, s31  }
0x78: {  	s7 =	sadd.s32 $0x8700, s7;
	s3 =	spop (v2sf);
	s8 =	sadd.s32 s4, s8  }
0x79: {  	[tilespmem:s7], [sflag:$0x1] =	stream.linear.gather [hbm4b:s8+s2], $0x80, $0x38;
	[tilespmem:$0x14800] =	vst v63  }
0x7a: {  	s0 =	sand.u32 $0x70, s0;
	s6 =	sand.u32 $0x400, s6;
	s7 =	sand.u32 $0x1FFFFFF0, s3  }
0x7b: {  	s0 =	sor.u32 s0, s6;
	s7 =	sadd.s32 s4, s7  }
0x7c: {  	[tilespmem:s13], [sflag:$0x1] =	stream.linear.gather [hbm4b:s7+s2], $0x80, $0x38;
	[tilespmem:$0x14800] =	vst v63  }
0x7d: {  	v0 =	vld [tilespmem:s0+$0x0];
	_ =	sdelay $0x4  }
0x7e: {  	v0 =	vshll.u32 v0, $0x4  }
0x7f: {  	(v2sf) =	vpush v0, $0x0;
	_ =	sdelay $0x1  }
0x80: {  	(v2sf) =	vpush v0, $0x1;
	_ =	sdelay $0x1  }
0x81: {  	(v2sf) =	vpush v0, $0x2;
	_ =	sdelay $0x2  }
0x82: {  	(v2sf) =	vpush v0, $0x3;
	_ =	sdelay $0x7  }
0x83: {  	s5 =	spop (v2sf);
	(v2sf) =	vpush v0, $0x4;
	_ =	sdelay $0x1  }
0x84: {  	s9 =	spop (v2sf);
	(v2sf) =	vpush v0, $0x5;
	_ =	sdelay $0x1  }
0x85: {  	s11 =	spop (v2sf);
	(v2sf) =	vpush v0, $0x6;
	_ =	sdelay $0x1  }
0x86: {  	s0 =	sshra.s32 s1, $0x2;
	s7 =	sand.u32 $0x1FFFFFF0, s5  }
0x87: {  	s8 =	sadd.s32 $0x8000, s0;
	s1 =	sadd.s32 s4, s7;
	s13 =	spop (v2sf);
	(v2sf) =	vpush v0, $0x7  }
0x88: {  	[tilespmem:s8], [sflag:$0x1] =	stream.linear.gather [hbm4b:s1+s2], $0x80, $0x38;
	[tilespmem:$0x14800] =	vst v63  }
0x89: {  	s1 =	sand.u32 $0x1FFFFFF0, s9  }
0x8a: {  	s10 =	sadd.s32 $0x8080, s0;
	s1 =	sadd.s32 s4, s1  }
0x8b: {  	[tilespmem:s10], [sflag:$0x1] =	stream.linear.gather [hbm4b:s1+s2], $0x80, $0x38;
	[tilespmem:$0x14800] =	vst v63  }
0x8c: {  	s1 =	sand.u32 $0x1FFFFFF0, s11  }
0x8d: {  	s12 =	sadd.s32 $0x8100, s0;
	s1 =	sadd.s32 s4, s1  }
0x8e: {  	[tilespmem:s12], [sflag:$0x1] =	stream.linear.gather [hbm4b:s1+s2], $0x80, $0x38;
	[tilespmem:$0x14800] =	vst v63  }
0x8f: {  	s15 =	spop (v2sf);
	(v2sf) =	vpush v0, $0x8  }
0x90: {  	s1 =	sand.u32 $0x1FFFFFF0, s13  }
0x91: {  	s14 =	sadd.s32 $0x8180, s0;
	s1 =	sadd.s32 s4, s1;
	s17 =	spop (v2sf);
	(v2sf) =	vpush v0, $0x9  }
0x92: {  	[tilespmem:s14], [sflag:$0x1] =	stream.linear.gather [hbm4b:s1+s2], $0x80, $0x38;
	[tilespmem:$0x14800] =	vst v63  }
0x93: {  	s1 =	sand.u32 $0x1FFFFFF0, s15;
	s19 =	spop (v2sf);
	(v2sf) =	vpush v0, $0xA  }
0x94: {  	s16 =	sadd.s32 $0x8200, s0;
	s1 =	sadd.s32 s4, s1  }
0x95: {  	[tilespmem:s16], [sflag:$0x1] =	stream.linear.gather [hbm4b:s1+s2], $0x80, $0x38;
	[tilespmem:$0x14800] =	vst v63  }
0x96: {  	s21 =	spop (v2sf);
	(v2sf) =	vpush v0, $0xB  }
0x97: {  	s1 =	sand.u32 $0x1FFFFFF0, s17  }
0x98: {  	s18 =	sadd.s32 $0x8280, s0;
	s1 =	sadd.s32 s4, s1  }
0x99: {  	[tilespmem:s18], [sflag:$0x1] =	stream.linear.gather [hbm4b:s1+s2], $0x80, $0x38;
	[tilespmem:$0x14800] =	vst v63  }
0x9a: {  	s1 =	sand.u32 $0x1FFFFFF0, s19  }
0x9b: {  	s20 =	sadd.s32 $0x8300, s0;
	s1 =	sadd.s32 s4, s1  }
0x9c: {  	[tilespmem:s20], [sflag:$0x1] =	stream.linear.gather [hbm4b:s1+s2], $0x80, $0x38;
	[tilespmem:$0x14800] =	vst v63  }
0x9d: {  	s1 =	sand.u32 $0x1FFFFFF0, s21  }
0x9e: {  	s22 =	sadd.s32 $0x8380, s0;
	s1 =	sadd.s32 s4, s1;
	s23 =	spop (v2sf);
	(v2sf) =	vpush v0, $0xC  }
0x9f: {  	[tilespmem:s22], [sflag:$0x1] =	stream.linear.gather [hbm4b:s1+s2], $0x80, $0x38;
	[tilespmem:$0x14800] =	vst v63  }
0xa0: {  	s26 =	spop (v2sf);
	(v2sf) =	vpush v0, $0xD  }
0xa1: {  	s1 =	sand.u32 $0x1FFFFFF0, s23  }
0xa2: {  	s24 =	sadd.s32 $0x8400, s0;
	s1 =	sadd.s32 s4, s1;
	s30 =	spop (v2sf)  }
0xa3: {  	(v2sf) =	vpush v0, $0xE;
	[tilespmem:s24], [sflag:$0x1] =	stream.linear.gather [hbm4b:s1+s2], $0x80, $0x38;
	[tilespmem:$0x14800] =	vst v63  }
0xa4: {  	s1 =	sand.u32 $0x1FFFFFF0, s26  }
0xa5: {  	s28 =	sadd.s32 $0x8480, s0;
	s3 =	spop (v2sf);
	s1 =	sadd.s32 s4, s1  }
0xa6: {  	(v2sf) =	vpush v0, $0xF;
	[tilespmem:s28], [sflag:$0x1] =	stream.linear.gather [hbm4b:s1+s2], $0x80, $0x38;
	[tilespmem:$0x14800] =	vst v63  }
0xa7: {  	s1 =	sand.u32 $0x1FFFFFF0, s30  }
0xa8: {  	s31 =	sadd.s32 $0x8500, s0;
	s1 =	sadd.s32 s4, s1  }
0xa9: {  	[tilespmem:s31], [sflag:$0x1] =	stream.linear.gather [hbm4b:s1+s2], $0x80, $0x38;
	[tilespmem:$0x14800] =	vst v63  }
0xaa: {  	s1 =	sand.u32 $0x1FFFFFF0, s3  }
0xab: {  	s5 =	sadd.s32 $0x8580, s0;
	s1 =	sadd.s32 s4, s1  }
0xac: {  	[tilespmem:s5], [sflag:$0x1] =	stream.linear.gather [hbm4b:s1+s2], $0x80, $0x38;
	[tilespmem:$0x14800] =	vst v63  }
0xad: {  	s6 =	spop (v2sf)  }
0xae: {  	s1 =	sand.u32 $0x1FFFFFF0, s6  }
0xaf: {  	s7 =	sadd.s32 $0x8600, s0;
	s8 =	spop (v2sf);
	s1 =	sadd.s32 s4, s1  }
0xb0: {  	[tilespmem:s7], [sflag:$0x1] =	stream.linear.gather [hbm4b:s1+s2], $0x80, $0x38;
	[tilespmem:$0x14800] =	vst v63  }
0xb1: {  	s1 =	sand.u32 $0x1FFFFFF0, s8  }
0xb2: {  	s9 =	sadd.s32 $0x8680, s0;
	s10 =	spop (v2sf);
	s1 =	sadd.s32 s4, s1  }
0xb3: {  	[tilespmem:s9], [sflag:$0x1] =	stream.linear.gather [hbm4b:s1+s2], $0x80, $0x38;
	[tilespmem:$0x14800] =	vst v63  }
0xb4: {  	s1 =	sand.u32 $0x1FFFFFF0, s10  }
0xb5: {  	s11 =	sadd.s32 $0x8700, s0;
	s12 =	spop (v2sf);
	s1 =	sadd.s32 s4, s1  }
0xb6: {  	[tilespmem:s11], [sflag:$0x1] =	stream.linear.gather [hbm4b:s1+s2], $0x80, $0x38;
	[tilespmem:$0x14800] =	vst v63  }
0xb7: {  	s1 =	sand.u32 $0x1FFFFFF0, s12  }
0xb8: {  	s0 =	sadd.s32 $0x8780, s0;
	s1 =	sadd.s32 s4, s1  }
0xb9: {  	[tilespmem:s0], [sflag:$0x1] =	stream.linear.gather [hbm4b:s1+s2], $0x80, $0x38;
	[tilespmem:$0x14800] =	vst v63  }
0xba: {  	v63 =	vld [tilespmem:$0x440];
	_ =	sdelay $0x4  }
0xbb: {  	v0 =	vshll.u32 v63, $0x4  }
0xbc: {  	(v2sf) =	vpush v0, $0x0;
	_ =	sdelay $0x1  }
0xbd: {  	(v2sf) =	vpush v0, $0x1;
	_ =	sdelay $0x1  }
0xbe: {  	(v2sf) =	vpush v0, $0x2;
	_ =	sdelay $0x2  }
0xbf: {  	(v2sf) =	vpush v0, $0x3;
	_ =	sdelay $0x7  }
0xc0: {  	s13 =	spop (v2sf);
	(v2sf) =	vpush v0, $0x4;
	_ =	sdelay $0x1  }
0xc1: {  	s15 =	spop (v2sf);
	(v2sf) =	vpush v0, $0x5  }
0xc2: {  	s14 =	simm.s32 $0xE000;
	s0 =	sand.u32 $0x1FFFFFF0, s13  }
0xc3: {  	s3 =	simm.s32 $0x0;
	s0 =	sadd.s32 s4, s0;
	s17 =	spop (v2sf)  }
0xc4: {  	(v2sf) =	vpush v0, $0x6;
	[tilespmem:s14], [sflag:$0x1] =	stream.linear.gather [hbm4b:s0+s3], $0x80, $0x38;
	[tilespmem:$0x14800] =	vst v63  }
0xc5: {  	s0 =	sand.u32 $0x1FFFFFF0, s15  }
0xc6: {  	s16 =	simm.s32 $0xE080;
	s19 =	spop (v2sf);
	s0 =	sadd.s32 s4, s0  }
0xc7: {  	(v2sf) =	vpush v0, $0x7;
	[tilespmem:s16], [sflag:$0x1] =	stream.linear.gather [hbm4b:s0+s3], $0x80, $0x38;
	[tilespmem:$0x14800] =	vst v63  }
0xc8: {  	s0 =	sand.u32 $0x1FFFFFF0, s17  }
0xc9: {  	s18 =	simm.s32 $0xE100;
	s0 =	sadd.s32 s4, s0  }
0xca: {  	[tilespmem:s18], [sflag:$0x1] =	stream.linear.gather [hbm4b:s0+s3], $0x80, $0x38;
	[tilespmem:$0x14800] =	vst v63  }
0xcb: {  	s0 =	sand.u32 $0x1FFFFFF0, s19  }
0xcc: {  	s20 =	simm.s32 $0xE180;
	s0 =	sadd.s32 s4, s0  }
0xcd: {  	[tilespmem:s20], [sflag:$0x1] =	stream.linear.gather [hbm4b:s0+s3], $0x80, $0x38;
	[tilespmem:$0x14800] =	vst v63  }
0xce: {  	s21 =	spop (v2sf)  }
0xcf: {  	s0 =	sand.u32 $0x1FFFFFF0, s21  }
0xd0: {  	s22 =	simm.s32 $0xE200;
	s23 =	spop (v2sf);
	s0 =	sadd.s32 s4, s0  }
0xd1: {  	[tilespmem:s22], [sflag:$0x1] =	stream.linear.gather [hbm4b:s0+s3], $0x80, $0x38;
	[tilespmem:$0x14800] =	vst v63  }
0xd2: {  	s0 =	sand.u32 $0x1FFFFFF0, s23  }
0xd3: {  	s24 =	simm.s32 $0xE280;
	s26 =	spop (v2sf);
	s0 =	sadd.s32 s4, s0  }
0xd4: {  	[tilespmem:s24], [sflag:$0x1] =	stream.linear.gather [hbm4b:s0+s3], $0x80, $0x38;
	[tilespmem:$0x14800] =	vst v63  }
0xd5: {  	s0 =	sand.u32 $0x1FFFFFF0, s26  }
0xd6: {  	s28 =	simm.s32 $0xE300;
	s30 =	spop (v2sf);
	s0 =	sadd.s32 s4, s0  }
0xd7: {  	[tilespmem:s28], [sflag:$0x1] =	stream.linear.gather [hbm4b:s0+s3], $0x80, $0x38;
	[tilespmem:$0x14800] =	vst v63  }
0xd8: {  	s0 =	sand.u32 $0x1FFFFFF0, s30  }
0xd9: {  	s31 =	simm.s32 $0xE380;
	s6 =	simm.s32 $0x0;
	s0 =	sadd.s32 s4, s0  }
0xda: {  	[tilespmem:s31], [sflag:$0x1] =	stream.linear.gather [hbm4b:s0+s3], $0x80, $0x38;
	[tilespmem:$0x14800] =	vst v63  }
.LBB2_4:
0xdb: {  	s0 =	sshll.u32 s6, $0x1;
	p0 =	seq.s32 s6, $0x0  }
0xdc: {  	s18 =	sshll.u32 s6, $0x9;
	s19 =	simm.s32 $0x0;
	s1 =	sor.u32 $0x1, s0  }
0xdd: {  	[dreg:$0x9] =	wrdreg s0;
	s10 =	simm.s32 @!p0 $0x4;
	s9 =	sshll.u32 s1, $0x7  }
0xde: {  	s0 =	sand.u32 $0x7800, s18;
	[dreg:$0x8] =	wrdreg s1;
	s9 =	sand.u32 $0x380, s9  }
0xdf: {  	s20 =	sand.u32 $0x400, s19;
	_ =	swait.ge @!p0 [sflag:s10], $0x6400;
	s31 =	sor.u32 s9, s0  }
0xe0: {  	s21 =	sand.u32 $0x70, s19;
	[sflag:s10] =	ssyncset.done @!p0 $0x0;
	s0 =	sadd.s32 s20, s31  }
0xe1: {  	[sflag:s10] =	ssyncadd.s32 @!p0 $0xFFFF9C00;
	s0 =	sadd.s32 s21, s0  }
0xe2: {  	v0 =	vld [tilespmem:s0+$0x0];
	_ =	sdelay $0x4  }
0xe3: {  	v0 =	vshll.u32 v0, $0x4  }
0xe4: {  	(v2sf) =	vpush v0, $0x0;
	_ =	sdelay $0x1  }
0xe5: {  	(v2sf) =	vpush v0, $0x1  }
0xe6: {  	(v2sf) =	vpush v0, $0x2;
	_ =	sdelay $0x1  }
0xe7: {  	(v2sf) =	vpush v0, $0x3;
	_ =	sdelay $0x1  }
0xe8: {  	(v2sf) =	vpush v0, $0x4;
	_ =	sdelay $0x1  }
0xe9: {  	(v2sf) =	vpush v0, $0x5;
	_ =	sdelay $0x1  }
0xea: {  	(v2sf) =	vpush v0, $0x6;
	_ =	sdelay $0x1  }
0xeb: {  	s11 =	simm.s32 $0x0;
	s13 =	simm.s32 $0xE480;
	s17 =	simm.s32 $0xE700  }
0xec: {  	s15 =	simm.s32 $0xE400;
	s23 =	simm.s32 $0xE500;
	s26 =	simm.s32 $0xE580  }
0xed: {  	s30 =	simm.s32 $0xE680;
	s8 =	simm.s32 $0xE800;
	s14 =	spop (v2sf);
	(v2sf) =	vpush v0, $0x7  }
0xee: {  	s18 =	simm.s32 $0xE780;
	s19 =	simm.s32 $0xE600;
	s9 =	simm.s32 $0x4000  }
0xef: {  	s10 =	simm.s32 $0x80;
	s14 =	sand.u32 $0x1FFFFFF0, s14;
	s16 =	spop (v2sf);
	(v2sf) =	vpush v0, $0x8  }
0xf0: {  	s16 =	sand.u32 $0x1FFFFFF0, s16;
	s14 =	sadd.s32 s4, s14;
	(v2sf) =	vpush v0, $0x9;
	s22 =	spop (v2sf)  }
0xf1: {  	[tilespmem:s15], [sflag:$0x2] =	stream.linear.gather [hbm4b:s14+s2], $0x80, $0x38;
	(v2sf) =	vpush v0, $0xA;
	[tilespmem:$0x14800] =	vst v63  }
0xf2: {  	s16 =	sadd.s32 s4, s16;
	s14 =	sand.u32 $0x1FFFFFF0, s22;
	s24 =	spop (v2sf)  }
0xf3: {  	[tilespmem:s13], [sflag:$0x2] =	stream.linear.gather [hbm4b:s16+s2], $0x80, $0x38;
	[tilespmem:$0x14800] =	vst v63  }
0xf4: {  	s20 =	spop (v2sf);
	s14 =	sadd.s32 s4, s14;
	s16 =	sand.u32 $0x1FFFFFF0, s24  }
0xf5: {  	[tilespmem:s23], [sflag:$0x2] =	stream.linear.gather [hbm4b:s14+s2], $0x80, $0x38;
	[tilespmem:$0x14800] =	vst v63  }
0xf6: {  	(v2sf) =	vpush v0, $0xB;
	s28 =	sand.u32 $0x1FFFFFF0, s20;
	s1 =	spop (v2sf);
	s16 =	sadd.s32 s4, s16  }
0xf7: {  	[tilespmem:s26], [sflag:$0x2] =	stream.linear.gather [hbm4b:s16+s2], $0x80, $0x38;
	[tilespmem:$0x14800] =	vst v63  }
0xf8: {  	s3 =	sand.u32 $0x1FFFFFF0, s1;
	s5 =	spop (v2sf);
	s14 =	sadd.s32 s4, s28  }
0xf9: {  	[tilespmem:s19], [sflag:$0x2] =	stream.linear.gather [hbm4b:s14+s2], $0x80, $0x38;
	[tilespmem:$0x14800] =	vst v63  }
0xfa: {  	s12 =	sand.u32 $0x400, s10;
	(v2sf) =	vpush v0, $0xC;
	s19 =	sand.u32 $0x1FFFFFF0, s5;
	s14 =	sadd.s32 s4, s3  }
0xfb: {  	[tilespmem:s30], [sflag:$0x2] =	stream.linear.gather [hbm4b:s14+s2], $0x80, $0x38;
	[tilespmem:$0x14800] =	vst v63  }
0xfc: {  	s0 =	simm.s32 $0x2000;
	s19 =	sadd.s32 s4, s19;
	s7 =	spop (v2sf);
	(v2sf) =	vpush v0, $0xD  }
0xfd: {  	[tilespmem:s17], [sflag:$0x2] =	stream.linear.gather [hbm4b:s19+s2], $0x80, $0x38;
	[tilespmem:$0x14800] =	vst v63  }
0xfe: {  	s15 =	simm.s32 $0xE900;
	s13 =	simm.s32 $0xEB80;
	s21 =	spop (v2sf);
	(v2sf) =	vpush v0, $0xE  }
0xff: {  	s16 =	simm.s32 $0xE980;
	s22 =	sand.u32 $0x1FFFFFF0, s21;
	s21 =	spop (v2sf)  }
0x100: {  	s14 =	sadd.s32 s12, s31;
	s12 =	sand.u32 $0x1FFFFFF0, s7;
	s28 =	spop (v2sf);
	(v2sf) =	vpush v0, $0xF  }
0x101: {  	s26 =	simm.s32 $0xE880;
	s17 =	simm.s32 $0xEA00;
	s12 =	sadd.s32 s4, s12  }
0x102: {  	[tilespmem:s18], [sflag:$0x2] =	stream.linear.gather [hbm4b:s12+s2], $0x80, $0x38;
	[tilespmem:$0x14800] =	vst v63  }
0x103: {  	s23 =	sand.u32 $0x1FFFFFF0, s21;
	s24 =	sadd.s32 s4, s22;
	s18 =	simm.s32 $0xEA80  }
0x104: {  	[tilespmem:s8], [sflag:$0x2] =	stream.linear.gather [hbm4b:s24+s2], $0x80, $0x38;
	[tilespmem:$0x14800] =	vst v63  }
0x105: {  	s12 =	sadd.s32 s4, s23;
	s19 =	sand.u32 $0x1FFFFFF0, s28;
	s30 =	spop (v2sf)  }
0x106: {  	[tilespmem:s26], [sflag:$0x2] =	stream.linear.gather [hbm4b:s12+s2], $0x80, $0x38;
	[tilespmem:$0x14800] =	vst v63  }
0x107: {  	s20 =	sadd.s32 s4, s19;
	s19 =	sand.u32 $0x1FFFFFF0, s30;
	s12 =	simm.s32 $0x10  }
.LBB2_5:
0x108: {  	p0 =	sne.s32 s9, $0x16000  }
0x109: {  	s21 =	sand.u32 $0x70, s12;
	s22 =	spop (v2sf);
	s23 =	smov.u32 s9  }
0x10a: {  	[tilespmem:s15], [sflag:$0x2] =	stream.linear.gather [hbm4b:s20+s2], $0x80, $0x38;
	[tilespmem:$0x14800] =	vst v63  }
0x10b: {  	s15 =	sadd.s32 s4, s19;
	s19 =	sand.u32 $0x1FFFFFF0, s22;
	s20 =	spop (v2sf)  }
0x10c: {  	[tilespmem:s16], [sflag:$0x2] =	stream.linear.gather [hbm4b:s15+s2], $0x80, $0x38;
	[tilespmem:$0x14800] =	vst v63  }
0x10d: {  	s15 =	sadd.s32 s4, s19;
	s16 =	sand.u32 $0x1FFFFFF0, s20;
	s19 =	spop (v2sf)  }
0x10e: {  	[tilespmem:s17], [sflag:$0x2] =	stream.linear.gather [hbm4b:s15+s2], $0x80, $0x38;
	[tilespmem:$0x14800] =	vst v63  }
0x10f: {  	s15 =	sadd.s32 s4, s16;
	s16 =	sand.u32 $0x1FFFFFF0, s19;
	s17 =	spop (v2sf)  }
0x110: {  	[tilespmem:s18], [sflag:$0x2] =	stream.linear.gather [hbm4b:s15+s2], $0x80, $0x38;
	[tilespmem:$0x14800] =	vst v63  }
0x111: {  	s11 =	sadd.s32 $0xEB00, s11;
	s15 =	sadd.s32 s4, s16;
	s16 =	sand.u32 $0x1FFFFFF0, s17  }
0x112: {  	[tilespmem:s11], [sflag:$0x2] =	stream.linear.gather [hbm4b:s15+s2], $0x80, $0x38;
	[tilespmem:$0x14800] =	vst v63  }
0x113: {  	s9 =	sadd.s32 $0x2000, s9;
	s11 =	sadd.s32 s21, s14;
	s14 =	sadd.s32 s4, s16  }
0x114: {  	[tilespmem:s13], [sflag:$0x2] =	stream.linear.gather [hbm4b:s14+s2], $0x80, $0x38;
	[tilespmem:$0x14800] =	vst v63  }
0x115: {  	v0 =	vld [tilespmem:s11+$0x0];
	_ =	sdelay $0x4  }
0x116: {  	v0 =	vshll.u32 v0, $0x4  }
0x117: {  	(v2sf) =	vpush v0, $0x0  }
0x118: {  	(v2sf) =	vpush v0, $0x1  }
0x119: {  	(v2sf) =	vpush v0, $0x2  }
0x11a: {  	(v2sf) =	vpush v0, $0x3;
	_ =	sdelay $0x1  }
0x11b: {  	(v2sf) =	vpush v0, $0x4;
	_ =	sdelay $0x1  }
0x11c: {  	s10 =	sadd.s32 $0x80, s10;
	(v2sf) =	vpush v0, $0x5  }
0x11d: {  	s14 =	sand.u32 $0x400, s10;
	s11 =	sshra.s32 s0, $0x2;
	s0 =	smov.u32 s23  }
0x11e: {  	s24 =	sadd.s32 $0xE480, s11;
	s20 =	sadd.s32 $0xE700, s11;
	s19 =	sadd.s32 $0xE780, s11;
	(v2sf) =	vpush v0, $0x6  }
0x11f: {  	s26 =	sadd.s32 $0xE400, s11;
	s28 =	sadd.s32 $0xE600, s11;
	s15 =	sadd.s32 $0xE900, s11  }
0x120: {  	s23 =	sadd.s32 $0xE680, s11;
	s16 =	sadd.s32 $0xE980, s11;
	s13 =	sadd.s32 $0xEB80, s11;
	(v2sf) =	vpush v0, $0x7  }
0x121: {  	s14 =	sadd.s32 s14, s31;
	s21 =	sadd.s32 $0xE800, s11;
	s17 =	sadd.s32 $0xEA00, s11  }
0x122: {  	s18 =	sadd.s32 $0xEA80, s11;
	(v2sf) =	vpush v0, $0x8  }
0x123: {  	s22 =	sadd.s32 $0xE880, s11  }
0x124: {  	s30 =	sadd.s32 $0xE580, s11;
	s1 =	spop (v2sf);
	(v2sf) =	vpush v0, $0x9  }
0x125: {  	s12 =	sadd.s32 $0x10, s12;
	s1 =	sand.u32 $0x1FFFFFF0, s1;
	s3 =	spop (v2sf)  }
0x126: {  	s5 =	sadd.s32 $0xE500, s11;
	s3 =	sand.u32 $0x1FFFFFF0, s3;
	s7 =	spop (v2sf);
	(v2sf) =	vpush v0, $0xA  }
0x127: {  	s1 =	sadd.s32 s4, s1;
	s7 =	sand.u32 $0x1FFFFFF0, s7;
	s8 =	spop (v2sf)  }
0x128: {  	[tilespmem:s26], [sflag:$0x2] =	stream.linear.gather [hbm4b:s1+s2], $0x80, $0x38;
	(v2sf) =	vpush v0, $0xB;
	[tilespmem:$0x14800] =	vst v63  }
0x129: {  	s1 =	sadd.s32 s4, s3;
	s3 =	sand.u32 $0x1FFFFFF0, s8;
	s8 =	spop (v2sf)  }
0x12a: {  	[tilespmem:s24], [sflag:$0x2] =	stream.linear.gather [hbm4b:s1+s2], $0x80, $0x38;
	[tilespmem:$0x14800] =	vst v63  }
0x12b: {  	s1 =	sadd.s32 s4, s7;
	s7 =	sand.u32 $0x1FFFFFF0, s8;
	s8 =	spop (v2sf)  }
0x12c: {  	[tilespmem:s5], [sflag:$0x2] =	stream.linear.gather [hbm4b:s1+s2], $0x80, $0x38;
	(v2sf) =	vpush v0, $0xC;
	[tilespmem:$0x14800] =	vst v63  }
0x12d: {  	s1 =	sadd.s32 s4, s3;
	s3 =	sand.u32 $0x1FFFFFF0, s8;
	s5 =	spop (v2sf)  }
0x12e: {  	[tilespmem:s30], [sflag:$0x2] =	stream.linear.gather [hbm4b:s1+s2], $0x80, $0x38;
	(v2sf) =	vpush v0, $0xD;
	[tilespmem:$0x14800] =	vst v63  }
0x12f: {  	s1 =	sadd.s32 s4, s7;
	s5 =	sand.u32 $0x1FFFFFF0, s5;
	s7 =	spop (v2sf)  }
0x130: {  	[tilespmem:s28], [sflag:$0x2] =	stream.linear.gather [hbm4b:s1+s2], $0x80, $0x38;
	(v2sf) =	vpush v0, $0xE;
	[tilespmem:$0x14800] =	vst v63  }
0x131: {  	s1 =	sadd.s32 s4, s3;
	s3 =	sand.u32 $0x1FFFFFF0, s7;
	s7 =	spop (v2sf)  }
0x132: {  	[tilespmem:s23], [sflag:$0x2] =	stream.linear.gather [hbm4b:s1+s2], $0x80, $0x38;
	(v2sf) =	vpush v0, $0xF;
	[tilespmem:$0x14800] =	vst v63  }
0x133: {  	s1 =	sadd.s32 s4, s5;
	s5 =	sand.u32 $0x1FFFFFF0, s7;
	s7 =	spop (v2sf)  }
0x134: {  	[tilespmem:s20], [sflag:$0x2] =	stream.linear.gather [hbm4b:s1+s2], $0x80, $0x38;
	[tilespmem:$0x14800] =	vst v63  }
0x135: {  	s1 =	sadd.s32 s4, s3;
	s3 =	sand.u32 $0x1FFFFFF0, s7;
	s7 =	spop (v2sf)  }
0x136: {  	[tilespmem:s19], [sflag:$0x2] =	stream.linear.gather [hbm4b:s1+s2], $0x80, $0x38;
	[tilespmem:$0x14800] =	vst v63  }
.Ltmp1:
0x137: {  	_ = 	snop;
	(pc) =	sbr.rel @p0 .LBB2_5-.Ltmp1, $4  }
0x138: {  	s1 =	sadd.s32 s4, s5;
	s5 =	sand.u32 $0x1FFFFFF0, s7;
	s7 =	spop (v2sf)  }
0x139: {  	[tilespmem:s21], [sflag:$0x2] =	stream.linear.gather [hbm4b:s1+s2], $0x80, $0x38;
	[tilespmem:$0x14800] =	vst v63  }
0x13a: {  	s20 =	sadd.s32 s4, s5;
	s1 =	sadd.s32 s4, s3;
	s19 =	sand.u32 $0x1FFFFFF0, s7  }
0x13b: {  	[tilespmem:s22], [sflag:$0x2] =	stream.linear.gather [hbm4b:s1+s2], $0x80, $0x38;
	[tilespmem:$0x14800] =	vst v63  }
0x13c: {  	[tilespmem:s15], [sflag:$0x2] =	stream.linear.gather [hbm4b:s20+s2], $0x80, $0x38;
	[tilespmem:$0x14800] =	vst v63  }
0x13d: {  	s1 =	sadd.s32 s4, s19;
	s21 =	spop (v2sf)  }
0x13e: {  	[tilespmem:s16], [sflag:$0x2] =	stream.linear.gather [hbm4b:s1+s2], $0x80, $0x38;
	[tilespmem:$0x14800] =	vst v63  }
0x13f: {  	s1 =	sand.u32 $0x1FFFFFF0, s21  }
0x140: {  	s22 =	spop (v2sf);
	s1 =	sadd.s32 s4, s1  }
0x141: {  	[tilespmem:s17], [sflag:$0x2] =	stream.linear.gather [hbm4b:s1+s2], $0x80, $0x38;
	[tilespmem:$0x14800] =	vst v63  }
0x142: {  	s1 =	sand.u32 $0x1FFFFFF0, s22  }
0x143: {  	s23 =	spop (v2sf);
	s1 =	sadd.s32 s4, s1  }
0x144: {  	[tilespmem:s18], [sflag:$0x2] =	stream.linear.gather [hbm4b:s1+s2], $0x80, $0x38;
	[tilespmem:$0x14800] =	vst v63  }
0x145: {  	s1 =	sand.u32 $0x1FFFFFF0, s23  }
0x146: {  	s3 =	sadd.s32 $0xEB00, s11;
	s24 =	spop (v2sf);
	s1 =	sadd.s32 s4, s1  }
0x147: {  	[tilespmem:s3], [sflag:$0x2] =	stream.linear.gather [hbm4b:s1+s2], $0x80, $0x38;
	[tilespmem:$0x14800] =	vst v63  }
0x148: {  	s1 =	sand.u32 $0x1FFFFFF0, s24  }
0x149: {  	s26 =	sand.u32 $0x70, s12;
	s1 =	sadd.s32 s4, s1  }
0x14a: {  	[tilespmem:s13], [sflag:$0x2] =	stream.linear.gather [hbm4b:s1+s2], $0x80, $0x38;
	[tilespmem:$0x14800] =	vst v63  }
0x14b: {  	s1 =	sadd.s32 s26, s14  }
0x14c: {  	v0 =	vld [tilespmem:s1+$0x0];
	_ =	sdelay $0x4  }
0x14d: {  	v0 =	vshll.u32 v0, $0x4  }
0x14e: {  	(v2sf) =	vpush v0, $0x0;
	_ =	sdelay $0x1  }
0x14f: {  	(v2sf) =	vpush v0, $0x1;
	_ =	sdelay $0x1  }
0x150: {  	(v2sf) =	vpush v0, $0x2;
	_ =	sdelay $0x2  }
0x151: {  	(v2sf) =	vpush v0, $0x3;
	_ =	sdelay $0x7  }
0x152: {  	s28 =	spop (v2sf);
	(v2sf) =	vpush v0, $0x4;
	_ =	sdelay $0x1  }
0x153: {  	s5 =	spop (v2sf);
	(v2sf) =	vpush v0, $0x5;
	_ =	sdelay $0x1  }
0x154: {  	s8 =	spop (v2sf);
	(v2sf) =	vpush v0, $0x6;
	_ =	sdelay $0x1  }
0x155: {  	s0 =	sshra.s32 s0, $0x2;
	s1 =	sand.u32 $0x1FFFFFF0, s28  }
0x156: {  	s30 =	sadd.s32 $0xE400, s0;
	s1 =	sadd.s32 s4, s1;
	s10 =	spop (v2sf);
	(v2sf) =	vpush v0, $0x7  }
0x157: {  	[tilespmem:s30], [sflag:$0x2] =	stream.linear.gather [hbm4b:s1+s2], $0x80, $0x38;
	[tilespmem:$0x14800] =	vst v63  }
0x158: {  	s1 =	sand.u32 $0x1FFFFFF0, s5  }
0x159: {  	s7 =	sadd.s32 $0xE480, s0;
	s1 =	sadd.s32 s4, s1  }
0x15a: {  	[tilespmem:s7], [sflag:$0x2] =	stream.linear.gather [hbm4b:s1+s2], $0x80, $0x38;
	[tilespmem:$0x14800] =	vst v63  }
0x15b: {  	s1 =	sand.u32 $0x1FFFFFF0, s8  }
0x15c: {  	s9 =	sadd.s32 $0xE500, s0;
	s1 =	sadd.s32 s4, s1  }
0x15d: {  	[tilespmem:s9], [sflag:$0x2] =	stream.linear.gather [hbm4b:s1+s2], $0x80, $0x38;
	[tilespmem:$0x14800] =	vst v63  }
0x15e: {  	s12 =	spop (v2sf);
	(v2sf) =	vpush v0, $0x8  }
0x15f: {  	s1 =	sand.u32 $0x1FFFFFF0, s10  }
0x160: {  	s11 =	sadd.s32 $0xE580, s0;
	s1 =	sadd.s32 s4, s1;
	s14 =	spop (v2sf);
	(v2sf) =	vpush v0, $0x9  }
0x161: {  	[tilespmem:s11], [sflag:$0x2] =	stream.linear.gather [hbm4b:s1+s2], $0x80, $0x38;
	[tilespmem:$0x14800] =	vst v63  }
0x162: {  	s1 =	sand.u32 $0x1FFFFFF0, s12;
	s16 =	spop (v2sf);
	(v2sf) =	vpush v0, $0xA  }
0x163: {  	s13 =	sadd.s32 $0xE600, s0;
	s1 =	sadd.s32 s4, s1  }
0x164: {  	[tilespmem:s13], [sflag:$0x2] =	stream.linear.gather [hbm4b:s1+s2], $0x80, $0x38;
	[tilespmem:$0x14800] =	vst v63  }
0x165: {  	s18 =	spop (v2sf);
	(v2sf) =	vpush v0, $0xB  }
0x166: {  	s1 =	sand.u32 $0x1FFFFFF0, s14  }
0x167: {  	s15 =	sadd.s32 $0xE680, s0;
	s1 =	sadd.s32 s4, s1  }
0x168: {  	[tilespmem:s15], [sflag:$0x2] =	stream.linear.gather [hbm4b:s1+s2], $0x80, $0x38;
	[tilespmem:$0x14800] =	vst v63  }
0x169: {  	s1 =	sand.u32 $0x1FFFFFF0, s16  }
0x16a: {  	s17 =	sadd.s32 $0xE700, s0;
	s1 =	sadd.s32 s4, s1  }
0x16b: {  	[tilespmem:s17], [sflag:$0x2] =	stream.linear.gather [hbm4b:s1+s2], $0x80, $0x38;
	[tilespmem:$0x14800] =	vst v63  }
0x16c: {  	s1 =	sand.u32 $0x1FFFFFF0, s18  }
0x16d: {  	s19 =	sadd.s32 $0xE780, s0;
	s1 =	sadd.s32 s4, s1;
	s20 =	spop (v2sf);
	(v2sf) =	vpush v0, $0xC  }
0x16e: {  	[tilespmem:s19], [sflag:$0x2] =	stream.linear.gather [hbm4b:s1+s2], $0x80, $0x38;
	[tilespmem:$0x14800] =	vst v63  }
0x16f: {  	s22 =	spop (v2sf);
	(v2sf) =	vpush v0, $0xD  }
0x170: {  	s1 =	sand.u32 $0x1FFFFFF0, s20  }
0x171: {  	s21 =	sadd.s32 $0xE800, s0;
	s1 =	sadd.s32 s4, s1;
	s24 =	spop (v2sf)  }
0x172: {  	(v2sf) =	vpush v0, $0xE;
	[tilespmem:s21], [sflag:$0x2] =	stream.linear.gather [hbm4b:s1+s2], $0x80, $0x38;
	[tilespmem:$0x14800] =	vst v63  }
0x173: {  	s1 =	sand.u32 $0x1FFFFFF0, s22  }
0x174: {  	s23 =	sadd.s32 $0xE880, s0;
	s28 =	spop (v2sf);
	s1 =	sadd.s32 s4, s1  }
0x175: {  	(v2sf) =	vpush v0, $0xF;
	[tilespmem:s23], [sflag:$0x2] =	stream.linear.gather [hbm4b:s1+s2], $0x80, $0x38;
	[tilespmem:$0x14800] =	vst v63  }
0x176: {  	s1 =	sand.u32 $0x1FFFFFF0, s24  }
0x177: {  	s26 =	sadd.s32 $0xE900, s0;
	s1 =	sadd.s32 s4, s1  }
0x178: {  	[tilespmem:s26], [sflag:$0x2] =	stream.linear.gather [hbm4b:s1+s2], $0x80, $0x38;
	[tilespmem:$0x14800] =	vst v63  }
0x179: {  	s1 =	sand.u32 $0x1FFFFFF0, s28  }
0x17a: {  	s30 =	sadd.s32 $0xE980, s0;
	s1 =	sadd.s32 s4, s1  }
0x17b: {  	[tilespmem:s30], [sflag:$0x2] =	stream.linear.gather [hbm4b:s1+s2], $0x80, $0x38;
	[tilespmem:$0x14800] =	vst v63  }
0x17c: {  	s5 =	spop (v2sf)  }
0x17d: {  	s1 =	sand.u32 $0x1FFFFFF0, s5  }
0x17e: {  	s7 =	sadd.s32 $0xEA00, s0;
	s8 =	spop (v2sf);
	s1 =	sadd.s32 s4, s1  }
0x17f: {  	[tilespmem:s7], [sflag:$0x2] =	stream.linear.gather [hbm4b:s1+s2], $0x80, $0x38;
	[tilespmem:$0x14800] =	vst v63  }
0x180: {  	s1 =	sand.u32 $0x1FFFFFF0, s8  }
0x181: {  	s9 =	sadd.s32 $0xEA80, s0;
	s10 =	spop (v2sf);
	s1 =	sadd.s32 s4, s1  }
0x182: {  	[tilespmem:s9], [sflag:$0x2] =	stream.linear.gather [hbm4b:s1+s2], $0x80, $0x38;
	[tilespmem:$0x14800] =	vst v63  }
0x183: {  	s1 =	sand.u32 $0x1FFFFFF0, s10  }
0x184: {  	s11 =	sadd.s32 $0xEB00, s0;
	s12 =	spop (v2sf);
	s1 =	sadd.s32 s4, s1  }
0x185: {  	[tilespmem:s11], [sflag:$0x2] =	stream.linear.gather [hbm4b:s1+s2], $0x80, $0x38;
	[tilespmem:$0x14800] =	vst v63  }
0x186: {  	s1 =	sand.u32 $0x1FFFFFF0, s12  }
0x187: {  	s0 =	sadd.s32 $0xEB80, s0;
	s1 =	sadd.s32 s4, s1  }
0x188: {  	[tilespmem:s0], [sflag:$0x2] =	stream.linear.gather [hbm4b:s1+s2], $0x80, $0x38;
	[tilespmem:$0x14800] =	vst v63  }
0x189: {  	v63 =	vld [tilespmem:s31+$0x440];
	_ =	sdelay $0x4  }
0x18a: {  	v0 =	vshll.u32 v63, $0x4  }
0x18b: {  	(v2sf) =	vpush v0, $0x0;
	_ =	sdelay $0x1  }
0x18c: {  	(v2sf) =	vpush v0, $0x1;
	_ =	sdelay $0x1  }
0x18d: {  	(v2sf) =	vpush v0, $0x2;
	_ =	sdelay $0x2  }
0x18e: {  	(v2sf) =	vpush v0, $0x3;
	_ =	sdelay $0x7  }
0x18f: {  	s13 =	spop (v2sf);
	(v2sf) =	vpush v0, $0x4;
	_ =	sdelay $0x1  }
0x190: {  	s15 =	spop (v2sf);
	(v2sf) =	vpush v0, $0x5  }
0x191: {  	s0 =	sand.u32 $0x1FFFFFF0, s13  }
0x192: {  	s14 =	simm.s32 $0x14400;
	s0 =	sadd.s32 s4, s0;
	s17 =	spop (v2sf)  }
0x193: {  	(v2sf) =	vpush v0, $0x6;
	[tilespmem:s14], [sflag:$0x2] =	stream.linear.gather [hbm4b:s0+s2], $0x80, $0x38;
	[tilespmem:$0x14800] =	vst v63  }
0x194: {  	s0 =	sand.u32 $0x1FFFFFF0, s15  }
0x195: {  	s16 =	simm.s32 $0x14480;
	s19 =	spop (v2sf);
	s0 =	sadd.s32 s4, s0  }
0x196: {  	(v2sf) =	vpush v0, $0x7;
	[tilespmem:s16], [sflag:$0x2] =	stream.linear.gather [hbm4b:s0+s2], $0x80, $0x38;
	[tilespmem:$0x14800] =	vst v63  }
0x197: {  	s0 =	sand.u32 $0x1FFFFFF0, s17  }
0x198: {  	s18 =	simm.s32 $0x14500;
	s0 =	sadd.s32 s4, s0  }
0x199: {  	[tilespmem:s18], [sflag:$0x2] =	stream.linear.gather [hbm4b:s0+s2], $0x80, $0x38;
	[tilespmem:$0x14800] =	vst v63  }
0x19a: {  	s0 =	sand.u32 $0x1FFFFFF0, s19  }
0x19b: {  	s20 =	simm.s32 $0x14580;
	s0 =	sadd.s32 s4, s0  }
0x19c: {  	[tilespmem:s20], [sflag:$0x2] =	stream.linear.gather [hbm4b:s0+s2], $0x80, $0x38;
	[tilespmem:$0x14800] =	vst v63  }
0x19d: {  	s21 =	spop (v2sf)  }
0x19e: {  	s0 =	sand.u32 $0x1FFFFFF0, s21  }
0x19f: {  	s22 =	simm.s32 $0x14600;
	s23 =	spop (v2sf);
	s0 =	sadd.s32 s4, s0  }
0x1a0: {  	[tilespmem:s22], [sflag:$0x2] =	stream.linear.gather [hbm4b:s0+s2], $0x80, $0x38;
	[tilespmem:$0x14800] =	vst v63  }
0x1a1: {  	s0 =	sand.u32 $0x1FFFFFF0, s23  }
0x1a2: {  	s24 =	simm.s32 $0x14680;
	s26 =	spop (v2sf);
	s0 =	sadd.s32 s4, s0  }
0x1a3: {  	[tilespmem:s24], [sflag:$0x2] =	stream.linear.gather [hbm4b:s0+s2], $0x80, $0x38;
	[tilespmem:$0x14800] =	vst v63  }
0x1a4: {  	s0 =	sand.u32 $0x1FFFFFF0, s26  }
0x1a5: {  	s28 =	simm.s32 $0x14700;
	s30 =	spop (v2sf);
	s0 =	sadd.s32 s4, s0  }
0x1a6: {  	[tilespmem:s28], [sflag:$0x2] =	stream.linear.gather [hbm4b:s0+s2], $0x80, $0x38;
	[tilespmem:$0x14800] =	vst v63  }
0x1a7: {  	s0 =	sand.u32 $0x1FFFFFF0, s30  }
0x1a8: {  	s31 =	simm.s32 $0x14780;
	s0 =	sadd.s32 s4, s0  }
0x1a9: {  	[tilespmem:s31], [sflag:$0x2] =	stream.linear.gather [hbm4b:s0+s2], $0x80, $0x38;
	[tilespmem:$0x14800] =	vst v63  }
0x1aa: {  	_ =	swait.ge [sflag:s25], $0x80  }
0x1ab: {  	s0 =	simm.s32 $0xC7;
	[sflag:s25] =	ssyncset.done $0x0  }
.LBB2_7:
0x1ac: {  	p0 =	sne.s32 s0, $0x1;
	s0 =	sadd.s32 $0xFFFFFFFF, s0;
	[sflag:s25] =	ssyncadd.s32 $0xFFFFFF80  }
.Ltmp2:
0x1ad: {  	(pc) =	sbr.rel @p0 .LBB2_7-.Ltmp2, $3  }
0x1ae: {  	_ =	sdelay $0x1  }
0x1af: {  	_ =	swait.ge [sflag:s25], $0x80  }
0x1b0: {  	[sflag:s25] =	ssyncset.done $0x0  }
0x1b1: {  	s0 =	rddreg [dreg:$0x3]  }
0x1b2: {  	s3 =	rddreg [dreg:$0x9]  }
0x1b3: {  	s0 =	sadd.s32 s0, s3  }
0x1b4: {  	[sflag:s25] =	ssyncadd.s32 $0xFFFFFF80;
	s0 =	smul.u32 $0xC80, s0  }
0x1b5: {  	s1 =	rddreg [dreg:$0x4];
	s30 =	simm.s32 $0x8000;
	p0 =	seq.s32 s6, $0x3F  }
.Ltmp3:
0x1b6: {  	s31 =	simm.s32 $0x3;
	s0 =	sadd.s32 s1, s0;
	(pc) =	sbr.rel @p0 .LBB2_12-.Ltmp3, $4  }
0x1b7: {  	[hbm4b:s0+s2] =	stream.linear.scatter [tilespmem:s30], [sflag:$0x3], $0x6400, $0x38;
	[tilespmem:$0x14800] =	vst v63  }
0x1b8: {  	_ =	swait.ge [sflag:s31], $0x6400  }
0x1b9: {  	[sflag:s31] =	ssyncset.done $0x0  }
0x1ba: {  	[sflag:s31] =	ssyncadd.s32 $0xFFFF9C00  }
0x1bb: {  	s0 =	sadd.s32 $0x2, s3  }
0x1bc: {  	s1 =	sshll.u32 s0, $0x8;
	s0 =	sshll.u32 s0, $0x7  }
0x1bd: {  	s15 =	simm.s32 $0x0;
	s1 =	sand.u32 $0xF800, s1;
	s0 =	sand.u32 $0x300, s0  }
0x1be: {  	s16 =	sand.u32 $0x400, s15;
	s8 =	sor.u32 s0, s1  }
0x1bf: {  	s17 =	sand.u32 $0x70, s15;
	s0 =	sadd.s32 s16, s8  }
0x1c0: {  	s0 =	sadd.s32 s17, s0  }
0x1c1: {  	v0 =	vld [tilespmem:s0+$0x0];
	_ =	sdelay $0x4  }
0x1c2: {  	v0 =	vshll.u32 v0, $0x4  }
0x1c3: {  	(v2sf) =	vpush v0, $0x0;
	_ =	sdelay $0x1  }
0x1c4: {  	(v2sf) =	vpush v0, $0x1  }
0x1c5: {  	(v2sf) =	vpush v0, $0x2;
	_ =	sdelay $0x1  }
0x1c6: {  	(v2sf) =	vpush v0, $0x3;
	_ =	sdelay $0x1  }
0x1c7: {  	(v2sf) =	vpush v0, $0x4;
	_ =	sdelay $0x1  }
0x1c8: {  	(v2sf) =	vpush v0, $0x5;
	_ =	sdelay $0x1  }
0x1c9: {  	(v2sf) =	vpush v0, $0x6;
	_ =	sdelay $0x1  }
0x1ca: {  	s9 =	simm.s32 $0x4000;
	s10 =	simm.s32 $0x80;
	s11 =	simm.s32 $0x0  }
0x1cb: {  	s18 =	simm.s32 $0x8080;
	s5 =	simm.s32 $0x8300;
	s7 =	simm.s32 $0x8380  }
0x1cc: {  	s13 =	simm.s32 $0x8000;
	s21 =	simm.s32 $0x8100;
	s12 =	spop (v2sf);
	(v2sf) =	vpush v0, $0x7  }
0x1cd: {  	s24 =	simm.s32 $0x8180;
	s28 =	simm.s32 $0x8280;
	s15 =	simm.s32 $0x8500  }
0x1ce: {  	s16 =	simm.s32 $0x8200;
	s12 =	sand.u32 $0x1FFFFFF0, s12;
	s14 =	spop (v2sf);
	(v2sf) =	vpush v0, $0x8  }
0x1cf: {  	s14 =	sand.u32 $0x1FFFFFF0, s14;
	s12 =	sadd.s32 s4, s12;
	(v2sf) =	vpush v0, $0x9;
	s19 =	spop (v2sf)  }
0x1d0: {  	[tilespmem:s13], [sflag:$0x1] =	stream.linear.gather [hbm4b:s12+s2], $0x80, $0x38;
	(v2sf) =	vpush v0, $0xA;
	[tilespmem:$0x14800] =	vst v63  }
0x1d1: {  	s20 =	sadd.s32 s4, s14;
	s12 =	sand.u32 $0x1FFFFFF0, s19;
	s22 =	spop (v2sf)  }
0x1d2: {  	[tilespmem:s18], [sflag:$0x1] =	stream.linear.gather [hbm4b:s20+s2], $0x80, $0x38;
	[tilespmem:$0x14800] =	vst v63  }
0x1d3: {  	s13 =	sand.u32 $0x1FFFFFF0, s22;
	s23 =	spop (v2sf);
	s12 =	sadd.s32 s4, s12  }
0x1d4: {  	(v2sf) =	vpush v0, $0xB;
	[tilespmem:s21], [sflag:$0x1] =	stream.linear.gather [hbm4b:s12+s2], $0x80, $0x38;
	[tilespmem:$0x14800] =	vst v63  }
0x1d5: {  	s26 =	sand.u32 $0x1FFFFFF0, s23;
	s13 =	sadd.s32 s4, s13;
	s30 =	spop (v2sf)  }
0x1d6: {  	[tilespmem:s24], [sflag:$0x1] =	stream.linear.gather [hbm4b:s13+s2], $0x80, $0x38;
	[tilespmem:$0x14800] =	vst v63  }
0x1d7: {  	s31 =	sand.u32 $0x1FFFFFF0, s30;
	s18 =	spop (v2sf);
	s12 =	sadd.s32 s4, s26  }
0x1d8: {  	[tilespmem:s16], [sflag:$0x1] =	stream.linear.gather [hbm4b:s12+s2], $0x80, $0x38;
	[tilespmem:$0x14800] =	vst v63  }
0x1d9: {  	s1 =	sand.u32 $0x400, s10;
	(v2sf) =	vpush v0, $0xC;
	s17 =	sand.u32 $0x1FFFFFF0, s18;
	s12 =	sadd.s32 s4, s31  }
0x1da: {  	[tilespmem:s28], [sflag:$0x1] =	stream.linear.gather [hbm4b:s12+s2], $0x80, $0x38;
	[tilespmem:$0x14800] =	vst v63  }
0x1db: {  	s0 =	simm.s32 $0x2000;
	s20 =	sadd.s32 s4, s17;
	s19 =	spop (v2sf);
	(v2sf) =	vpush v0, $0xD  }
0x1dc: {  	[tilespmem:s5], [sflag:$0x1] =	stream.linear.gather [hbm4b:s20+s2], $0x80, $0x38;
	[tilespmem:$0x14800] =	vst v63  }
0x1dd: {  	s14 =	sadd.s32 s1, s8;
	s21 =	simm.s32 $0x8400;
	s22 =	spop (v2sf);
	(v2sf) =	vpush v0, $0xE  }
0x1de: {  	s26 =	simm.s32 $0x8480;
	s18 =	simm.s32 $0x8680;
	s23 =	spop (v2sf)  }
0x1df: {  	s17 =	simm.s32 $0x8600;
	s1 =	sand.u32 $0x1FFFFFF0, s19;
	s28 =	spop (v2sf);
	(v2sf) =	vpush v0, $0xF  }
0x1e0: {  	s13 =	simm.s32 $0x8780;
	s16 =	simm.s32 $0x8580;
	s1 =	sadd.s32 s4, s1  }
0x1e1: {  	[tilespmem:s7], [sflag:$0x1] =	stream.linear.gather [hbm4b:s1+s2], $0x80, $0x38;
	[tilespmem:$0x14800] =	vst v63  }
0x1e2: {  	s12 =	simm.s32 $0x10;
	s5 =	sand.u32 $0x1FFFFFF0, s22;
	s24 =	sand.u32 $0x1FFFFFF0, s23  }
0x1e3: {  	s5 =	sadd.s32 s4, s5;
	s30 =	sand.u32 $0x1FFFFFF0, s28;
	s31 =	spop (v2sf)  }
0x1e4: {  	[tilespmem:s21], [sflag:$0x1] =	stream.linear.gather [hbm4b:s5+s2], $0x80, $0x38;
	[tilespmem:$0x14800] =	vst v63  }
0x1e5: {  	s1 =	sadd.s32 s4, s24;
	s20 =	sadd.s32 s4, s30;
	s19 =	sand.u32 $0x1FFFFFF0, s31  }
0x1e6: {  	[tilespmem:s26], [sflag:$0x1] =	stream.linear.gather [hbm4b:s1+s2], $0x80, $0x38;
	[tilespmem:$0x14800] =	vst v63  }
.LBB2_10:
0x1e7: {  	p0 =	sne.s32 s9, $0x16000  }
0x1e8: {  	s1 =	sand.u32 $0x70, s12;
	s3 =	spop (v2sf);
	s5 =	smov.u32 s9  }
0x1e9: {  	[tilespmem:s15], [sflag:$0x1] =	stream.linear.gather [hbm4b:s20+s2], $0x80, $0x38;
	[tilespmem:$0x14800] =	vst v63  }
0x1ea: {  	s7 =	sadd.s32 s4, s19;
	s3 =	sand.u32 $0x1FFFFFF0, s3;
	s15 =	spop (v2sf)  }
0x1eb: {  	[tilespmem:s16], [sflag:$0x1] =	stream.linear.gather [hbm4b:s7+s2], $0x80, $0x38;
	[tilespmem:$0x14800] =	vst v63  }
0x1ec: {  	s3 =	sadd.s32 s4, s3;
	s7 =	sand.u32 $0x1FFFFFF0, s15;
	s15 =	spop (v2sf)  }
0x1ed: {  	[tilespmem:s17], [sflag:$0x1] =	stream.linear.gather [hbm4b:s3+s2], $0x80, $0x38;
	[tilespmem:$0x14800] =	vst v63  }
0x1ee: {  	s3 =	sadd.s32 s4, s7;
	s7 =	sand.u32 $0x1FFFFFF0, s15;
	s15 =	spop (v2sf)  }
0x1ef: {  	[tilespmem:s18], [sflag:$0x1] =	stream.linear.gather [hbm4b:s3+s2], $0x80, $0x38;
	[tilespmem:$0x14800] =	vst v63  }
0x1f0: {  	s7 =	sadd.s32 s4, s7;
	s3 =	sadd.s32 $0x8700, s11;
	s11 =	sand.u32 $0x1FFFFFF0, s15  }
0x1f1: {  	[tilespmem:s3], [sflag:$0x1] =	stream.linear.gather [hbm4b:s7+s2], $0x80, $0x38;
	[tilespmem:$0x14800] =	vst v63  }
0x1f2: {  	s9 =	sadd.s32 $0x2000, s9;
	s1 =	sadd.s32 s1, s14;
	s3 =	sadd.s32 s4, s11  }
0x1f3: {  	[tilespmem:s13], [sflag:$0x1] =	stream.linear.gather [hbm4b:s3+s2], $0x80, $0x38;
	[tilespmem:$0x14800] =	vst v63  }
0x1f4: {  	v0 =	vld [tilespmem:s1+$0x0];
	_ =	sdelay $0x4  }
0x1f5: {  	v0 =	vshll.u32 v0, $0x4  }
0x1f6: {  	(v2sf) =	vpush v0, $0x0  }
0x1f7: {  	(v2sf) =	vpush v0, $0x1  }
0x1f8: {  	(v2sf) =	vpush v0, $0x2  }
0x1f9: {  	(v2sf) =	vpush v0, $0x3;
	_ =	sdelay $0x1  }
0x1fa: {  	(v2sf) =	vpush v0, $0x4;
	_ =	sdelay $0x1  }
0x1fb: {  	s10 =	sadd.s32 $0x80, s10;
	(v2sf) =	vpush v0, $0x5  }
0x1fc: {  	s11 =	sshra.s32 s0, $0x2;
	s0 =	smov.u32 s5;
	s1 =	sand.u32 $0x400, s10  }
0x1fd: {  	s20 =	sadd.s32 $0x8300, s11;
	s19 =	sadd.s32 $0x8380, s11;
	s3 =	sadd.s32 $0x8080, s11;
	(v2sf) =	vpush v0, $0x6  }
0x1fe: {  	s5 =	sadd.s32 $0x8000, s11;
	s7 =	sadd.s32 $0x8200, s11;
	s15 =	sadd.s32 $0x8500, s11  }
0x1ff: {  	s23 =	sadd.s32 $0x8280, s11;
	s16 =	sadd.s32 $0x8580, s11;
	s13 =	sadd.s32 $0x8780, s11;
	(v2sf) =	vpush v0, $0x7  }
0x200: {  	s21 =	sadd.s32 $0x8400, s11;
	s17 =	sadd.s32 $0x8600, s11;
	s14 =	sadd.s32 s1, s8  }
0x201: {  	s18 =	sadd.s32 $0x8680, s11;
	(v2sf) =	vpush v0, $0x8  }
0x202: {  	s22 =	sadd.s32 $0x8480, s11  }
0x203: {  	s1 =	sadd.s32 $0x8180, s11;
	s24 =	spop (v2sf);
	(v2sf) =	vpush v0, $0x9  }
0x204: {  	s12 =	sadd.s32 $0x10, s12;
	s24 =	sand.u32 $0x1FFFFFF0, s24;
	s26 =	spop (v2sf)  }
0x205: {  	s28 =	sadd.s32 $0x8100, s11;
	s26 =	sand.u32 $0x1FFFFFF0, s26;
	s30 =	spop (v2sf);
	(v2sf) =	vpush v0, $0xA  }
0x206: {  	s24 =	sadd.s32 s4, s24;
	s30 =	sand.u32 $0x1FFFFFF0, s30;
	s31 =	spop (v2sf)  }
0x207: {  	[tilespmem:s5], [sflag:$0x1] =	stream.linear.gather [hbm4b:s24+s2], $0x80, $0x38;
	(v2sf) =	vpush v0, $0xB;
	[tilespmem:$0x14800] =	vst v63  }
0x208: {  	s5 =	sadd.s32 s4, s26;
	s24 =	sand.u32 $0x1FFFFFF0, s31;
	s26 =	spop (v2sf)  }
0x209: {  	[tilespmem:s3], [sflag:$0x1] =	stream.linear.gather [hbm4b:s5+s2], $0x80, $0x38;
	[tilespmem:$0x14800] =	vst v63  }
0x20a: {  	s3 =	sadd.s32 s4, s30;
	s5 =	sand.u32 $0x1FFFFFF0, s26;
	s26 =	spop (v2sf)  }
0x20b: {  	[tilespmem:s28], [sflag:$0x1] =	stream.linear.gather [hbm4b:s3+s2], $0x80, $0x38;
	(v2sf) =	vpush v0, $0xC;
	[tilespmem:$0x14800] =	vst v63  }
0x20c: {  	s3 =	sadd.s32 s4, s24;
	s24 =	sand.u32 $0x1FFFFFF0, s26;
	s26 =	spop (v2sf)  }
0x20d: {  	[tilespmem:s1], [sflag:$0x1] =	stream.linear.gather [hbm4b:s3+s2], $0x80, $0x38;
	(v2sf) =	vpush v0, $0xD;
	[tilespmem:$0x14800] =	vst v63  }
0x20e: {  	s1 =	sadd.s32 s4, s5;
	s3 =	sand.u32 $0x1FFFFFF0, s26;
	s5 =	spop (v2sf)  }
0x20f: {  	[tilespmem:s7], [sflag:$0x1] =	stream.linear.gather [hbm4b:s1+s2], $0x80, $0x38;
	(v2sf) =	vpush v0, $0xE;
	[tilespmem:$0x14800] =	vst v63  }
0x210: {  	s1 =	sadd.s32 s4, s24;
	s5 =	sand.u32 $0x1FFFFFF0, s5;
	s7 =	spop (v2sf)  }
0x211: {  	[tilespmem:s23], [sflag:$0x1] =	stream.linear.gather [hbm4b:s1+s2], $0x80, $0x38;
	(v2sf) =	vpush v0, $0xF;
	[tilespmem:$0x14800] =	vst v63  }
0x212: {  	s1 =	sadd.s32 s4, s3;
	s3 =	sand.u32 $0x1FFFFFF0, s7;
	s7 =	spop (v2sf)  }
0x213: {  	[tilespmem:s20], [sflag:$0x1] =	stream.linear.gather [hbm4b:s1+s2], $0x80, $0x38;
	[tilespmem:$0x14800] =	vst v63  }
0x214: {  	s1 =	sadd.s32 s4, s5;
	s5 =	sand.u32 $0x1FFFFFF0, s7;
	s7 =	spop (v2sf)  }
0x215: {  	[tilespmem:s19], [sflag:$0x1] =	stream.linear.gather [hbm4b:s1+s2], $0x80, $0x38;
	[tilespmem:$0x14800] =	vst v63  }
.Ltmp4:
0x216: {  	_ = 	snop;
	(pc) =	sbr.rel @p0 .LBB2_10-.Ltmp4, $4  }
0x217: {  	s1 =	sadd.s32 s4, s3;
	s3 =	sand.u32 $0x1FFFFFF0, s7;
	s7 =	spop (v2sf)  }
0x218: {  	[tilespmem:s21], [sflag:$0x1] =	stream.linear.gather [hbm4b:s1+s2], $0x80, $0x38;
	[tilespmem:$0x14800] =	vst v63  }
0x219: {  	s20 =	sadd.s32 s4, s3;
	s1 =	sadd.s32 s4, s5;
	s19 =	sand.u32 $0x1FFFFFF0, s7  }
0x21a: {  	[tilespmem:s22], [sflag:$0x1] =	stream.linear.gather [hbm4b:s1+s2], $0x80, $0x38;
	[tilespmem:$0x14800] =	vst v63  }
0x21b: {  	[tilespmem:s15], [sflag:$0x1] =	stream.linear.gather [hbm4b:s20+s2], $0x80, $0x38;
	[tilespmem:$0x14800] =	vst v63  }
0x21c: {  	s1 =	sadd.s32 s4, s19;
	s22 =	spop (v2sf)  }
0x21d: {  	[tilespmem:s16], [sflag:$0x1] =	stream.linear.gather [hbm4b:s1+s2], $0x80, $0x38;
	[tilespmem:$0x14800] =	vst v63  }
0x21e: {  	s1 =	sand.u32 $0x1FFFFFF0, s22  }
0x21f: {  	s23 =	spop (v2sf);
	s1 =	sadd.s32 s4, s1  }
0x220: {  	[tilespmem:s17], [sflag:$0x1] =	stream.linear.gather [hbm4b:s1+s2], $0x80, $0x38;
	[tilespmem:$0x14800] =	vst v63  }
0x221: {  	s1 =	sand.u32 $0x1FFFFFF0, s23  }
0x222: {  	s24 =	spop (v2sf);
	s1 =	sadd.s32 s4, s1  }
0x223: {  	[tilespmem:s18], [sflag:$0x1] =	stream.linear.gather [hbm4b:s1+s2], $0x80, $0x38;
	[tilespmem:$0x14800] =	vst v63  }
0x224: {  	s1 =	sand.u32 $0x1FFFFFF0, s24  }
0x225: {  	s3 =	sadd.s32 $0x8700, s11;
	s26 =	spop (v2sf);
	s1 =	sadd.s32 s4, s1  }
0x226: {  	[tilespmem:s3], [sflag:$0x1] =	stream.linear.gather [hbm4b:s1+s2], $0x80, $0x38;
	[tilespmem:$0x14800] =	vst v63  }
0x227: {  	s1 =	sand.u32 $0x1FFFFFF0, s26  }
0x228: {  	s28 =	sand.u32 $0x70, s12;
	s1 =	sadd.s32 s4, s1  }
0x229: {  	[tilespmem:s13], [sflag:$0x1] =	stream.linear.gather [hbm4b:s1+s2], $0x80, $0x38;
	[tilespmem:$0x14800] =	vst v63  }
0x22a: {  	s1 =	sadd.s32 s28, s14  }
0x22b: {  	v0 =	vld [tilespmem:s1+$0x0];
	_ =	sdelay $0x4  }
0x22c: {  	v0 =	vshll.u32 v0, $0x4  }
0x22d: {  	(v2sf) =	vpush v0, $0x0;
	_ =	sdelay $0x1  }
0x22e: {  	(v2sf) =	vpush v0, $0x1;
	_ =	sdelay $0x1  }
0x22f: {  	(v2sf) =	vpush v0, $0x2;
	_ =	sdelay $0x2  }
0x230: {  	(v2sf) =	vpush v0, $0x3;
	_ =	sdelay $0x7  }
0x231: {  	s30 =	spop (v2sf);
	(v2sf) =	vpush v0, $0x4;
	_ =	sdelay $0x1  }
0x232: {  	s5 =	spop (v2sf);
	(v2sf) =	vpush v0, $0x5;
	_ =	sdelay $0x1  }
0x233: {  	s9 =	spop (v2sf);
	(v2sf) =	vpush v0, $0x6;
	_ =	sdelay $0x1  }
0x234: {  	s0 =	sshra.s32 s0, $0x2;
	s1 =	sand.u32 $0x1FFFFFF0, s30  }
0x235: {  	s31 =	sadd.s32 $0x8000, s0;
	s1 =	sadd.s32 s4, s1;
	s11 =	spop (v2sf);
	(v2sf) =	vpush v0, $0x7  }
0x236: {  	[tilespmem:s31], [sflag:$0x1] =	stream.linear.gather [hbm4b:s1+s2], $0x80, $0x38;
	[tilespmem:$0x14800] =	vst v63  }
0x237: {  	s1 =	sand.u32 $0x1FFFFFF0, s5  }
0x238: {  	s7 =	sadd.s32 $0x8080, s0;
	s1 =	sadd.s32 s4, s1  }
0x239: {  	[tilespmem:s7], [sflag:$0x1] =	stream.linear.gather [hbm4b:s1+s2], $0x80, $0x38;
	[tilespmem:$0x14800] =	vst v63  }
0x23a: {  	s1 =	sand.u32 $0x1FFFFFF0, s9  }
0x23b: {  	s10 =	sadd.s32 $0x8100, s0;
	s1 =	sadd.s32 s4, s1  }
0x23c: {  	[tilespmem:s10], [sflag:$0x1] =	stream.linear.gather [hbm4b:s1+s2], $0x80, $0x38;
	[tilespmem:$0x14800] =	vst v63  }
0x23d: {  	s13 =	spop (v2sf);
	(v2sf) =	vpush v0, $0x8  }
0x23e: {  	s1 =	sand.u32 $0x1FFFFFF0, s11  }
0x23f: {  	s12 =	sadd.s32 $0x8180, s0;
	s1 =	sadd.s32 s4, s1;
	s15 =	spop (v2sf);
	(v2sf) =	vpush v0, $0x9  }
0x240: {  	[tilespmem:s12], [sflag:$0x1] =	stream.linear.gather [hbm4b:s1+s2], $0x80, $0x38;
	[tilespmem:$0x14800] =	vst v63  }
0x241: {  	s1 =	sand.u32 $0x1FFFFFF0, s13;
	s17 =	spop (v2sf);
	(v2sf) =	vpush v0, $0xA  }
0x242: {  	s14 =	sadd.s32 $0x8200, s0;
	s1 =	sadd.s32 s4, s1  }
0x243: {  	[tilespmem:s14], [sflag:$0x1] =	stream.linear.gather [hbm4b:s1+s2], $0x80, $0x38;
	[tilespmem:$0x14800] =	vst v63  }
0x244: {  	s19 =	spop (v2sf);
	(v2sf) =	vpush v0, $0xB  }
0x245: {  	s1 =	sand.u32 $0x1FFFFFF0, s15  }
0x246: {  	s16 =	sadd.s32 $0x8280, s0;
	s1 =	sadd.s32 s4, s1  }
0x247: {  	[tilespmem:s16], [sflag:$0x1] =	stream.linear.gather [hbm4b:s1+s2], $0x80, $0x38;
	[tilespmem:$0x14800] =	vst v63  }
0x248: {  	s1 =	sand.u32 $0x1FFFFFF0, s17  }
0x249: {  	s18 =	sadd.s32 $0x8300, s0;
	s1 =	sadd.s32 s4, s1  }
0x24a: {  	[tilespmem:s18], [sflag:$0x1] =	stream.linear.gather [hbm4b:s1+s2], $0x80, $0x38;
	[tilespmem:$0x14800] =	vst v63  }
0x24b: {  	s1 =	sand.u32 $0x1FFFFFF0, s19  }
0x24c: {  	s20 =	sadd.s32 $0x8380, s0;
	s1 =	sadd.s32 s4, s1;
	s21 =	spop (v2sf);
	(v2sf) =	vpush v0, $0xC  }
0x24d: {  	[tilespmem:s20], [sflag:$0x1] =	stream.linear.gather [hbm4b:s1+s2], $0x80, $0x38;
	[tilespmem:$0x14800] =	vst v63  }
0x24e: {  	s23 =	spop (v2sf);
	(v2sf) =	vpush v0, $0xD  }
0x24f: {  	s1 =	sand.u32 $0x1FFFFFF0, s21  }
0x250: {  	s22 =	sadd.s32 $0x8400, s0;
	s1 =	sadd.s32 s4, s1;
	s26 =	spop (v2sf)  }
0x251: {  	(v2sf) =	vpush v0, $0xE;
	[tilespmem:s22], [sflag:$0x1] =	stream.linear.gather [hbm4b:s1+s2], $0x80, $0x38;
	[tilespmem:$0x14800] =	vst v63  }
0x252: {  	s1 =	sand.u32 $0x1FFFFFF0, s23  }
0x253: {  	s24 =	sadd.s32 $0x8480, s0;
	s30 =	spop (v2sf);
	s1 =	sadd.s32 s4, s1  }
0x254: {  	(v2sf) =	vpush v0, $0xF;
	[tilespmem:s24], [sflag:$0x1] =	stream.linear.gather [hbm4b:s1+s2], $0x80, $0x38;
	[tilespmem:$0x14800] =	vst v63  }
0x255: {  	s1 =	sand.u32 $0x1FFFFFF0, s26  }
0x256: {  	s28 =	sadd.s32 $0x8500, s0;
	s1 =	sadd.s32 s4, s1  }
0x257: {  	[tilespmem:s28], [sflag:$0x1] =	stream.linear.gather [hbm4b:s1+s2], $0x80, $0x38;
	[tilespmem:$0x14800] =	vst v63  }
0x258: {  	s1 =	sand.u32 $0x1FFFFFF0, s30  }
0x259: {  	s31 =	sadd.s32 $0x8580, s0;
	s1 =	sadd.s32 s4, s1  }
0x25a: {  	[tilespmem:s31], [sflag:$0x1] =	stream.linear.gather [hbm4b:s1+s2], $0x80, $0x38;
	[tilespmem:$0x14800] =	vst v63  }
0x25b: {  	s3 =	spop (v2sf)  }
0x25c: {  	s1 =	sand.u32 $0x1FFFFFF0, s3  }
0x25d: {  	s5 =	sadd.s32 $0x8600, s0;
	s7 =	spop (v2sf);
	s1 =	sadd.s32 s4, s1  }
0x25e: {  	[tilespmem:s5], [sflag:$0x1] =	stream.linear.gather [hbm4b:s1+s2], $0x80, $0x38;
	[tilespmem:$0x14800] =	vst v63  }
0x25f: {  	s1 =	sand.u32 $0x1FFFFFF0, s7  }
0x260: {  	s9 =	sadd.s32 $0x8680, s0;
	s10 =	spop (v2sf);
	s1 =	sadd.s32 s4, s1  }
0x261: {  	[tilespmem:s9], [sflag:$0x1] =	stream.linear.gather [hbm4b:s1+s2], $0x80, $0x38;
	[tilespmem:$0x14800] =	vst v63  }
0x262: {  	s1 =	sand.u32 $0x1FFFFFF0, s10  }
0x263: {  	s11 =	sadd.s32 $0x8700, s0;
	s12 =	spop (v2sf);
	s1 =	sadd.s32 s4, s1  }
0x264: {  	[tilespmem:s11], [sflag:$0x1] =	stream.linear.gather [hbm4b:s1+s2], $0x80, $0x38;
	[tilespmem:$0x14800] =	vst v63  }
0x265: {  	s1 =	sand.u32 $0x1FFFFFF0, s12  }
0x266: {  	s0 =	sadd.s32 $0x8780, s0;
	s1 =	sadd.s32 s4, s1  }
0x267: {  	[tilespmem:s0], [sflag:$0x1] =	stream.linear.gather [hbm4b:s1+s2], $0x80, $0x38;
	[tilespmem:$0x14800] =	vst v63  }
0x268: {  	v63 =	vld [tilespmem:s8+$0x440];
	_ =	sdelay $0x4  }
0x269: {  	v0 =	vshll.u32 v63, $0x4  }
0x26a: {  	(v2sf) =	vpush v0, $0x0;
	_ =	sdelay $0x1  }
0x26b: {  	(v2sf) =	vpush v0, $0x1;
	_ =	sdelay $0x1  }
0x26c: {  	(v2sf) =	vpush v0, $0x2;
	_ =	sdelay $0x2  }
0x26d: {  	(v2sf) =	vpush v0, $0x3;
	_ =	sdelay $0x7  }
0x26e: {  	s13 =	spop (v2sf);
	(v2sf) =	vpush v0, $0x4;
	_ =	sdelay $0x1  }
0x26f: {  	s15 =	spop (v2sf);
	(v2sf) =	vpush v0, $0x5  }
0x270: {  	s0 =	sand.u32 $0x1FFFFFF0, s13  }
0x271: {  	s14 =	simm.s32 $0xE000;
	s0 =	sadd.s32 s4, s0;
	s17 =	spop (v2sf)  }
0x272: {  	(v2sf) =	vpush v0, $0x6;
	[tilespmem:s14], [sflag:$0x1] =	stream.linear.gather [hbm4b:s0+s2], $0x80, $0x38;
	[tilespmem:$0x14800] =	vst v63  }
0x273: {  	s0 =	sand.u32 $0x1FFFFFF0, s15  }
0x274: {  	s16 =	simm.s32 $0xE080;
	s19 =	spop (v2sf);
	s0 =	sadd.s32 s4, s0  }
0x275: {  	(v2sf) =	vpush v0, $0x7;
	[tilespmem:s16], [sflag:$0x1] =	stream.linear.gather [hbm4b:s0+s2], $0x80, $0x38;
	[tilespmem:$0x14800] =	vst v63  }
0x276: {  	s0 =	sand.u32 $0x1FFFFFF0, s17  }
0x277: {  	s18 =	simm.s32 $0xE100;
	s0 =	sadd.s32 s4, s0  }
0x278: {  	[tilespmem:s18], [sflag:$0x1] =	stream.linear.gather [hbm4b:s0+s2], $0x80, $0x38;
	[tilespmem:$0x14800] =	vst v63  }
0x279: {  	s0 =	sand.u32 $0x1FFFFFF0, s19  }
0x27a: {  	s20 =	simm.s32 $0xE180;
	s0 =	sadd.s32 s4, s0  }
0x27b: {  	[tilespmem:s20], [sflag:$0x1] =	stream.linear.gather [hbm4b:s0+s2], $0x80, $0x38;
	[tilespmem:$0x14800] =	vst v63  }
0x27c: {  	s21 =	spop (v2sf)  }
0x27d: {  	s0 =	sand.u32 $0x1FFFFFF0, s21  }
0x27e: {  	s22 =	simm.s32 $0xE200;
	s23 =	spop (v2sf);
	s0 =	sadd.s32 s4, s0  }
0x27f: {  	[tilespmem:s22], [sflag:$0x1] =	stream.linear.gather [hbm4b:s0+s2], $0x80, $0x38;
	[tilespmem:$0x14800] =	vst v63  }
0x280: {  	s0 =	sand.u32 $0x1FFFFFF0, s23  }
0x281: {  	s24 =	simm.s32 $0xE280;
	s26 =	spop (v2sf);
	s0 =	sadd.s32 s4, s0  }
0x282: {  	[tilespmem:s24], [sflag:$0x1] =	stream.linear.gather [hbm4b:s0+s2], $0x80, $0x38;
	[tilespmem:$0x14800] =	vst v63  }
0x283: {  	s0 =	sand.u32 $0x1FFFFFF0, s26  }
0x284: {  	s28 =	simm.s32 $0xE300;
	s30 =	spop (v2sf);
	s0 =	sadd.s32 s4, s0  }
0x285: {  	[tilespmem:s28], [sflag:$0x1] =	stream.linear.gather [hbm4b:s0+s2], $0x80, $0x38;
	[tilespmem:$0x14800] =	vst v63  }
0x286: {  	s0 =	sand.u32 $0x1FFFFFF0, s30  }
0x287: {  	s31 =	simm.s32 $0xE380;
	s0 =	sadd.s32 s4, s0  }
0x288: {  	[tilespmem:s31], [sflag:$0x1] =	stream.linear.gather [hbm4b:s0+s2], $0x80, $0x38;
	[tilespmem:$0x14800] =	vst v63  }
.LBB2_12:
0x289: {  	_ =	swait.ge [sflag:s29], $0x80  }
0x28a: {  	s0 =	simm.s32 $0xC7;
	[sflag:s29] =	ssyncset.done $0x0  }
.LBB2_13:
0x28b: {  	p0 =	sne.s32 s0, $0x1;
	s0 =	sadd.s32 $0xFFFFFFFF, s0;
	[sflag:s29] =	ssyncadd.s32 $0xFFFFFF80  }
.Ltmp5:
0x28c: {  	(pc) =	sbr.rel @p0 .LBB2_13-.Ltmp5, $3  }
0x28d: {  	_ =	sdelay $0x1  }
0x28e: {  	_ =	swait.ge [sflag:s29], $0x80  }
0x28f: {  	[sflag:s29] =	ssyncset.done $0x0  }
0x290: {  	s0 =	rddreg [dreg:$0x3];
	s6 =	sadd.s32 $0x1, s6  }
0x291: {  	s1 =	rddreg [dreg:$0x8];
	p0 =	sne.s32 s6, $0x40  }
.Ltmp6:
0x292: {  	s0 =	sadd.s32 s0, s1;
	(pc) =	sbr.rel @p0 .LBB2_4-.Ltmp6, $4  }
0x293: {  	s0 =	smul.u32 $0xC80, s0  }
0x294: {  	s30 =	rddreg [dreg:$0x4]  }
0x295: {  	[sflag:s29] =	ssyncadd.s32 $0xFFFFFF80;
	s31 =	simm.s32 $0xE400;
	s0 =	sadd.s32 s30, s0  }
0x296: {  	[hbm4b:s0+s2] =	stream.linear.scatter [tilespmem:s31], [sflag:$0x4], $0x6400, $0x38;
	[tilespmem:$0x14800] =	vst v63  }
0x297: {  	s1 =	simm.s32 $0x4  }
0x298: {  	_ =	swait.ge [sflag:s1], $0x6400  }
0x299: {  	s3 =	rddreg [dreg:$0x7]  }
0x29a: {  	s0 =	rddreg [dreg:$0x6];
	s3 =	sadd.s32 $0x1, s3  }
0x29b: {  	p0 =	sne.s32 s3, s0  }
.Ltmp7:
0x29c: {  	_ = 	snop;
	(pc) =	sbr.rel @p0 .LBB2_1-.Ltmp7, $3  }
0x29d: {  	_ =	sdelay $0x1  }
0x29e: {  	[sflag:s1] =	ssyncset.done $0x0  }
0x29f: {  	[sflag:s1] =	ssyncadd.s32 $0xFFFF9C00  }
0x2a0: {  	_ =	sfence.sel $0x180000  }
0x2a1: {  	[bflag:$0x0] =	sbarrier.arrive $0xFFFF  }
0x2a2: {  	_ =	strace $0x90000047  }
0x2a3: {  	s0 =	stileid.u32;
	[bflag:$0x2] =	sbarrier.arrive $0xFFFF  }
0x2a4: {  	p0 =	sne.s32 s0, $0x0;
	s0 =	rddreg [dreg:$0x2]  }
0x2a5: {  	s0 =	sadd.s32 @!p0 $0x100000, s0  }
0x2a6: {  	[sflag:s0] =	ssyncadd.tile.s32 @!p0 $0x1;
	_ =	shalt  }
.Lfunc_end2:
_tile_overlayer_lowered:
.L_overlay_start_2:
0x2a7: {  	(tag) =	ssettag $0x2  }
0x2a8: {  	s0 =	rddreg [dreg:$0x0];
	s2 =	stileid.u32  }
0x2a9: {  	s1 =	rddreg [dreg:$0x1];
	p0 =	sne.s32 s2, $0x0  }
0x2aa: {  	s3 =	rddreg [dreg:$0x2];
	[bflag:$0x3] =	sbarrier.arrive $0xFFFF;
	s2 =	simm.s32 @!p0 $0x1C05  }
0x2ab: {  	[timem:s3], [sflag:s2] =	dma.local @!p0 [hbm:s0], s1  }
0x2ac: {  	s0 =	simm.s32 @!p0 $0x5  }
0x2ad: {  	_ =	swait.ge @!p0 [sflag:s0], s1  }
0x2ae: {  	s1 =	ssub.s32 @!p0 $0x0, s1;
	[sflag:s0] =	ssyncset.done @!p0 $0x0  }
0x2af: {  	[sflag:s0] =	ssyncadd.s32 @!p0 s1  }
0x2b0: {  	[bflag:$0x3] =	sbarrier.arrive $0xFFFF  }
0x2b1: {  	_ =	shalt  }

</sc_bundles>
